<compile_context>
chip_gen: v7x
topology: tpu7x:2x2x1
jax: 0.10.2.dev20260603
libtpu: 0.0.44.dev20260713+nightly
codegen_flags: <defaults>
</compile_context>

<pallas_src>
import functools

import jax
import jax.numpy as jnp
from jax import lax
from jax.experimental import pallas as pl
from jax.experimental.pallas import tpu as pltpu
from jax.experimental.pallas import tpu_sc as plsc

B = 16384
ND = 16
NC = 2
NS = 16
NW = NC * NS
BPW = B // NW
WAVE = 16
NWAVE = BPW // WAVE
TILE = 128


def _softplus_neg(d):
    q = jnp.exp(-jnp.abs(d))
    t = q / (2.0 + q)
    t2 = t * t
    poly = 1.0 + t2 * (
        (1.0 / 3.0) + t2 * ((1.0 / 5.0) + t2 * ((1.0 / 7.0) + t2 * (1.0 / 9.0)))
    )
    return jnp.maximum(-d, 0.0) + 2.0 * t * poly


def _sc_body(user_t, item_t, uids_hbm, pids_hbm, nids_hbm, part_hbm,
             idx_u, idx_p, idx_n, u_blk, p_blk, n_blk, s_v, sem):
    wid = lax.axis_index("s") * NC + lax.axis_index("c")
    base = wid * BPW

    pltpu.sync_copy(uids_hbm.at[pl.ds(base, BPW)], idx_u)
    pltpu.sync_copy(pids_hbm.at[pl.ds(base, BPW)], idx_p)
    pltpu.sync_copy(nids_hbm.at[pl.ds(base, BPW)], idx_n)

    lane = lax.iota(jnp.int32, ND)

    def wave(w, s_acc):
        sl16 = pl.ds(w * WAVE, WAVE)
        ids_u = idx_u[sl16]
        ids_p = idx_p[sl16]
        ids_n = idx_n[sl16]
        blk_u = ids_u & ~(TILE - 1)
        blk_p = ids_p & ~(TILE - 1)
        blk_n = ids_n & ~(TILE - 1)
        sub_u = ids_u & (TILE - 1)
        sub_p = ids_p & (TILE - 1)
        sub_n = ids_n & (TILE - 1)

        for k in range(WAVE):
            dsl = pl.ds(k * ND, ND)
            pltpu.async_copy(
                user_t.at[:, pl.ds(pl.multiple_of(blk_u[k], TILE), TILE)],
                u_blk.at[dsl, :], sem)
            pltpu.async_copy(
                item_t.at[:, pl.ds(pl.multiple_of(blk_p[k], TILE), TILE)],
                p_blk.at[dsl, :], sem)
            pltpu.async_copy(
                item_t.at[:, pl.ds(pl.multiple_of(blk_n[k], TILE), TILE)],
                n_blk.at[dsl, :], sem)
        for k in range(WAVE):
            dsl = pl.ds(k * ND, ND)
            pltpu.make_async_copy(user_t.at[:, pl.ds(0, TILE)],
                                  u_blk.at[dsl, :], sem).wait()
            pltpu.make_async_copy(item_t.at[:, pl.ds(0, TILE)],
                                  p_blk.at[dsl, :], sem).wait()
            pltpu.make_async_copy(item_t.at[:, pl.ds(0, TILE)],
                                  n_blk.at[dsl, :], sem).wait()

        d = jnp.zeros((ND,), jnp.float32)
        for k in range(WAVE):
            rows = k * ND + lane
            u = plsc.load_gather(u_blk, [rows, jnp.full((ND,), sub_u[k])])
            p = plsc.load_gather(p_blk, [rows, jnp.full((ND,), sub_p[k])])
            n = plsc.load_gather(n_blk, [rows, jnp.full((ND,), sub_n[k])])
            d = jnp.where(lane == k, jnp.sum(u * (p - n)), d)
        return s_acc + _softplus_neg(d)

    s_acc = lax.fori_loop(0, NWAVE, wave, jnp.zeros((ND,), jnp.float32),
                          unroll=False)
    s_v[...] = s_acc
    pltpu.sync_copy(s_v, part_hbm.at[wid])


@jax.jit
def _sc_partials(user_emb, item_emb, uids, pids, nids):
    user_t = user_emb.T
    item_t = item_emb.T
    mesh = plsc.VectorSubcoreMesh(core_axis_name="c", subcore_axis_name="s")
    kfn = pl.kernel(
        _sc_body,
        out_type=jax.ShapeDtypeStruct((NW, ND), jnp.float32),
        mesh=mesh,
        scratch_types=[
            pltpu.VMEM((BPW,), jnp.int32),
            pltpu.VMEM((BPW,), jnp.int32),
            pltpu.VMEM((BPW,), jnp.int32),
            pltpu.VMEM((WAVE * ND, TILE), jnp.float32),
            pltpu.VMEM((WAVE * ND, TILE), jnp.float32),
            pltpu.VMEM((WAVE * ND, TILE), jnp.float32),
            pltpu.VMEM((ND,), jnp.float32),
            pltpu.SemaphoreType.DMA,
        ],
        compiler_params=pltpu.CompilerParams(needs_layout_passes=False),
    )
    return kfn(user_t, item_t, uids, pids, nids)


def _loss_body(part_ref, out_ref):
    out_ref[0, 0] = jnp.sum(part_ref[...]) * (1.0 / B)


@jax.jit
def _tc_loss(part):
    return pl.pallas_call(
        _loss_body,
        out_shape=jax.ShapeDtypeStruct((1, 1), jnp.float32),
        out_specs=pl.BlockSpec(memory_space=pltpu.SMEM),
    )(part)


def kernel(X, user_emb, item_emb):
    uids = X[:, 0]
    pids = X[:, 1]
    nids = X[:, 2]
    part = _sc_partials(user_emb, item_emb, uids, pids, nids)
    loss = _tc_loss(part)
    return loss.reshape(())

# --- scband reference (transcript-rebuilt; emitter-appended) ---
"""Pipeline reference for scband-bprmf-60507499266860 (READ-ONLY COPY).

The authoritative reference and input builder live on the scoring server;
editing this copy changes nothing except your own understanding.
"""

import jax, jax.numpy as jnp
import numpy as np

NU = 1000000
NI = 1000000
ND = 16
B = 16384

def _xavier_normal(key, shape):
    fan_in, fan_out = shape[0], shape[1]
    std = (2.0 / (fan_in + fan_out)) ** 0.5
    return jax.random.normal(key, shape, dtype=jnp.float32) * std

def setup_inputs(seed: int = 0) -> dict:
    key = jax.random.key(seed)
    k1, k2, k3 = jax.random.split(key, 3)
    user_emb = _xavier_normal(k1, (NU, ND))
    item_emb = _xavier_normal(k2, (NI, ND))
    X = jax.random.randint(k3, (B, 3), 0, NI, dtype=jnp.int32)
    return {"X": X, "user_emb": user_emb, "item_emb": item_emb}

def reference(X, user_emb, item_emb):
    uids = X[:, 0]
    piids = X[:, 1]
    niids = X[:, 2]
    u = jnp.take(user_emb, uids, axis=0)
    pos = jnp.take(item_emb, piids, axis=0)
    neg = jnp.take(item_emb, niids, axis=0)
    pos_score = jnp.sum(u * pos, axis=1)
    neg_score = jnp.sum(u * neg, axis=1)
    loss = -jnp.log(jax.nn.sigmoid(pos_score - neg_score))
    loss = jnp.mean(loss)
    return loss

if __name__ == "__main__":
    import jax
    _d = setup_inputs()
    print(jax.jit(kernel)(*tuple(_d.values())))

</pallas_src>

<mosaic_0001>
#map = affine_map<(d0, d1) -> (0, 0)>
#map1 = affine_map<(d0, d1) -> (0)>
module attributes {stable_mosaic.version = 14 : i64} {
  func.func @_sc_body(%arg0: i32, %arg1: i32, %arg2: memref<16x1000000xf32, #tpu.memory_space<hbm>>, %arg3: memref<16x1000000xf32, #tpu.memory_space<hbm>>, %arg4: memref<16384xi32, #tpu.memory_space<hbm>>, %arg5: memref<16384xi32, #tpu.memory_space<hbm>>, %arg6: memref<16384xi32, #tpu.memory_space<hbm>>, %arg7: memref<32x16xf32, #tpu.memory_space<hbm>>, %arg8: memref<512xi32, #tpu.memory_space<vmem>>, %arg9: memref<512xi32, #tpu.memory_space<vmem>>, %arg10: memref<512xi32, #tpu.memory_space<vmem>>, %arg11: memref<256x128xf32, #tpu.memory_space<vmem>>, %arg12: memref<256x128xf32, #tpu.memory_space<vmem>>, %arg13: memref<256x128xf32, #tpu.memory_space<vmem>>, %arg14: memref<16xf32, #tpu.memory_space<vmem>>, %arg15: memref<!tpu.dma_semaphore, #tpu.memory_space<semaphore_mem>>) attributes {dimension_semantics = [#tpu.dimension_semantics<core_parallel>, #tpu.dimension_semantics<subcore_parallel>], iteration_bounds = array<i64: 2, 16>, scalar_prefetch = 0 : i64, scratch_operands = 8 : i64, tpu.core_type = #tpu.core_type<sc_vector_subcore>, window_params = [{transform_indices = #map}, {transform_indices = #map}, {transform_indices = #map1}, {transform_indices = #map1}, {transform_indices = #map1}, {transform_indices = #map}]} {
    %mul3A = arith.constant 2 : i32
    %mul3A_0 = arith.muli %arg1, %mul3A : i32
    %add3A = arith.addi %mul3A_0, %arg0 : i32
    %mul3A_1 = arith.constant 512 : i32
    %mul3A_2 = arith.muli %add3A, %mul3A_1 : i32
    "tpu.region"() ({
      %run_scoped3A = tpu.sem_alloc : memref<!tpu.dma_semaphore, #tpu.memory_space<semaphore_mem>>
      %dma_start3A = tpu.memref_slice %arg4[%mul3A_2] : memref<16384xi32, #tpu.memory_space<hbm>> -> memref<512xi32, #tpu.memory_space<hbm>>
      %dma_start3A_10 = tpu.memref_slice %arg4[%mul3A_2] : memref<16384xi32, #tpu.memory_space<hbm>> -> memref<512xi32, #tpu.memory_space<hbm>>
      tpu.enqueue_dma source(%dma_start3A_10 : memref<512xi32, #tpu.memory_space<hbm>>) target(%arg8 : memref<512xi32, #tpu.memory_space<vmem>>) target_semaphore(%run_scoped3A : memref<!tpu.dma_semaphore, #tpu.memory_space<semaphore_mem>>)
      %dma_wait3A = tpu.memref_slice %arg4[%mul3A_2] : memref<16384xi32, #tpu.memory_space<hbm>> -> memref<512xi32, #tpu.memory_space<hbm>>
      %dma_wait3A_11 = tpu.memref_slice %arg4[%mul3A_2] : memref<16384xi32, #tpu.memory_space<hbm>> -> memref<512xi32, #tpu.memory_space<hbm>>
      tpu.wait_dma2 semaphore(%run_scoped3A : memref<!tpu.dma_semaphore, #tpu.memory_space<semaphore_mem>>) src(%dma_wait3A_11 : memref<512xi32, #tpu.memory_space<hbm>>) dst(%arg8 : memref<512xi32, #tpu.memory_space<vmem>>)
      tpu.yield
    }) : () -> ()
    "tpu.region"() ({
      %run_scoped3A = tpu.sem_alloc : memref<!tpu.dma_semaphore, #tpu.memory_space<semaphore_mem>>
      %dma_start3A = tpu.memref_slice %arg5[%mul3A_2] : memref<16384xi32, #tpu.memory_space<hbm>> -> memref<512xi32, #tpu.memory_space<hbm>>
      %dma_start3A_10 = tpu.memref_slice %arg5[%mul3A_2] : memref<16384xi32, #tpu.memory_space<hbm>> -> memref<512xi32, #tpu.memory_space<hbm>>
      tpu.enqueue_dma source(%dma_start3A_10 : memref<512xi32, #tpu.memory_space<hbm>>) target(%arg9 : memref<512xi32, #tpu.memory_space<vmem>>) target_semaphore(%run_scoped3A : memref<!tpu.dma_semaphore, #tpu.memory_space<semaphore_mem>>)
      %dma_wait3A = tpu.memref_slice %arg5[%mul3A_2] : memref<16384xi32, #tpu.memory_space<hbm>> -> memref<512xi32, #tpu.memory_space<hbm>>
      %dma_wait3A_11 = tpu.memref_slice %arg5[%mul3A_2] : memref<16384xi32, #tpu.memory_space<hbm>> -> memref<512xi32, #tpu.memory_space<hbm>>
      tpu.wait_dma2 semaphore(%run_scoped3A : memref<!tpu.dma_semaphore, #tpu.memory_space<semaphore_mem>>) src(%dma_wait3A_11 : memref<512xi32, #tpu.memory_space<hbm>>) dst(%arg9 : memref<512xi32, #tpu.memory_space<vmem>>)
      tpu.yield
    }) : () -> ()
    "tpu.region"() ({
      %run_scoped3A = tpu.sem_alloc : memref<!tpu.dma_semaphore, #tpu.memory_space<semaphore_mem>>
      %dma_start3A = tpu.memref_slice %arg6[%mul3A_2] : memref<16384xi32, #tpu.memory_space<hbm>> -> memref<512xi32, #tpu.memory_space<hbm>>
      %dma_start3A_10 = tpu.memref_slice %arg6[%mul3A_2] : memref<16384xi32, #tpu.memory_space<hbm>> -> memref<512xi32, #tpu.memory_space<hbm>>
      tpu.enqueue_dma source(%dma_start3A_10 : memref<512xi32, #tpu.memory_space<hbm>>) target(%arg10 : memref<512xi32, #tpu.memory_space<vmem>>) target_semaphore(%run_scoped3A : memref<!tpu.dma_semaphore, #tpu.memory_space<semaphore_mem>>)
      %dma_wait3A = tpu.memref_slice %arg6[%mul3A_2] : memref<16384xi32, #tpu.memory_space<hbm>> -> memref<512xi32, #tpu.memory_space<hbm>>
      %dma_wait3A_11 = tpu.memref_slice %arg6[%mul3A_2] : memref<16384xi32, #tpu.memory_space<hbm>> -> memref<512xi32, #tpu.memory_space<hbm>>
      tpu.wait_dma2 semaphore(%run_scoped3A : memref<!tpu.dma_semaphore, #tpu.memory_space<semaphore_mem>>) src(%dma_wait3A_11 : memref<512xi32, #tpu.memory_space<hbm>>) dst(%arg10 : memref<512xi32, #tpu.memory_space<vmem>>)
      tpu.yield
    }) : () -> ()
    %iota3A = tpu.iota {dimensions = array<i32: 0>} : vector<16xi32>
    %broadcast_in_dim3A = arith.constant 0.000000e+00 : f32
    %broadcast_in_dim3A_3 = vector.broadcast %broadcast_in_dim3A : f32 to vector<16xf32>
    %scan3A = arith.constant 0 : i32
    %scan3A_4 = arith.constant 32 : i32
    %scan3A_5 = arith.addi %scan3A, %scan3A_4 : i32
    %scan3A_6 = arith.constant 1 : i32
    %scan3A_7 = scf.for %scan3A_10 = %scan3A to %scan3A_5 step %scan3A_6 iter_args(%scan3A_11 = %broadcast_in_dim3A_3) -> (vector<16xf32>)  : i32 {
      %mul3A_12 = arith.constant 16 : i32
      %mul3A_13 = arith.muli %scan3A_10, %mul3A_12 : i32
      %get3A = arith.index_cast %mul3A_13 : i32 to index
      %get3A_14 = tpu.vector_load %arg8[%get3A] {strides = array<i32>} : memref<512xi32, #tpu.memory_space<vmem>>, vector<16xi32>,
      %get3A_15 = arith.index_cast %mul3A_13 : i32 to index
      %get3A_16 = tpu.vector_load %arg9[%get3A_15] {strides = array<i32>} : memref<512xi32, #tpu.memory_space<vmem>>, vector<16xi32>,
      %get3A_17 = arith.index_cast %mul3A_13 : i32 to index
      %get3A_18 = tpu.vector_load %arg10[%get3A_17] {strides = array<i32>} : memref<512xi32, #tpu.memory_space<vmem>>, vector<16xi32>,
      %and3A = arith.constant -128 : i32
      %and3A_19 = vector.broadcast %and3A : i32 to vector<16xi32>
      %and3A_20 = arith.andi %get3A_14, %and3A_19 : vector<16xi32>
      %and3A_21 = arith.constant -128 : i32
      %and3A_22 = vector.broadcast %and3A_21 : i32 to vector<16xi32>
      %and3A_23 = arith.andi %get3A_16, %and3A_22 : vector<16xi32>
      %and3A_24 = arith.constant -128 : i32
      %and3A_25 = vector.broadcast %and3A_24 : i32 to vector<16xi32>
      %and3A_26 = arith.andi %get3A_18, %and3A_25 : vector<16xi32>
      %and3A_27 = arith.constant 127 : i32
      %and3A_28 = vector.broadcast %and3A_27 : i32 to vector<16xi32>
      %and3A_29 = arith.andi %get3A_14, %and3A_28 : vector<16xi32>
      %and3A_30 = arith.constant 127 : i32
      %and3A_31 = vector.broadcast %and3A_30 : i32 to vector<16xi32>
      %and3A_32 = arith.andi %get3A_16, %and3A_31 : vector<16xi32>
      %and3A_33 = arith.constant 127 : i32
      %and3A_34 = vector.broadcast %and3A_33 : i32 to vector<16xi32>
      %and3A_35 = arith.andi %get3A_18, %and3A_34 : vector<16xi32>
      %slice3A = vector.extract_strided_slice %and3A_20 {offsets = [0], sizes = [1], strides = [1]} : vector<16xi32> to vector<1xi32>
      %squeeze3A = vector.extract %slice3A[0] : i32 from vector<1xi32>
      %multiple_of3A = tpu.assume_multiple %squeeze3A, 128 : i32
      %dma_start3A = arith.constant 0 : i32
      %dma_start3A_36 = arith.constant 0 : i32
      %dma_start3A_37 = tpu.memref_slice %arg11[%dma_start3A, %dma_start3A_36] : memref<256x128xf32, #tpu.memory_space<vmem>> -> memref<16x128xf32, #tpu.memory_space<vmem>>
      %dma_start3A_38 = arith.constant 0 : i32
      %dma_start3A_39 = tpu.memref_slice %arg2[%dma_start3A_38, %multiple_of3A] : memref<16x1000000xf32, #tpu.memory_space<hbm>> -> memref<16x128xf32, #tpu.memory_space<hbm>>
      %dma_start3A_40 = arith.constant 0 : i32
      %dma_start3A_41 = arith.constant 0 : i32
      %dma_start3A_42 = tpu.memref_slice %arg11[%dma_start3A_40, %dma_start3A_41] : memref<256x128xf32, #tpu.memory_space<vmem>> -> memref<16x128xf32, #tpu.memory_space<vmem>>
      %dma_start3A_43 = arith.constant 0 : i32
      %dma_start3A_44 = tpu.memref_slice %arg2[%dma_start3A_43, %multiple_of3A] : memref<16x1000000xf32, #tpu.memory_space<hbm>> -> memref<16x128xf32, #tpu.memory_space<hbm>>
      tpu.enqueue_dma source(%dma_start3A_44 : memref<16x128xf32, #tpu.memory_space<hbm>>) target(%dma_start3A_42 : memref<16x128xf32, #tpu.memory_space<vmem>>) target_semaphore(%arg15 : memref<!tpu.dma_semaphore, #tpu.memory_space<semaphore_mem>>)
      %slice3A_45 = vector.extract_strided_slice %and3A_23 {offsets = [0], sizes = [1], strides = [1]} : vector<16xi32> to vector<1xi32>
      %squeeze3A_46 = vector.extract %slice3A_45[0] : i32 from vector<1xi32>
      %multiple_of3A_47 = tpu.assume_multiple %squeeze3A_46, 128 : i32
      %dma_start3A_48 = arith.constant 0 : i32
      %dma_start3A_49 = arith.constant 0 : i32
      %dma_start3A_50 = tpu.memref_slice %arg12[%dma_start3A_48, %dma_start3A_49] : memref<256x128xf32, #tpu.memory_space<vmem>> -> memref<16x128xf32, #tpu.memory_space<vmem>>
      %dma_start3A_51 = arith.constant 0 : i32
      %dma_start3A_52 = tpu.memref_slice %arg3[%dma_start3A_51, %multiple_of3A_47] : memref<16x1000000xf32, #tpu.memory_space<hbm>> -> memref<16x128xf32, #tpu.memory_space<hbm>>
      %dma_start3A_53 = arith.constant 0 : i32
      %dma_start3A_54 = arith.constant 0 : i32
      %dma_start3A_55 = tpu.memref_slice %arg12[%dma_start3A_53, %dma_start3A_54] : memref<256x128xf32, #tpu.memory_space<vmem>> -> memref<16x128xf32, #tpu.memory_space<vmem>>
      %dma_start3A_56 = arith.constant 0 : i32
      %dma_start3A_57 = tpu.memref_slice %arg3[%dma_start3A_56, %multiple_of3A_47] : memref<16x1000000xf32, #tpu.memory_space<hbm>> -> memref<16x128xf32, #tpu.memory_space<hbm>>
      tpu.enqueue_dma source(%dma_start3A_57 : memref<16x128xf32, #tpu.memory_space<hbm>>) target(%dma_start3A_55 : memref<16x128xf32, #tpu.memory_space<vmem>>) target_semaphore(%arg15 : memref<!tpu.dma_semaphore, #tpu.memory_space<semaphore_mem>>)
      %slice3A_58 = vector.extract_strided_slice %and3A_26 {offsets = [0], sizes = [1], strides = [1]} : vector<16xi32> to vector<1xi32>
      %squeeze3A_59 = vector.extract %slice3A_58[0] : i32 from vector<1xi32>
      %multiple_of3A_60 = tpu.assume_multiple %squeeze3A_59, 128 : i32
      %dma_start3A_61 = arith.constant 0 : i32
      %dma_start3A_62 = arith.constant 0 : i32
      %dma_start3A_63 = tpu.memref_slice %arg13[%dma_start3A_61, %dma_start3A_62] : memref<256x128xf32, #tpu.memory_space<vmem>> -> memref<16x128xf32, #tpu.memory_space<vmem>>
      %dma_start3A_64 = arith.constant 0 : i32
      %dma_start3A_65 = tpu.memref_slice %arg3[%dma_start3A_64, %multiple_of3A_60] : memref<16x1000000xf32, #tpu.memory_space<hbm>> -> memref<16x128xf32, #tpu.memory_space<hbm>>
      %dma_start3A_66 = arith.constant 0 : i32
      %dma_start3A_67 = arith.constant 0 : i32
      %dma_start3A_68 = tpu.memref_slice %arg13[%dma_start3A_66, %dma_start3A_67] : memref<256x128xf32, #tpu.memory_space<vmem>> -> memref<16x128xf32, #tpu.memory_space<vmem>>
      %dma_start3A_69 = arith.constant 0 : i32
      %dma_start3A_70 = tpu.memref_slice %arg3[%dma_start3A_69, %multiple_of3A_60] : memref<16x1000000xf32, #tpu.memory_space<hbm>> -> memref<16x128xf32, #tpu.memory_space<hbm>>
      tpu.enqueue_dma source(%dma_start3A_70 : memref<16x128xf32, #tpu.memory_space<hbm>>) target(%dma_start3A_68 : memref<16x128xf32, #tpu.memory_space<vmem>>) target_semaphore(%arg15 : memref<!tpu.dma_semaphore, #tpu.memory_space<semaphore_mem>>)
      %slice3A_71 = vector.extract_strided_slice %and3A_20 {offsets = [1], sizes = [1], strides = [1]} : vector<16xi32> to vector<1xi32>
      %squeeze3A_72 = vector.extract %slice3A_71[0] : i32 from vector<1xi32>
      %multiple_of3A_73 = tpu.assume_multiple %squeeze3A_72, 128 : i32
      %dma_start3A_74 = arith.constant 16 : i32
      %dma_start3A_75 = arith.constant 0 : i32
      %dma_start3A_76 = tpu.memref_slice %arg11[%dma_start3A_74, %dma_start3A_75] : memref<256x128xf32, #tpu.memory_space<vmem>> -> memref<16x128xf32, #tpu.memory_space<vmem>>
      %dma_start3A_77 = arith.constant 0 : i32
      %dma_start3A_78 = tpu.memref_slice %arg2[%dma_start3A_77, %multiple_of3A_73] : memref<16x1000000xf32, #tpu.memory_space<hbm>> -> memref<16x128xf32, #tpu.memory_space<hbm>>
      %dma_start3A_79 = arith.constant 16 : i32
      %dma_start3A_80 = arith.constant 0 : i32
      %dma_start3A_81 = tpu.memref_slice %arg11[%dma_start3A_79, %dma_start3A_80] : memref<256x128xf32, #tpu.memory_space<vmem>> -> memref<16x128xf32, #tpu.memory_space<vmem>>
      %dma_start3A_82 = arith.constant 0 : i32
      %dma_start3A_83 = tpu.memref_slice %arg2[%dma_start3A_82, %multiple_of3A_73] : memref<16x1000000xf32, #tpu.memory_space<hbm>> -> memref<16x128xf32, #tpu.memory_space<hbm>>
      tpu.enqueue_dma source(%dma_start3A_83 : memref<16x128xf32, #tpu.memory_space<hbm>>) target(%dma_start3A_81 : memref<16x128xf32, #tpu.memory_space<vmem>>) target_semaphore(%arg15 : memref<!tpu.dma_semaphore, #tpu.memory_space<semaphore_mem>>)
      %slice3A_84 = vector.extract_strided_slice %and3A_23 {offsets = [1], sizes = [1], strides = [1]} : vector<16xi32> to vector<1xi32>
      %squeeze3A_85 = vector.extract %slice3A_84[0] : i32 from vector<1xi32>
      %multiple_of3A_86 = tpu.assume_multiple %squeeze3A_85, 128 : i32
      %dma_start3A_87 = arith.constant 16 : i32
      %dma_start3A_88 = arith.constant 0 : i32
      %dma_start3A_89 = tpu.memref_slice %arg12[%dma_start3A_87, %dma_start3A_88] : memref<256x128xf32, #tpu.memory_space<vmem>> -> memref<16x128xf32, #tpu.memory_space<vmem>>
      %dma_start3A_90 = arith.constant 0 : i32
      %dma_start3A_91 = tpu.memref_slice %arg3[%dma_start3A_90, %multiple_of3A_86] : memref<16x1000000xf32, #tpu.memory_space<hbm>> -> memref<16x128xf32, #tpu.memory_space<hbm>>
      %dma_start3A_92 = arith.constant 16 : i32
      %dma_start3A_93 = arith.constant 0 : i32
      %dma_start3A_94 = tpu.memref_slice %arg12[%dma_start3A_92, %dma_start3A_93] : memref<256x128xf32, #tpu.memory_space<vmem>> -> memref<16x128xf32, #tpu.memory_space<vmem>>
      %dma_start3A_95 = arith.constant 0 : i32
      %dma_start3A_96 = tpu.memref_slice %arg3[%dma_start3A_95, %multiple_of3A_86] : memref<16x1000000xf32, #tpu.memory_space<hbm>> -> memref<16x128xf32, #tpu.memory_space<hbm>>
      tpu.enqueue_dma source(%dma_start3A_96 : memref<16x128xf32, #tpu.memory_space<hbm>>) target(%dma_start3A_94 : memref<16x128xf32, #tpu.memory_space<vmem>>) target_semaphore(%arg15 : memref<!tpu.dma_semaphore, #tpu.memory_space<semaphore_mem>>)
      %slice3A_97 = vector.extract_strided_slice %and3A_26 {offsets = [1], sizes = [1], strides = [1]} : vector<16xi32> to vector<1xi32>
      %squeeze3A_98 = vector.extract %slice3A_97[0] : i32 from vector<1xi32>
      %multiple_of3A_99 = tpu.assume_multiple %squeeze3A_98, 128 : i32
      %dma_start3A_100 = arith.constant 16 : i32
      %dma_start3A_101 = arith.constant 0 : i32
      %dma_start3A_102 = tpu.memref_slice %arg13[%dma_start3A_100, %dma_start3A_101] : memref<256x128xf32, #tpu.memory_space<vmem>> -> memref<16x128xf32, #tpu.memory_space<vmem>>
      %dma_start3A_103 = arith.constant 0 : i32
      %dma_start3A_104 = tpu.memref_slice %arg3[%dma_start3A_103, %multiple_of3A_99] : memref<16x1000000xf32, #tpu.memory_space<hbm>> -> memref<16x128xf32, #tpu.memory_space<hbm>>
      %dma_start3A_105 = arith.constant 16 : i32
      %dma_start3A_106 = arith.constant 0 : i32
      %dma_start3A_107 = tpu.memref_slice %arg13[%dma_start3A_105, %dma_start3A_106] : memref<256x128xf32, #tpu.memory_space<vmem>> -> memref<16x128xf32, #tpu.memory_space<vmem>>
      %dma_start3A_108 = arith.constant 0 : i32
      %dma_start3A_109 = tpu.memref_slice %arg3[%dma_start3A_108, %multiple_of3A_99] : memref<16x1000000xf32, #tpu.memory_space<hbm>> -> memref<16x128xf32, #tpu.memory_space<hbm>>
      tpu.enqueue_dma source(%dma_start3A_109 : memref<16x128xf32, #tpu.memory_space<hbm>>) target(%dma_start3A_107 : memref<16x128xf32, #tpu.memory_space<vmem>>) target_semaphore(%arg15 : memref<!tpu.dma_semaphore, #tpu.memory_space<semaphore_mem>>)
      %slice3A_110 = vector.extract_strided_slice %and3A_20 {offsets = [2], sizes = [1], strides = [1]} : vector<16xi32> to vector<1xi32>
      %squeeze3A_111 = vector.extract %slice3A_110[0] : i32 from vector<1xi32>
      %multiple_of3A_112 = tpu.assume_multiple %squeeze3A_111, 128 : i32
      %dma_start3A_113 = arith.constant 32 : i32
      %dma_start3A_114 = arith.constant 0 : i32
      %dma_start3A_115 = tpu.memref_slice %arg11[%dma_start3A_113, %dma_start3A_114] : memref<256x128xf32, #tpu.memory_space<vmem>> -> memref<16x128xf32, #tpu.memory_space<vmem>>
      %dma_start3A_116 = arith.constant 0 : i32
      %dma_start3A_117 = tpu.memref_slice %arg2[%dma_start3A_116, %multiple_of3A_112] : memref<16x1000000xf32, #tpu.memory_space<hbm>> -> memref<16x128xf32, #tpu.memory_space<hbm>>
      %dma_start3A_118 = arith.constant 32 : i32
      %dma_start3A_119 = arith.constant 0 : i32
      %dma_start3A_120 = tpu.memref_slice %arg11[%dma_start3A_118, %dma_start3A_119] : memref<256x128xf32, #tpu.memory_space<vmem>> -> memref<16x128xf32, #tpu.memory_space<vmem>>
      %dma_start3A_121 = arith.constant 0 : i32
      %dma_start3A_122 = tpu.memref_slice %arg2[%dma_start3A_121, %multiple_of3A_112] : memref<16x1000000xf32, #tpu.memory_space<hbm>> -> memref<16x128xf32, #tpu.memory_space<hbm>>
      tpu.enqueue_dma source(%dma_start3A_122 : memref<16x128xf32, #tpu.memory_space<hbm>>) target(%dma_start3A_120 : memref<16x128xf32, #tpu.memory_space<vmem>>) target_semaphore(%arg15 : memref<!tpu.dma_semaphore, #tpu.memory_space<semaphore_mem>>)
      %slice3A_123 = vector.extract_strided_slice %and3A_23 {offsets = [2], sizes = [1], strides = [1]} : vector<16xi32> to vector<1xi32>
      %squeeze3A_124 = vector.extract %slice3A_123[0] : i32 from vector<1xi32>
      %multiple_of3A_125 = tpu.assume_multiple %squeeze3A_124, 128 : i32
      %dma_start3A_126 = arith.constant 32 : i32
      %dma_start3A_127 = arith.constant 0 : i32
      %dma_start3A_128 = tpu.memref_slice %arg12[%dma_start3A_126, %dma_start3A_127] : memref<256x128xf32, #tpu.memory_space<vmem>> -> memref<16x128xf32, #tpu.memory_space<vmem>>
      %dma_start3A_129 = arith.constant 0 : i32
      %dma_start3A_130 = tpu.memref_slice %arg3[%dma_start3A_129, %multiple_of3A_125] : memref<16x1000000xf32, #tpu.memory_space<hbm>> -> memref<16x128xf32, #tpu.memory_space<hbm>>
      %dma_start3A_131 = arith.constant 32 : i32
      %dma_start3A_132 = arith.constant 0 : i32
      %dma_start3A_133 = tpu.memref_slice %arg12[%dma_start3A_131, %dma_start3A_132] : memref<256x128xf32, #tpu.memory_space<vmem>> -> memref<16x128xf32, #tpu.memory_space<vmem>>
      %dma_start3A_134 = arith.constant 0 : i32
      %dma_start3A_135 = tpu.memref_slice %arg3[%dma_start3A_134, %multiple_of3A_125] : memref<16x1000000xf32, #tpu.memory_space<hbm>> -> memref<16x128xf32, #tpu.memory_space<hbm>>
      tpu.enqueue_dma source(%dma_start3A_135 : memref<16x128xf32, #tpu.memory_space<hbm>>) target(%dma_start3A_133 : memref<16x128xf32, #tpu.memory_space<vmem>>) target_semaphore(%arg15 : memref<!tpu.dma_semaphore, #tpu.memory_space<semaphore_mem>>)
      %slice3A_136 = vector.extract_strided_slice %and3A_26 {offsets = [2], sizes = [1], strides = [1]} : vector<16xi32> to vector<1xi32>
      %squeeze3A_137 = vector.extract %slice3A_136[0] : i32 from vector<1xi32>
      %multiple_of3A_138 = tpu.assume_multiple %squeeze3A_137, 128 : i32
      %dma_start3A_139 = arith.constant 32 : i32
      %dma_start3A_140 = arith.constant 0 : i32
      %dma_start3A_141 = tpu.memref_slice %arg13[%dma_start3A_139, %dma_start3A_140] : memref<256x128xf32, #tpu.memory_space<vmem>> -> memref<16x128xf32, #tpu.memory_space<vmem>>
      %dma_start3A_142 = arith.constant 0 : i32
      %dma_start3A_143 = tpu.memref_slice %arg3[%dma_start3A_142, %multiple_of3A_138] : memref<16x1000000xf32, #tpu.memory_space<hbm>> -> memref<16x128xf32, #tpu.memory_space<hbm>>
      %dma_start3A_144 = arith.constant 32 : i32
      %dma_start3A_145 = arith.constant 0 : i32
      %dma_start3A_146 = tpu.memref_slice %arg13[%dma_start3A_144, %dma_start3A_145] : memref<256x128xf32, #tpu.memory_space<vmem>> -> memref<16x128xf32, #tpu.memory_space<vmem>>
      %dma_start3A_147 = arith.constant 0 : i32
      %dma_start3A_148 = tpu.memref_slice %arg3[%dma_start3A_147, %multiple_of3A_138] : memref<16x1000000xf32, #tpu.memory_space<hbm>> -> memref<16x128xf32, #tpu.memory_space<hbm>>
      tpu.enqueue_dma source(%dma_start3A_148 : memref<16x128xf32, #tpu.memory_space<hbm>>) target(%dma_start3A_146 : memref<16x128xf32, #tpu.memory_space<vmem>>) target_semaphore(%arg15 : memref<!tpu.dma_semaphore, #tpu.memory_space<semaphore_mem>>)
      %slice3A_149 = vector.extract_strided_slice %and3A_20 {offsets = [3], sizes = [1], strides = [1]} : vector<16xi32> to vector<1xi32>
      %squeeze3A_150 = vector.extract %slice3A_149[0] : i32 from vector<1xi32>
      %multiple_of3A_151 = tpu.assume_multiple %squeeze3A_150, 128 : i32
      %dma_start3A_152 = arith.constant 48 : i32
      %dma_start3A_153 = arith.constant 0 : i32
      %dma_start3A_154 = tpu.memref_slice %arg11[%dma_start3A_152, %dma_start3A_153] : memref<256x128xf32, #tpu.memory_space<vmem>> -> memref<16x128xf32, #tpu.memory_space<vmem>>
      %dma_start3A_155 = arith.constant 0 : i32
      %dma_start3A_156 = tpu.memref_slice %arg2[%dma_start3A_155, %multiple_of3A_151] : memref<16x1000000xf32, #tpu.memory_space<hbm>> -> memref<16x128xf32, #tpu.memory_space<hbm>>
      %dma_start3A_157 = arith.constant 48 : i32
      %dma_start3A_158 = arith.constant 0 : i32
      %dma_start3A_159 = tpu.memref_slice %arg11[%dma_start3A_157, %dma_start3A_158] : memref<256x128xf32, #tpu.memory_space<vmem>> -> memref<16x128xf32, #tpu.memory_space<vmem>>
      %dma_start3A_160 = arith.constant 0 : i32
      %dma_start3A_161 = tpu.memref_slice %arg2[%dma_start3A_160, %multiple_of3A_151] : memref<16x1000000xf32, #tpu.memory_space<hbm>> -> memref<16x128xf32, #tpu.memory_space<hbm>>
      tpu.enqueue_dma source(%dma_start3A_161 : memref<16x128xf32, #tpu.memory_space<hbm>>) target(%dma_start3A_159 : memref<16x128xf32, #tpu.memory_space<vmem>>) target_semaphore(%arg15 : memref<!tpu.dma_semaphore, #tpu.memory_space<semaphore_mem>>)
      %slice3A_162 = vector.extract_strided_slice %and3A_23 {offsets = [3], sizes = [1], strides = [1]} : vector<16xi32> to vector<1xi32>
      %squeeze3A_163 = vector.extract %slice3A_162[0] : i32 from vector<1xi32>
      %multiple_of3A_164 = tpu.assume_multiple %squeeze3A_163, 128 : i32
      %dma_start3A_165 = arith.constant 48 : i32
      %dma_start3A_166 = arith.constant 0 : i32
      %dma_start3A_167 = tpu.memref_slice %arg12[%dma_start3A_165, %dma_start3A_166] : memref<256x128xf32, #tpu.memory_space<vmem>> -> memref<16x128xf32, #tpu.memory_space<vmem>>
      %dma_start3A_168 = arith.constant 0 : i32
      %dma_start3A_169 = tpu.memref_slice %arg3[%dma_start3A_168, %multiple_of3A_164] : memref<16x1000000xf32, #tpu.memory_space<hbm>> -> memref<16x128xf32, #tpu.memory_space<hbm>>
      %dma_start3A_170 = arith.constant 48 : i32
      %dma_start3A_171 = arith.constant 0 : i32
      %dma_start3A_172 = tpu.memref_slice %arg12[%dma_start3A_170, %dma_start3A_171] : memref<256x128xf32, #tpu.memory_space<vmem>> -> memref<16x128xf32, #tpu.memory_space<vmem>>
      %dma_start3A_173 = arith.constant 0 : i32
      %dma_start3A_174 = tpu.memref_slice %arg3[%dma_start3A_173, %multiple_of3A_164] : memref<16x1000000xf32, #tpu.memory_space<hbm>> -> memref<16x128xf32, #tpu.memory_space<hbm>>
      tpu.enqueue_dma source(%dma_start3A_174 : memref<16x128xf32, #tpu.memory_space<hbm>>) target(%dma_start3A_172 : memref<16x128xf32, #tpu.memory_space<vmem>>) target_semaphore(%arg15 : memref<!tpu.dma_semaphore, #tpu.memory_space<semaphore_mem>>)
      %slice3A_175 = vector.extract_strided_slice %and3A_26 {offsets = [3], sizes = [1], strides = [1]} : vector<16xi32> to vector<1xi32>
      %squeeze3A_176 = vector.extract %slice3A_175[0] : i32 from vector<1xi32>
      %multiple_of3A_177 = tpu.assume_multiple %squeeze3A_176, 128 : i32
      %dma_start3A_178 = arith.constant 48 : i32
      %dma_start3A_179 = arith.constant 0 : i32
      %dma_start3A_180 = tpu.memref_slice %arg13[%dma_start3A_178, %dma_start3A_179] : memref<256x128xf32, #tpu.memory_space<vmem>> -> memref<16x128xf32, #tpu.memory_space<vmem>>
      %dma_start3A_181 = arith.constant 0 : i32
      %dma_start3A_182 = tpu.memref_slice %arg3[%dma_start3A_181, %multiple_of3A_177] : memref<16x1000000xf32, #tpu.memory_space<hbm>> -> memref<16x128xf32, #tpu.memory_space<hbm>>
      %dma_start3A_183 = arith.constant 48 : i32
      %dma_start3A_184 = arith.constant 0 : i32
      %dma_start3A_185 = tpu.memref_slice %arg13[%dma_start3A_183, %dma_start3A_184] : memref<256x128xf32, #tpu.memory_space<vmem>> -> memref<16x128xf32, #tpu.memory_space<vmem>>
      %dma_start3A_186 = arith.constant 0 : i32
      %dma_start3A_187 = tpu.memref_slice %arg3[%dma_start3A_186, %multiple_of3A_177] : memref<16x1000000xf32, #tpu.memory_space<hbm>> -> memref<16x128xf32, #tpu.memory_space<hbm>>
      tpu.enqueue_dma source(%dma_start3A_187 : memref<16x128xf32, #tpu.memory_space<hbm>>) target(%dma_start3A_185 : memref<16x128xf32, #tpu.memory_space<vmem>>) target_semaphore(%arg15 : memref<!tpu.dma_semaphore, #tpu.memory_space<semaphore_mem>>)
      %slice3A_188 = vector.extract_strided_slice %and3A_20 {offsets = [4], sizes = [1], strides = [1]} : vector<16xi32> to vector<1xi32>
      %squeeze3A_189 = vector.extract %slice3A_188[0] : i32 from vector<1xi32>
      %multiple_of3A_190 = tpu.assume_multiple %squeeze3A_189, 128 : i32
      %dma_start3A_191 = arith.constant 64 : i32
      %dma_start3A_192 = arith.constant 0 : i32
      %dma_start3A_193 = tpu.memref_slice %arg11[%dma_start3A_191, %dma_start3A_192] : memref<256x128xf32, #tpu.memory_space<vmem>> -> memref<16x128xf32, #tpu.memory_space<vmem>>
      %dma_start3A_194 = arith.constant 0 : i32
      %dma_start3A_195 = tpu.memref_slice %arg2[%dma_start3A_194, %multiple_of3A_190] : memref<16x1000000xf32, #tpu.memory_space<hbm>> -> memref<16x128xf32, #tpu.memory_space<hbm>>
      %dma_start3A_196 = arith.constant 64 : i32
      %dma_start3A_197 = arith.constant 0 : i32
      %dma_start3A_198 = tpu.memref_slice %arg11[%dma_start3A_196, %dma_start3A_197] : memref<256x128xf32, #tpu.memory_space<vmem>> -> memref<16x128xf32, #tpu.memory_space<vmem>>
      %dma_start3A_199 = arith.constant 0 : i32
      %dma_start3A_200 = tpu.memref_slice %arg2[%dma_start3A_199, %multiple_of3A_190] : memref<16x1000000xf32, #tpu.memory_space<hbm>> -> memref<16x128xf32, #tpu.memory_space<hbm>>
      tpu.enqueue_dma source(%dma_start3A_200 : memref<16x128xf32, #tpu.memory_space<hbm>>) target(%dma_start3A_198 : memref<16x128xf32, #tpu.memory_space<vmem>>) target_semaphore(%arg15 : memref<!tpu.dma_semaphore, #tpu.memory_space<semaphore_mem>>)
      %slice3A_201 = vector.extract_strided_slice %and3A_23 {offsets = [4], sizes = [1], strides = [1]} : vector<16xi32> to vector<1xi32>
      %squeeze3A_202 = vector.extract %slice3A_201[0] : i32 from vector<1xi32>
      %multiple_of3A_203 = tpu.assume_multiple %squeeze3A_202, 128 : i32
      %dma_start3A_204 = arith.constant 64 : i32
      %dma_start3A_205 = arith.constant 0 : i32
      %dma_start3A_206 = tpu.memref_slice %arg12[%dma_start3A_204, %dma_start3A_205] : memref<256x128xf32, #tpu.memory_space<vmem>> -> memref<16x128xf32, #tpu.memory_space<vmem>>
      %dma_start3A_207 = arith.constant 0 : i32
      %dma_start3A_208 = tpu.memref_slice %arg3[%dma_start3A_207, %multiple_of3A_203] : memref<16x1000000xf32, #tpu.memory_space<hbm>> -> memref<16x128xf32, #tpu.memory_space<hbm>>
      %dma_start3A_209 = arith.constant 64 : i32
      %dma_start3A_210 = arith.constant 0 : i32
      %dma_start3A_211 = tpu.memref_slice %arg12[%dma_start3A_209, %dma_start3A_210] : memref<256x128xf32, #tpu.memory_space<vmem>> -> memref<16x128xf32, #tpu.memory_space<vmem>>
      %dma_start3A_212 = arith.constant 0 : i32
      %dma_start3A_213 = tpu.memref_slice %arg3[%dma_start3A_212, %multiple_of3A_203] : memref<16x1000000xf32, #tpu.memory_space<hbm>> -> memref<16x128xf32, #tpu.memory_space<hbm>>
      tpu.enqueue_dma source(%dma_start3A_213 : memref<16x128xf32, #tpu.memory_space<hbm>>) target(%dma_start3A_211 : memref<16x128xf32, #tpu.memory_space<vmem>>) target_semaphore(%arg15 : memref<!tpu.dma_semaphore, #tpu.memory_space<semaphore_mem>>)
      %slice3A_214 = vector.extract_strided_slice %and3A_26 {offsets = [4], sizes = [1], strides = [1]} : vector<16xi32> to vector<1xi32>
      %squeeze3A_215 = vector.extract %slice3A_214[0] : i32 from vector<1xi32>
      %multiple_of3A_216 = tpu.assume_multiple %squeeze3A_215, 128 : i32
      %dma_start3A_217 = arith.constant 64 : i32
      %dma_start3A_218 = arith.constant 0 : i32
      %dma_start3A_219 = tpu.memref_slice %arg13[%dma_start3A_217, %dma_start3A_218] : memref<256x128xf32, #tpu.memory_space<vmem>> -> memref<16x128xf32, #tpu.memory_space<vmem>>
      %dma_start3A_220 = arith.constant 0 : i32
      %dma_start3A_221 = tpu.memref_slice %arg3[%dma_start3A_220, %multiple_of3A_216] : memref<16x1000000xf32, #tpu.memory_space<hbm>> -> memref<16x128xf32, #tpu.memory_space<hbm>>
      %dma_start3A_222 = arith.constant 64 : i32
      %dma_start3A_223 = arith.constant 0 : i32
      %dma_start3A_224 = tpu.memref_slice %arg13[%dma_start3A_222, %dma_start3A_223] : memref<256x128xf32, #tpu.memory_space<vmem>> -> memref<16x128xf32, #tpu.memory_space<vmem>>
      %dma_start3A_225 = arith.constant 0 : i32
      %dma_start3A_226 = tpu.memref_slice %arg3[%dma_start3A_225, %multiple_of3A_216] : memref<16x1000000xf32, #tpu.memory_space<hbm>> -> memref<16x128xf32, #tpu.memory_space<hbm>>
      tpu.enqueue_dma source(%dma_start3A_226 : memref<16x128xf32, #tpu.memory_space<hbm>>) target(%dma_start3A_224 : memref<16x128xf32, #tpu.memory_space<vmem>>) target_semaphore(%arg15 : memref<!tpu.dma_semaphore, #tpu.memory_space<semaphore_mem>>)
      %slice3A_227 = vector.extract_strided_slice %and3A_20 {offsets = [5], sizes = [1], strides = [1]} : vector<16xi32> to vector<1xi32>
      %squeeze3A_228 = vector.extract %slice3A_227[0] : i32 from vector<1xi32>
      %multiple_of3A_229 = tpu.assume_multiple %squeeze3A_228, 128 : i32
      %dma_start3A_230 = arith.constant 80 : i32
      %dma_start3A_231 = arith.constant 0 : i32
      %dma_start3A_232 = tpu.memref_slice %arg11[%dma_start3A_230, %dma_start3A_231] : memref<256x128xf32, #tpu.memory_space<vmem>> -> memref<16x128xf32, #tpu.memory_space<vmem>>
      %dma_start3A_233 = arith.constant 0 : i32
      %dma_start3A_234 = tpu.memref_slice %arg2[%dma_start3A_233, %multiple_of3A_229] : memref<16x1000000xf32, #tpu.memory_space<hbm>> -> memref<16x128xf32, #tpu.memory_space<hbm>>
      %dma_start3A_235 = arith.constant 80 : i32
      %dma_start3A_236 = arith.constant 0 : i32
      %dma_start3A_237 = tpu.memref_slice %arg11[%dma_start3A_235, %dma_start3A_236] : memref<256x128xf32, #tpu.memory_space<vmem>> -> memref<16x128xf32, #tpu.memory_space<vmem>>
      %dma_start3A_238 = arith.constant 0 : i32
      %dma_start3A_239 = tpu.memref_slice %arg2[%dma_start3A_238, %multiple_of3A_229] : memref<16x1000000xf32, #tpu.memory_space<hbm>> -> memref<16x128xf32, #tpu.memory_space<hbm>>
      tpu.enqueue_dma source(%dma_start3A_239 : memref<16x128xf32, #tpu.memory_space<hbm>>) target(%dma_start3A_237 : memref<16x128xf32, #tpu.memory_space<vmem>>) target_semaphore(%arg15 : memref<!tpu.dma_semaphore, #tpu.memory_space<semaphore_mem>>)
      %slice3A_240 = vector.extract_strided_slice %and3A_23 {offsets = [5], sizes = [1], strides = [1]} : vector<16xi32> to vector<1xi32>
      %squeeze3A_241 = vector.extract %slice3A_240[0] : i32 from vector<1xi32>
      %multiple_of3A_242 = tpu.assume_multiple %squeeze3A_241, 128 : i32
      %dma_start3A_243 = arith.constant 80 : i32
      %dma_start3A_244 = arith.constant 0 : i32
      %dma_start3A_245 = tpu.memref_slice %arg12[%dma_start3A_243, %dma_start3A_244] : memref<256x128xf32, #tpu.memory_space<vmem>> -> memref<16x128xf32, #tpu.memory_space<vmem>>
      %dma_start3A_246 = arith.constant 0 : i32
      %dma_start3A_247 = tpu.memref_slice %arg3[%dma_start3A_246, %multiple_of3A_242] : memref<16x1000000xf32, #tpu.memory_space<hbm>> -> memref<16x128xf32, #tpu.memory_space<hbm>>
      %dma_start3A_248 = arith.constant 80 : i32
      %dma_start3A_249 = arith.constant 0 : i32
      %dma_start3A_250 = tpu.memref_slice %arg12[%dma_start3A_248, %dma_start3A_249] : memref<256x128xf32, #tpu.memory_space<vmem>> -> memref<16x128xf32, #tpu.memory_space<vmem>>
      %dma_start3A_251 = arith.constant 0 : i32
      %dma_start3A_252 = tpu.memref_slice %arg3[%dma_start3A_251, %multiple_of3A_242] : memref<16x1000000xf32, #tpu.memory_space<hbm>> -> memref<16x128xf32, #tpu.memory_space<hbm>>
      tpu.enqueue_dma source(%dma_start3A_252 : memref<16x128xf32, #tpu.memory_space<hbm>>) target(%dma_start3A_250 : memref<16x128xf32, #tpu.memory_space<vmem>>) target_semaphore(%arg15 : memref<!tpu.dma_semaphore, #tpu.memory_space<semaphore_mem>>)
      %slice3A_253 = vector.extract_strided_slice %and3A_26 {offsets = [5], sizes = [1], strides = [1]} : vector<16xi32> to vector<1xi32>
      %squeeze3A_254 = vector.extract %slice3A_253[0] : i32 from vector<1xi32>
      %multiple_of3A_255 = tpu.assume_multiple %squeeze3A_254, 128 : i32
      %dma_start3A_256 = arith.constant 80 : i32
      %dma_start3A_257 = arith.constant 0 : i32
      %dma_start3A_258 = tpu.memref_slice %arg13[%dma_start3A_256, %dma_start3A_257] : memref<256x128xf32, #tpu.memory_space<vmem>> -> memref<16x128xf32, #tpu.memory_space<vmem>>
      %dma_start3A_259 = arith.constant 0 : i32
      %dma_start3A_260 = tpu.memref_slice %arg3[%dma_start3A_259, %multiple_of3A_255] : memref<16x1000000xf32, #tpu.memory_space<hbm>> -> memref<16x128xf32, #tpu.memory_space<hbm>>
      %dma_start3A_261 = arith.constant 80 : i32
      %dma_start3A_262 = arith.constant 0 : i32
      %dma_start3A_263 = tpu.memref_slice %arg13[%dma_start3A_261, %dma_start3A_262] : memref<256x128xf32, #tpu.memory_space<vmem>> -> memref<16x128xf32, #tpu.memory_space<vmem>>
      %dma_start3A_264 = arith.constant 0 : i32
      %dma_start3A_265 = tpu.memref_slice %arg3[%dma_start3A_264, %multiple_of3A_255] : memref<16x1000000xf32, #tpu.memory_space<hbm>> -> memref<16x128xf32, #tpu.memory_space<hbm>>
      tpu.enqueue_dma source(%dma_start3A_265 : memref<16x128xf32, #tpu.memory_space<hbm>>) target(%dma_start3A_263 : memref<16x128xf32, #tpu.memory_space<vmem>>) target_semaphore(%arg15 : memref<!tpu.dma_semaphore, #tpu.memory_space<semaphore_mem>>)
      %slice3A_266 = vector.extract_strided_slice %and3A_20 {offsets = [6], sizes = [1], strides = [1]} : vector<16xi32> to vector<1xi32>
      %squeeze3A_267 = vector.extract %slice3A_266[0] : i32 from vector<1xi32>
      %multiple_of3A_268 = tpu.assume_multiple %squeeze3A_267, 128 : i32
      %dma_start3A_269 = arith.constant 96 : i32
      %dma_start3A_270 = arith.constant 0 : i32
      %dma_start3A_271 = tpu.memref_slice %arg11[%dma_start3A_269, %dma_start3A_270] : memref<256x128xf32, #tpu.memory_space<vmem>> -> memref<16x128xf32, #tpu.memory_space<vmem>>
      %dma_start3A_272 = arith.constant 0 : i32
      %dma_start3A_273 = tpu.memref_slice %arg2[%dma_start3A_272, %multiple_of3A_268] : memref<16x1000000xf32, #tpu.memory_space<hbm>> -> memref<16x128xf32, #tpu.memory_space<hbm>>
      %dma_start3A_274 = arith.constant 96 : i32
      %dma_start3A_275 = arith.constant 0 : i32
      %dma_start3A_276 = tpu.memref_slice %arg11[%dma_start3A_274, %dma_start3A_275] : memref<256x128xf32, #tpu.memory_space<vmem>> -> memref<16x128xf32, #tpu.memory_space<vmem>>
      %dma_start3A_277 = arith.constant 0 : i32
      %dma_start3A_278 = tpu.memref_slice %arg2[%dma_start3A_277, %multiple_of3A_268] : memref<16x1000000xf32, #tpu.memory_space<hbm>> -> memref<16x128xf32, #tpu.memory_space<hbm>>
      tpu.enqueue_dma source(%dma_start3A_278 : memref<16x128xf32, #tpu.memory_space<hbm>>) target(%dma_start3A_276 : memref<16x128xf32, #tpu.memory_space<vmem>>) target_semaphore(%arg15 : memref<!tpu.dma_semaphore, #tpu.memory_space<semaphore_mem>>)
      %slice3A_279 = vector.extract_strided_slice %and3A_23 {offsets = [6], sizes = [1], strides = [1]} : vector<16xi32> to vector<1xi32>
      %squeeze3A_280 = vector.extract %slice3A_279[0] : i32 from vector<1xi32>
      %multiple_of3A_281 = tpu.assume_multiple %squeeze3A_280, 128 : i32
      %dma_start3A_282 = arith.constant 96 : i32
      %dma_start3A_283 = arith.constant 0 : i32
      %dma_start3A_284 = tpu.memref_slice %arg12[%dma_start3A_282, %dma_start3A_283] : memref<256x128xf32, #tpu.memory_space<vmem>> -> memref<16x128xf32, #tpu.memory_space<vmem>>
      %dma_start3A_285 = arith.constant 0 : i32
      %dma_start3A_286 = tpu.memref_slice %arg3[%dma_start3A_285, %multiple_of3A_281] : memref<16x1000000xf32, #tpu.memory_space<hbm>> -> memref<16x128xf32, #tpu.memory_space<hbm>>
      %dma_start3A_287 = arith.constant 96 : i32
      %dma_start3A_288 = arith.constant 0 : i32
      %dma_start3A_289 = tpu.memref_slice %arg12[%dma_start3A_287, %dma_start3A_288] : memref<256x128xf32, #tpu.memory_space<vmem>> -> memref<16x128xf32, #tpu.memory_space<vmem>>
      %dma_start3A_290 = arith.constant 0 : i32
      %dma_start3A_291 = tpu.memref_slice %arg3[%dma_start3A_290, %multiple_of3A_281] : memref<16x1000000xf32, #tpu.memory_space<hbm>> -> memref<16x128xf32, #tpu.memory_space<hbm>>
      tpu.enqueue_dma source(%dma_start3A_291 : memref<16x128xf32, #tpu.memory_space<hbm>>) target(%dma_start3A_289 : memref<16x128xf32, #tpu.memory_space<vmem>>) target_semaphore(%arg15 : memref<!tpu.dma_semaphore, #tpu.memory_space<semaphore_mem>>)
      %slice3A_292 = vector.extract_strided_slice %and3A_26 {offsets = [6], sizes = [1], strides = [1]} : vector<16xi32> to vector<1xi32>
      %squeeze3A_293 = vector.extract %slice3A_292[0] : i32 from vector<1xi32>
      %multiple_of3A_294 = tpu.assume_multiple %squeeze3A_293, 128 : i32
      %dma_start3A_295 = arith.constant 96 : i32
      %dma_start3A_296 = arith.constant 0 : i32
      %dma_start3A_297 = tpu.memref_slice %arg13[%dma_start3A_295, %dma_start3A_296] : memref<256x128xf32, #tpu.memory_space<vmem>> -> memref<16x128xf32, #tpu.memory_space<vmem>>
      %dma_start3A_298 = arith.constant 0 : i32
      %dma_start3A_299 = tpu.memref_slice %arg3[%dma_start3A_298, %multiple_of3A_294] : memref<16x1000000xf32, #tpu.memory_space<hbm>> -> memref<16x128xf32, #tpu.memory_space<hbm>>
      %dma_start3A_300 = arith.constant 96 : i32
      %dma_start3A_301 = arith.constant 0 : i32
      %dma_start3A_302 = tpu.memref_slice %arg13[%dma_start3A_300, %dma_start3A_301] : memref<256x128xf32, #tpu.memory_space<vmem>> -> memref<16x128xf32, #tpu.memory_space<vmem>>
      %dma_start3A_303 = arith.constant 0 : i32
      %dma_start3A_304 = tpu.memref_slice %arg3[%dma_start3A_303, %multiple_of3A_294] : memref<16x1000000xf32, #tpu.memory_space<hbm>> -> memref<16x128xf32, #tpu.memory_space<hbm>>
      tpu.enqueue_dma source(%dma_start3A_304 : memref<16x128xf32, #tpu.memory_space<hbm>>) target(%dma_start3A_302 : memref<16x128xf32, #tpu.memory_space<vmem>>) target_semaphore(%arg15 : memref<!tpu.dma_semaphore, #tpu.memory_space<semaphore_mem>>)
      %slice3A_305 = vector.extract_strided_slice %and3A_20 {offsets = [7], sizes = [1], strides = [1]} : vector<16xi32> to vector<1xi32>
      %squeeze3A_306 = vector.extract %slice3A_305[0] : i32 from vector<1xi32>
      %multiple_of3A_307 = tpu.assume_multiple %squeeze3A_306, 128 : i32
      %dma_start3A_308 = arith.constant 112 : i32
      %dma_start3A_309 = arith.constant 0 : i32
      %dma_start3A_310 = tpu.memref_slice %arg11[%dma_start3A_308, %dma_start3A_309] : memref<256x128xf32, #tpu.memory_space<vmem>> -> memref<16x128xf32, #tpu.memory_space<vmem>>
      %dma_start3A_311 = arith.constant 0 : i32
      %dma_start3A_312 = tpu.memref_slice %arg2[%dma_start3A_311, %multiple_of3A_307] : memref<16x1000000xf32, #tpu.memory_space<hbm>> -> memref<16x128xf32, #tpu.memory_space<hbm>>
      %dma_start3A_313 = arith.constant 112 : i32
      %dma_start3A_314 = arith.constant 0 : i32
      %dma_start3A_315 = tpu.memref_slice %arg11[%dma_start3A_313, %dma_start3A_314] : memref<256x128xf32, #tpu.memory_space<vmem>> -> memref<16x128xf32, #tpu.memory_space<vmem>>
      %dma_start3A_316 = arith.constant 0 : i32
      %dma_start3A_317 = tpu.memref_slice %arg2[%dma_start3A_316, %multiple_of3A_307] : memref<16x1000000xf32, #tpu.memory_space<hbm>> -> memref<16x128xf32, #tpu.memory_space<hbm>>
      tpu.enqueue_dma source(%dma_start3A_317 : memref<16x128xf32, #tpu.memory_space<hbm>>) target(%dma_start3A_315 : memref<16x128xf32, #tpu.memory_space<vmem>>) target_semaphore(%arg15 : memref<!tpu.dma_semaphore, #tpu.memory_space<semaphore_mem>>)
      %slice3A_318 = vector.extract_strided_slice %and3A_23 {offsets = [7], sizes = [1], strides = [1]} : vector<16xi32> to vector<1xi32>
      %squeeze3A_319 = vector.extract %slice3A_318[0] : i32 from vector<1xi32>
      %multiple_of3A_320 = tpu.assume_multiple %squeeze3A_319, 128 : i32
      %dma_start3A_321 = arith.constant 112 : i32
      %dma_start3A_322 = arith.constant 0 : i32
      %dma_start3A_323 = tpu.memref_slice %arg12[%dma_start3A_321, %dma_start3A_322] : memref<256x128xf32, #tpu.memory_space<vmem>> -> memref<16x128xf32, #tpu.memory_space<vmem>>
      %dma_start3A_324 = arith.constant 0 : i32
      %dma_start3A_325 = tpu.memref_slice %arg3[%dma_start3A_324, %multiple_of3A_320] : memref<16x1000000xf32, #tpu.memory_space<hbm>> -> memref<16x128xf32, #tpu.memory_space<hbm>>
      %dma_start3A_326 = arith.constant 112 : i32
      %dma_start3A_327 = arith.constant 0 : i32
      %dma_start3A_328 = tpu.memref_slice %arg12[%dma_start3A_326, %dma_start3A_327] : memref<256x128xf32, #tpu.memory_space<vmem>> -> memref<16x128xf32, #tpu.memory_space<vmem>>
      %dma_start3A_329 = arith.constant 0 : i32
      %dma_start3A_330 = tpu.memref_slice %arg3[%dma_start3A_329, %multiple_of3A_320] : memref<16x1000000xf32, #tpu.memory_space<hbm>> -> memref<16x128xf32, #tpu.memory_space<hbm>>
      tpu.enqueue_dma source(%dma_start3A_330 : memref<16x128xf32, #tpu.memory_space<hbm>>) target(%dma_start3A_328 : memref<16x128xf32, #tpu.memory_space<vmem>>) target_semaphore(%arg15 : memref<!tpu.dma_semaphore, #tpu.memory_space<semaphore_mem>>)
      %slice3A_331 = vector.extract_strided_slice %and3A_26 {offsets = [7], sizes = [1], strides = [1]} : vector<16xi32> to vector<1xi32>
      %squeeze3A_332 = vector.extract %slice3A_331[0] : i32 from vector<1xi32>
      %multiple_of3A_333 = tpu.assume_multiple %squeeze3A_332, 128 : i32
      %dma_start3A_334 = arith.constant 112 : i32
      %dma_start3A_335 = arith.constant 0 : i32
      %dma_start3A_336 = tpu.memref_slice %arg13[%dma_start3A_334, %dma_start3A_335] : memref<256x128xf32, #tpu.memory_space<vmem>> -> memref<16x128xf32, #tpu.memory_space<vmem>>
      %dma_start3A_337 = arith.constant 0 : i32
      %dma_start3A_338 = tpu.memref_slice %arg3[%dma_start3A_337, %multiple_of3A_333] : memref<16x1000000xf32, #tpu.memory_space<hbm>> -> memref<16x128xf32, #tpu.memory_space<hbm>>
      %dma_start3A_339 = arith.constant 112 : i32
      %dma_start3A_340 = arith.constant 0 : i32
      %dma_start3A_341 = tpu.memref_slice %arg13[%dma_start3A_339, %dma_start3A_340] : memref<256x128xf32, #tpu.memory_space<vmem>> -> memref<16x128xf32, #tpu.memory_space<vmem>>
      %dma_start3A_342 = arith.constant 0 : i32
      %dma_start3A_343 = tpu.memref_slice %arg3[%dma_start3A_342, %multiple_of3A_333] : memref<16x1000000xf32, #tpu.memory_space<hbm>> -> memref<16x128xf32, #tpu.memory_space<hbm>>
      tpu.enqueue_dma source(%dma_start3A_343 : memref<16x128xf32, #tpu.memory_space<hbm>>) target(%dma_start3A_341 : memref<16x128xf32, #tpu.memory_space<vmem>>) target_semaphore(%arg15 : memref<!tpu.dma_semaphore, #tpu.memory_space<semaphore_mem>>)
      %slice3A_344 = vector.extract_strided_slice %and3A_20 {offsets = [8], sizes = [1], strides = [1]} : vector<16xi32> to vector<1xi32>
      %squeeze3A_345 = vector.extract %slice3A_344[0] : i32 from vector<1xi32>
      %multiple_of3A_346 = tpu.assume_multiple %squeeze3A_345, 128 : i32
      %dma_start3A_347 = arith.constant 128 : i32
      %dma_start3A_348 = arith.constant 0 : i32
      %dma_start3A_349 = tpu.memref_slice %arg11[%dma_start3A_347, %dma_start3A_348] : memref<256x128xf32, #tpu.memory_space<vmem>> -> memref<16x128xf32, #tpu.memory_space<vmem>>
      %dma_start3A_350 = arith.constant 0 : i32
      %dma_start3A_351 = tpu.memref_slice %arg2[%dma_start3A_350, %multiple_of3A_346] : memref<16x1000000xf32, #tpu.memory_space<hbm>> -> memref<16x128xf32, #tpu.memory_space<hbm>>
      %dma_start3A_352 = arith.constant 128 : i32
      %dma_start3A_353 = arith.constant 0 : i32
      %dma_start3A_354 = tpu.memref_slice %arg11[%dma_start3A_352, %dma_start3A_353] : memref<256x128xf32, #tpu.memory_space<vmem>> -> memref<16x128xf32, #tpu.memory_space<vmem>>
      %dma_start3A_355 = arith.constant 0 : i32
      %dma_start3A_356 = tpu.memref_slice %arg2[%dma_start3A_355, %multiple_of3A_346] : memref<16x1000000xf32, #tpu.memory_space<hbm>> -> memref<16x128xf32, #tpu.memory_space<hbm>>
      tpu.enqueue_dma source(%dma_start3A_356 : memref<16x128xf32, #tpu.memory_space<hbm>>) target(%dma_start3A_354 : memref<16x128xf32, #tpu.memory_space<vmem>>) target_semaphore(%arg15 : memref<!tpu.dma_semaphore, #tpu.memory_space<semaphore_mem>>)
      %slice3A_357 = vector.extract_strided_slice %and3A_23 {offsets = [8], sizes = [1], strides = [1]} : vector<16xi32> to vector<1xi32>
      %squeeze3A_358 = vector.extract %slice3A_357[0] : i32 from vector<1xi32>
      %multiple_of3A_359 = tpu.assume_multiple %squeeze3A_358, 128 : i32
      %dma_start3A_360 = arith.constant 128 : i32
      %dma_start3A_361 = arith.constant 0 : i32
      %dma_start3A_362 = tpu.memref_slice %arg12[%dma_start3A_360, %dma_start3A_361] : memref<256x128xf32, #tpu.memory_space<vmem>> -> memref<16x128xf32, #tpu.memory_space<vmem>>
      %dma_start3A_363 = arith.constant 0 : i32
      %dma_start3A_364 = tpu.memref_slice %arg3[%dma_start3A_363, %multiple_of3A_359] : memref<16x1000000xf32, #tpu.memory_space<hbm>> -> memref<16x128xf32, #tpu.memory_space<hbm>>
      %dma_start3A_365 = arith.constant 128 : i32
      %dma_start3A_366 = arith.constant 0 : i32
      %dma_start3A_367 = tpu.memref_slice %arg12[%dma_start3A_365, %dma_start3A_366] : memref<256x128xf32, #tpu.memory_space<vmem>> -> memref<16x128xf32, #tpu.memory_space<vmem>>
      %dma_start3A_368 = arith.constant 0 : i32
      %dma_start3A_369 = tpu.memref_slice %arg3[%dma_start3A_368, %multiple_of3A_359] : memref<16x1000000xf32, #tpu.memory_space<hbm>> -> memref<16x128xf32, #tpu.memory_space<hbm>>
      tpu.enqueue_dma source(%dma_start3A_369 : memref<16x128xf32, #tpu.memory_space<hbm>>) target(%dma_start3A_367 : memref<16x128xf32, #tpu.memory_space<vmem>>) target_semaphore(%arg15 : memref<!tpu.dma_semaphore, #tpu.memory_space<semaphore_mem>>)
      %slice3A_370 = vector.extract_strided_slice %and3A_26 {offsets = [8], sizes = [1], strides = [1]} : vector<16xi32> to vector<1xi32>
      %squeeze3A_371 = vector.extract %slice3A_370[0] : i32 from vector<1xi32>
      %multiple_of3A_372 = tpu.assume_multiple %squeeze3A_371, 128 : i32
      %dma_start3A_373 = arith.constant 128 : i32
      %dma_start3A_374 = arith.constant 0 : i32
      %dma_start3A_375 = tpu.memref_slice %arg13[%dma_start3A_373, %dma_start3A_374] : memref<256x128xf32, #tpu.memory_space<vmem>> -> memref<16x128xf32, #tpu.memory_space<vmem>>
      %dma_start3A_376 = arith.constant 0 : i32
      %dma_start3A_377 = tpu.memref_slice %arg3[%dma_start3A_376, %multiple_of3A_372] : memref<16x1000000xf32, #tpu.memory_space<hbm>> -> memref<16x128xf32, #tpu.memory_space<hbm>>
      %dma_start3A_378 = arith.constant 128 : i32
      %dma_start3A_379 = arith.constant 0 : i32
      %dma_start3A_380 = tpu.memref_slice %arg13[%dma_start3A_378, %dma_start3A_379] : memref<256x128xf32, #tpu.memory_space<vmem>> -> memref<16x128xf32, #tpu.memory_space<vmem>>
      %dma_start3A_381 = arith.constant 0 : i32
      %dma_start3A_382 = tpu.memref_slice %arg3[%dma_start3A_381, %multiple_of3A_372] : memref<16x1000000xf32, #tpu.memory_space<hbm>> -> memref<16x128xf32, #tpu.memory_space<hbm>>
      tpu.enqueue_dma source(%dma_start3A_382 : memref<16x128xf32, #tpu.memory_space<hbm>>) target(%dma_start3A_380 : memref<16x128xf32, #tpu.memory_space<vmem>>) target_semaphore(%arg15 : memref<!tpu.dma_semaphore, #tpu.memory_space<semaphore_mem>>)
      %slice3A_383 = vector.extract_strided_slice %and3A_20 {offsets = [9], sizes = [1], strides = [1]} : vector<16xi32> to vector<1xi32>
      %squeeze3A_384 = vector.extract %slice3A_383[0] : i32 from vector<1xi32>
      %multiple_of3A_385 = tpu.assume_multiple %squeeze3A_384, 128 : i32
      %dma_start3A_386 = arith.constant 144 : i32
      %dma_start3A_387 = arith.constant 0 : i32
      %dma_start3A_388 = tpu.memref_slice %arg11[%dma_start3A_386, %dma_start3A_387] : memref<256x128xf32, #tpu.memory_space<vmem>> -> memref<16x128xf32, #tpu.memory_space<vmem>>
      %dma_start3A_389 = arith.constant 0 : i32
      %dma_start3A_390 = tpu.memref_slice %arg2[%dma_start3A_389, %multiple_of3A_385] : memref<16x1000000xf32, #tpu.memory_space<hbm>> -> memref<16x128xf32, #tpu.memory_space<hbm>>
      %dma_start3A_391 = arith.constant 144 : i32
      %dma_start3A_392 = arith.constant 0 : i32
      %dma_start3A_393 = tpu.memref_slice %arg11[%dma_start3A_391, %dma_start3A_392] : memref<256x128xf32, #tpu.memory_space<vmem>> -> memref<16x128xf32, #tpu.memory_space<vmem>>
      %dma_start3A_394 = arith.constant 0 : i32
      %dma_start3A_395 = tpu.memref_slice %arg2[%dma_start3A_394, %multiple_of3A_385] : memref<16x1000000xf32, #tpu.memory_space<hbm>> -> memref<16x128xf32, #tpu.memory_space<hbm>>
      tpu.enqueue_dma source(%dma_start3A_395 : memref<16x128xf32, #tpu.memory_space<hbm>>) target(%dma_start3A_393 : memref<16x128xf32, #tpu.memory_space<vmem>>) target_semaphore(%arg15 : memref<!tpu.dma_semaphore, #tpu.memory_space<semaphore_mem>>)
      %slice3A_396 = vector.extract_strided_slice %and3A_23 {offsets = [9], sizes = [1], strides = [1]} : vector<16xi32> to vector<1xi32>
      %squeeze3A_397 = vector.extract %slice3A_396[0] : i32 from vector<1xi32>
      %multiple_of3A_398 = tpu.assume_multiple %squeeze3A_397, 128 : i32
      %dma_start3A_399 = arith.constant 144 : i32
      %dma_start3A_400 = arith.constant 0 : i32
      %dma_start3A_401 = tpu.memref_slice %arg12[%dma_start3A_399, %dma_start3A_400] : memref<256x128xf32, #tpu.memory_space<vmem>> -> memref<16x128xf32, #tpu.memory_space<vmem>>
      %dma_start3A_402 = arith.constant 0 : i32
      %dma_start3A_403 = tpu.memref_slice %arg3[%dma_start3A_402, %multiple_of3A_398] : memref<16x1000000xf32, #tpu.memory_space<hbm>> -> memref<16x128xf32, #tpu.memory_space<hbm>>
      %dma_start3A_404 = arith.constant 144 : i32
      %dma_start3A_405 = arith.constant 0 : i32
      %dma_start3A_406 = tpu.memref_slice %arg12[%dma_start3A_404, %dma_start3A_405] : memref<256x128xf32, #tpu.memory_space<vmem>> -> memref<16x128xf32, #tpu.memory_space<vmem>>
      %dma_start3A_407 = arith.constant 0 : i32
      %dma_start3A_408 = tpu.memref_slice %arg3[%dma_start3A_407, %multiple_of3A_398] : memref<16x1000000xf32, #tpu.memory_space<hbm>> -> memref<16x128xf32, #tpu.memory_space<hbm>>
      tpu.enqueue_dma source(%dma_start3A_408 : memref<16x128xf32, #tpu.memory_space<hbm>>) target(%dma_start3A_406 : memref<16x128xf32, #tpu.memory_space<vmem>>) target_semaphore(%arg15 : memref<!tpu.dma_semaphore, #tpu.memory_space<semaphore_mem>>)
      %slice3A_409 = vector.extract_strided_slice %and3A_26 {offsets = [9], sizes = [1], strides = [1]} : vector<16xi32> to vector<1xi32>
      %squeeze3A_410 = vector.extract %slice3A_409[0] : i32 from vector<1xi32>
      %multiple_of3A_411 = tpu.assume_multiple %squeeze3A_410, 128 : i32
      %dma_start3A_412 = arith.constant 144 : i32
      %dma_start3A_413 = arith.constant 0 : i32
      %dma_start3A_414 = tpu.memref_slice %arg13[%dma_start3A_412, %dma_start3A_413] : memref<256x128xf32, #tpu.memory_space<vmem>> -> memref<16x128xf32, #tpu.memory_space<vmem>>
      %dma_start3A_415 = arith.constant 0 : i32
      %dma_start3A_416 = tpu.memref_slice %arg3[%dma_start3A_415, %multiple_of3A_411] : memref<16x1000000xf32, #tpu.memory_space<hbm>> -> memref<16x128xf32, #tpu.memory_space<hbm>>
      %dma_start3A_417 = arith.constant 144 : i32
      %dma_start3A_418 = arith.constant 0 : i32
      %dma_start3A_419 = tpu.memref_slice %arg13[%dma_start3A_417, %dma_start3A_418] : memref<256x128xf32, #tpu.memory_space<vmem>> -> memref<16x128xf32, #tpu.memory_space<vmem>>
      %dma_start3A_420 = arith.constant 0 : i32
      %dma_start3A_421 = tpu.memref_slice %arg3[%dma_start3A_420, %multiple_of3A_411] : memref<16x1000000xf32, #tpu.memory_space<hbm>> -> memref<16x128xf32, #tpu.memory_space<hbm>>
      tpu.enqueue_dma source(%dma_start3A_421 : memref<16x128xf32, #tpu.memory_space<hbm>>) target(%dma_start3A_419 : memref<16x128xf32, #tpu.memory_space<vmem>>) target_semaphore(%arg15 : memref<!tpu.dma_semaphore, #tpu.memory_space<semaphore_mem>>)
      %slice3A_422 = vector.extract_strided_slice %and3A_20 {offsets = [10], sizes = [1], strides = [1]} : vector<16xi32> to vector<1xi32>
      %squeeze3A_423 = vector.extract %slice3A_422[0] : i32 from vector<1xi32>
      %multiple_of3A_424 = tpu.assume_multiple %squeeze3A_423, 128 : i32
      %dma_start3A_425 = arith.constant 160 : i32
      %dma_start3A_426 = arith.constant 0 : i32
      %dma_start3A_427 = tpu.memref_slice %arg11[%dma_start3A_425, %dma_start3A_426] : memref<256x128xf32, #tpu.memory_space<vmem>> -> memref<16x128xf32, #tpu.memory_space<vmem>>
      %dma_start3A_428 = arith.constant 0 : i32
      %dma_start3A_429 = tpu.memref_slice %arg2[%dma_start3A_428, %multiple_of3A_424] : memref<16x1000000xf32, #tpu.memory_space<hbm>> -> memref<16x128xf32, #tpu.memory_space<hbm>>
      %dma_start3A_430 = arith.constant 160 : i32
      %dma_start3A_431 = arith.constant 0 : i32
      %dma_start3A_432 = tpu.memref_slice %arg11[%dma_start3A_430, %dma_start3A_431] : memref<256x128xf32, #tpu.memory_space<vmem>> -> memref<16x128xf32, #tpu.memory_space<vmem>>
      %dma_start3A_433 = arith.constant 0 : i32
      %dma_start3A_434 = tpu.memref_slice %arg2[%dma_start3A_433, %multiple_of3A_424] : memref<16x1000000xf32, #tpu.memory_space<hbm>> -> memref<16x128xf32, #tpu.memory_space<hbm>>
      tpu.enqueue_dma source(%dma_start3A_434 : memref<16x128xf32, #tpu.memory_space<hbm>>) target(%dma_start3A_432 : memref<16x128xf32, #tpu.memory_space<vmem>>) target_semaphore(%arg15 : memref<!tpu.dma_semaphore, #tpu.memory_space<semaphore_mem>>)
      %slice3A_435 = vector.extract_strided_slice %and3A_23 {offsets = [10], sizes = [1], strides = [1]} : vector<16xi32> to vector<1xi32>
      %squeeze3A_436 = vector.extract %slice3A_435[0] : i32 from vector<1xi32>
      %multiple_of3A_437 = tpu.assume_multiple %squeeze3A_436, 128 : i32
      %dma_start3A_438 = arith.constant 160 : i32
      %dma_start3A_439 = arith.constant 0 : i32
      %dma_start3A_440 = tpu.memref_slice %arg12[%dma_start3A_438, %dma_start3A_439] : memref<256x128xf32, #tpu.memory_space<vmem>> -> memref<16x128xf32, #tpu.memory_space<vmem>>
      %dma_start3A_441 = arith.constant 0 : i32
      %dma_start3A_442 = tpu.memref_slice %arg3[%dma_start3A_441, %multiple_of3A_437] : memref<16x1000000xf32, #tpu.memory_space<hbm>> -> memref<16x128xf32, #tpu.memory_space<hbm>>
      %dma_start3A_443 = arith.constant 160 : i32
      %dma_start3A_444 = arith.constant 0 : i32
      %dma_start3A_445 = tpu.memref_slice %arg12[%dma_start3A_443, %dma_start3A_444] : memref<256x128xf32, #tpu.memory_space<vmem>> -> memref<16x128xf32, #tpu.memory_space<vmem>>
      %dma_start3A_446 = arith.constant 0 : i32
      %dma_start3A_447 = tpu.memref_slice %arg3[%dma_start3A_446, %multiple_of3A_437] : memref<16x1000000xf32, #tpu.memory_space<hbm>> -> memref<16x128xf32, #tpu.memory_space<hbm>>
      tpu.enqueue_dma source(%dma_start3A_447 : memref<16x128xf32, #tpu.memory_space<hbm>>) target(%dma_start3A_445 : memref<16x128xf32, #tpu.memory_space<vmem>>) target_semaphore(%arg15 : memref<!tpu.dma_semaphore, #tpu.memory_space<semaphore_mem>>)
      %slice3A_448 = vector.extract_strided_slice %and3A_26 {offsets = [10], sizes = [1], strides = [1]} : vector<16xi32> to vector<1xi32>
      %squeeze3A_449 = vector.extract %slice3A_448[0] : i32 from vector<1xi32>
      %multiple_of3A_450 = tpu.assume_multiple %squeeze3A_449, 128 : i32
      %dma_start3A_451 = arith.constant 160 : i32
      %dma_start3A_452 = arith.constant 0 : i32
      %dma_start3A_453 = tpu.memref_slice %arg13[%dma_start3A_451, %dma_start3A_452] : memref<256x128xf32, #tpu.memory_space<vmem>> -> memref<16x128xf32, #tpu.memory_space<vmem>>
      %dma_start3A_454 = arith.constant 0 : i32
      %dma_start3A_455 = tpu.memref_slice %arg3[%dma_start3A_454, %multiple_of3A_450] : memref<16x1000000xf32, #tpu.memory_space<hbm>> -> memref<16x128xf32, #tpu.memory_space<hbm>>
      %dma_start3A_456 = arith.constant 160 : i32
      %dma_start3A_457 = arith.constant 0 : i32
      %dma_start3A_458 = tpu.memref_slice %arg13[%dma_start3A_456, %dma_start3A_457] : memref<256x128xf32, #tpu.memory_space<vmem>> -> memref<16x128xf32, #tpu.memory_space<vmem>>
      %dma_start3A_459 = arith.constant 0 : i32
      %dma_start3A_460 = tpu.memref_slice %arg3[%dma_start3A_459, %multiple_of3A_450] : memref<16x1000000xf32, #tpu.memory_space<hbm>> -> memref<16x128xf32, #tpu.memory_space<hbm>>
      tpu.enqueue_dma source(%dma_start3A_460 : memref<16x128xf32, #tpu.memory_space<hbm>>) target(%dma_start3A_458 : memref<16x128xf32, #tpu.memory_space<vmem>>) target_semaphore(%arg15 : memref<!tpu.dma_semaphore, #tpu.memory_space<semaphore_mem>>)
      %slice3A_461 = vector.extract_strided_slice %and3A_20 {offsets = [11], sizes = [1], strides = [1]} : vector<16xi32> to vector<1xi32>
      %squeeze3A_462 = vector.extract %slice3A_461[0] : i32 from vector<1xi32>
      %multiple_of3A_463 = tpu.assume_multiple %squeeze3A_462, 128 : i32
      %dma_start3A_464 = arith.constant 176 : i32
      %dma_start3A_465 = arith.constant 0 : i32
      %dma_start3A_466 = tpu.memref_slice %arg11[%dma_start3A_464, %dma_start3A_465] : memref<256x128xf32, #tpu.memory_space<vmem>> -> memref<16x128xf32, #tpu.memory_space<vmem>>
      %dma_start3A_467 = arith.constant 0 : i32
      %dma_start3A_468 = tpu.memref_slice %arg2[%dma_start3A_467, %multiple_of3A_463] : memref<16x1000000xf32, #tpu.memory_space<hbm>> -> memref<16x128xf32, #tpu.memory_space<hbm>>
      %dma_start3A_469 = arith.constant 176 : i32
      %dma_start3A_470 = arith.constant 0 : i32
      %dma_start3A_471 = tpu.memref_slice %arg11[%dma_start3A_469, %dma_start3A_470] : memref<256x128xf32, #tpu.memory_space<vmem>> -> memref<16x128xf32, #tpu.memory_space<vmem>>
      %dma_start3A_472 = arith.constant 0 : i32
      %dma_start3A_473 = tpu.memref_slice %arg2[%dma_start3A_472, %multiple_of3A_463] : memref<16x1000000xf32, #tpu.memory_space<hbm>> -> memref<16x128xf32, #tpu.memory_space<hbm>>
      tpu.enqueue_dma source(%dma_start3A_473 : memref<16x128xf32, #tpu.memory_space<hbm>>) target(%dma_start3A_471 : memref<16x128xf32, #tpu.memory_space<vmem>>) target_semaphore(%arg15 : memref<!tpu.dma_semaphore, #tpu.memory_space<semaphore_mem>>)
      %slice3A_474 = vector.extract_strided_slice %and3A_23 {offsets = [11], sizes = [1], strides = [1]} : vector<16xi32> to vector<1xi32>
      %squeeze3A_475 = vector.extract %slice3A_474[0] : i32 from vector<1xi32>
      %multiple_of3A_476 = tpu.assume_multiple %squeeze3A_475, 128 : i32
      %dma_start3A_477 = arith.constant 176 : i32
      %dma_start3A_478 = arith.constant 0 : i32
      %dma_start3A_479 = tpu.memref_slice %arg12[%dma_start3A_477, %dma_start3A_478] : memref<256x128xf32, #tpu.memory_space<vmem>> -> memref<16x128xf32, #tpu.memory_space<vmem>>
      %dma_start3A_480 = arith.constant 0 : i32
      %dma_start3A_481 = tpu.memref_slice %arg3[%dma_start3A_480, %multiple_of3A_476] : memref<16x1000000xf32, #tpu.memory_space<hbm>> -> memref<16x128xf32, #tpu.memory_space<hbm>>
      %dma_start3A_482 = arith.constant 176 : i32
      %dma_start3A_483 = arith.constant 0 : i32
      %dma_start3A_484 = tpu.memref_slice %arg12[%dma_start3A_482, %dma_start3A_483] : memref<256x128xf32, #tpu.memory_space<vmem>> -> memref<16x128xf32, #tpu.memory_space<vmem>>
      %dma_start3A_485 = arith.constant 0 : i32
      %dma_start3A_486 = tpu.memref_slice %arg3[%dma_start3A_485, %multiple_of3A_476] : memref<16x1000000xf32, #tpu.memory_space<hbm>> -> memref<16x128xf32, #tpu.memory_space<hbm>>
      tpu.enqueue_dma source(%dma_start3A_486 : memref<16x128xf32, #tpu.memory_space<hbm>>) target(%dma_start3A_484 : memref<16x128xf32, #tpu.memory_space<vmem>>) target_semaphore(%arg15 : memref<!tpu.dma_semaphore, #tpu.memory_space<semaphore_mem>>)
      %slice3A_487 = vector.extract_strided_slice %and3A_26 {offsets = [11], sizes = [1], strides = [1]} : vector<16xi32> to vector<1xi32>
      %squeeze3A_488 = vector.extract %slice3A_487[0] : i32 from vector<1xi32>
      %multiple_of3A_489 = tpu.assume_multiple %squeeze3A_488, 128 : i32
      %dma_start3A_490 = arith.constant 176 : i32
      %dma_start3A_491 = arith.constant 0 : i32
      %dma_start3A_492 = tpu.memref_slice %arg13[%dma_start3A_490, %dma_start3A_491] : memref<256x128xf32, #tpu.memory_space<vmem>> -> memref<16x128xf32, #tpu.memory_space<vmem>>
      %dma_start3A_493 = arith.constant 0 : i32
      %dma_start3A_494 = tpu.memref_slice %arg3[%dma_start3A_493, %multiple_of3A_489] : memref<16x1000000xf32, #tpu.memory_space<hbm>> -> memref<16x128xf32, #tpu.memory_space<hbm>>
      %dma_start3A_495 = arith.constant 176 : i32
      %dma_start3A_496 = arith.constant 0 : i32
      %dma_start3A_497 = tpu.memref_slice %arg13[%dma_start3A_495, %dma_start3A_496] : memref<256x128xf32, #tpu.memory_space<vmem>> -> memref<16x128xf32, #tpu.memory_space<vmem>>
      %dma_start3A_498 = arith.constant 0 : i32
      %dma_start3A_499 = tpu.memref_slice %arg3[%dma_start3A_498, %multiple_of3A_489] : memref<16x1000000xf32, #tpu.memory_space<hbm>> -> memref<16x128xf32, #tpu.memory_space<hbm>>
      tpu.enqueue_dma source(%dma_start3A_499 : memref<16x128xf32, #tpu.memory_space<hbm>>) target(%dma_start3A_497 : memref<16x128xf32, #tpu.memory_space<vmem>>) target_semaphore(%arg15 : memref<!tpu.dma_semaphore, #tpu.memory_space<semaphore_mem>>)
      %slice3A_500 = vector.extract_strided_slice %and3A_20 {offsets = [12], sizes = [1], strides = [1]} : vector<16xi32> to vector<1xi32>
      %squeeze3A_501 = vector.extract %slice3A_500[0] : i32 from vector<1xi32>
      %multiple_of3A_502 = tpu.assume_multiple %squeeze3A_501, 128 : i32
      %dma_start3A_503 = arith.constant 192 : i32
      %dma_start3A_504 = arith.constant 0 : i32
      %dma_start3A_505 = tpu.memref_slice %arg11[%dma_start3A_503, %dma_start3A_504] : memref<256x128xf32, #tpu.memory_space<vmem>> -> memref<16x128xf32, #tpu.memory_space<vmem>>
      %dma_start3A_506 = arith.constant 0 : i32
      %dma_start3A_507 = tpu.memref_slice %arg2[%dma_start3A_506, %multiple_of3A_502] : memref<16x1000000xf32, #tpu.memory_space<hbm>> -> memref<16x128xf32, #tpu.memory_space<hbm>>
      %dma_start3A_508 = arith.constant 192 : i32
      %dma_start3A_509 = arith.constant 0 : i32
      %dma_start3A_510 = tpu.memref_slice %arg11[%dma_start3A_508, %dma_start3A_509] : memref<256x128xf32, #tpu.memory_space<vmem>> -> memref<16x128xf32, #tpu.memory_space<vmem>>
      %dma_start3A_511 = arith.constant 0 : i32
      %dma_start3A_512 = tpu.memref_slice %arg2[%dma_start3A_511, %multiple_of3A_502] : memref<16x1000000xf32, #tpu.memory_space<hbm>> -> memref<16x128xf32, #tpu.memory_space<hbm>>
      tpu.enqueue_dma source(%dma_start3A_512 : memref<16x128xf32, #tpu.memory_space<hbm>>) target(%dma_start3A_510 : memref<16x128xf32, #tpu.memory_space<vmem>>) target_semaphore(%arg15 : memref<!tpu.dma_semaphore, #tpu.memory_space<semaphore_mem>>)
      %slice3A_513 = vector.extract_strided_slice %and3A_23 {offsets = [12], sizes = [1], strides = [1]} : vector<16xi32> to vector<1xi32>
      %squeeze3A_514 = vector.extract %slice3A_513[0] : i32 from vector<1xi32>
      %multiple_of3A_515 = tpu.assume_multiple %squeeze3A_514, 128 : i32
      %dma_start3A_516 = arith.constant 192 : i32
      %dma_start3A_517 = arith.constant 0 : i32
      %dma_start3A_518 = tpu.memref_slice %arg12[%dma_start3A_516, %dma_start3A_517] : memref<256x128xf32, #tpu.memory_space<vmem>> -> memref<16x128xf32, #tpu.memory_space<vmem>>
      %dma_start3A_519 = arith.constant 0 : i32
      %dma_start3A_520 = tpu.memref_slice %arg3[%dma_start3A_519, %multiple_of3A_515] : memref<16x1000000xf32, #tpu.memory_space<hbm>> -> memref<16x128xf32, #tpu.memory_space<hbm>>
      %dma_start3A_521 = arith.constant 192 : i32
      %dma_start3A_522 = arith.constant 0 : i32
      %dma_start3A_523 = tpu.memref_slice %arg12[%dma_start3A_521, %dma_start3A_522] : memref<256x128xf32, #tpu.memory_space<vmem>> -> memref<16x128xf32, #tpu.memory_space<vmem>>
      %dma_start3A_524 = arith.constant 0 : i32
      %dma_start3A_525 = tpu.memref_slice %arg3[%dma_start3A_524, %multiple_of3A_515] : memref<16x1000000xf32, #tpu.memory_space<hbm>> -> memref<16x128xf32, #tpu.memory_space<hbm>>
      tpu.enqueue_dma source(%dma_start3A_525 : memref<16x128xf32, #tpu.memory_space<hbm>>) target(%dma_start3A_523 : memref<16x128xf32, #tpu.memory_space<vmem>>) target_semaphore(%arg15 : memref<!tpu.dma_semaphore, #tpu.memory_space<semaphore_mem>>)
      %slice3A_526 = vector.extract_strided_slice %and3A_26 {offsets = [12], sizes = [1], strides = [1]} : vector<16xi32> to vector<1xi32>
      %squeeze3A_527 = vector.extract %slice3A_526[0] : i32 from vector<1xi32>
      %multiple_of3A_528 = tpu.assume_multiple %squeeze3A_527, 128 : i32
      %dma_start3A_529 = arith.constant 192 : i32
      %dma_start3A_530 = arith.constant 0 : i32
      %dma_start3A_531 = tpu.memref_slice %arg13[%dma_start3A_529, %dma_start3A_530] : memref<256x128xf32, #tpu.memory_space<vmem>> -> memref<16x128xf32, #tpu.memory_space<vmem>>
      %dma_start3A_532 = arith.constant 0 : i32
      %dma_start3A_533 = tpu.memref_slice %arg3[%dma_start3A_532, %multiple_of3A_528] : memref<16x1000000xf32, #tpu.memory_space<hbm>> -> memref<16x128xf32, #tpu.memory_space<hbm>>
      %dma_start3A_534 = arith.constant 192 : i32
      %dma_start3A_535 = arith.constant 0 : i32
      %dma_start3A_536 = tpu.memref_slice %arg13[%dma_start3A_534, %dma_start3A_535] : memref<256x128xf32, #tpu.memory_space<vmem>> -> memref<16x128xf32, #tpu.memory_space<vmem>>
      %dma_start3A_537 = arith.constant 0 : i32
      %dma_start3A_538 = tpu.memref_slice %arg3[%dma_start3A_537, %multiple_of3A_528] : memref<16x1000000xf32, #tpu.memory_space<hbm>> -> memref<16x128xf32, #tpu.memory_space<hbm>>
      tpu.enqueue_dma source(%dma_start3A_538 : memref<16x128xf32, #tpu.memory_space<hbm>>) target(%dma_start3A_536 : memref<16x128xf32, #tpu.memory_space<vmem>>) target_semaphore(%arg15 : memref<!tpu.dma_semaphore, #tpu.memory_space<semaphore_mem>>)
      %slice3A_539 = vector.extract_strided_slice %and3A_20 {offsets = [13], sizes = [1], strides = [1]} : vector<16xi32> to vector<1xi32>
      %squeeze3A_540 = vector.extract %slice3A_539[0] : i32 from vector<1xi32>
      %multiple_of3A_541 = tpu.assume_multiple %squeeze3A_540, 128 : i32
      %dma_start3A_542 = arith.constant 208 : i32
      %dma_start3A_543 = arith.constant 0 : i32
      %dma_start3A_544 = tpu.memref_slice %arg11[%dma_start3A_542, %dma_start3A_543] : memref<256x128xf32, #tpu.memory_space<vmem>> -> memref<16x128xf32, #tpu.memory_space<vmem>>
      %dma_start3A_545 = arith.constant 0 : i32
      %dma_start3A_546 = tpu.memref_slice %arg2[%dma_start3A_545, %multiple_of3A_541] : memref<16x1000000xf32, #tpu.memory_space<hbm>> -> memref<16x128xf32, #tpu.memory_space<hbm>>
      %dma_start3A_547 = arith.constant 208 : i32
      %dma_start3A_548 = arith.constant 0 : i32
      %dma_start3A_549 = tpu.memref_slice %arg11[%dma_start3A_547, %dma_start3A_548] : memref<256x128xf32, #tpu.memory_space<vmem>> -> memref<16x128xf32, #tpu.memory_space<vmem>>
      %dma_start3A_550 = arith.constant 0 : i32
      %dma_start3A_551 = tpu.memref_slice %arg2[%dma_start3A_550, %multiple_of3A_541] : memref<16x1000000xf32, #tpu.memory_space<hbm>> -> memref<16x128xf32, #tpu.memory_space<hbm>>
      tpu.enqueue_dma source(%dma_start3A_551 : memref<16x128xf32, #tpu.memory_space<hbm>>) target(%dma_start3A_549 : memref<16x128xf32, #tpu.memory_space<vmem>>) target_semaphore(%arg15 : memref<!tpu.dma_semaphore, #tpu.memory_space<semaphore_mem>>)
      %slice3A_552 = vector.extract_strided_slice %and3A_23 {offsets = [13], sizes = [1], strides = [1]} : vector<16xi32> to vector<1xi32>
      %squeeze3A_553 = vector.extract %slice3A_552[0] : i32 from vector<1xi32>
      %multiple_of3A_554 = tpu.assume_multiple %squeeze3A_553, 128 : i32
      %dma_start3A_555 = arith.constant 208 : i32
      %dma_start3A_556 = arith.constant 0 : i32
      %dma_start3A_557 = tpu.memref_slice %arg12[%dma_start3A_555, %dma_start3A_556] : memref<256x128xf32, #tpu.memory_space<vmem>> -> memref<16x128xf32, #tpu.memory_space<vmem>>
      %dma_start3A_558 = arith.constant 0 : i32
      %dma_start3A_559 = tpu.memref_slice %arg3[%dma_start3A_558, %multiple_of3A_554] : memref<16x1000000xf32, #tpu.memory_space<hbm>> -> memref<16x128xf32, #tpu.memory_space<hbm>>
      %dma_start3A_560 = arith.constant 208 : i32
      %dma_start3A_561 = arith.constant 0 : i32
      %dma_start3A_562 = tpu.memref_slice %arg12[%dma_start3A_560, %dma_start3A_561] : memref<256x128xf32, #tpu.memory_space<vmem>> -> memref<16x128xf32, #tpu.memory_space<vmem>>
      %dma_start3A_563 = arith.constant 0 : i32
      %dma_start3A_564 = tpu.memref_slice %arg3[%dma_start3A_563, %multiple_of3A_554] : memref<16x1000000xf32, #tpu.memory_space<hbm>> -> memref<16x128xf32, #tpu.memory_space<hbm>>
      tpu.enqueue_dma source(%dma_start3A_564 : memref<16x128xf32, #tpu.memory_space<hbm>>) target(%dma_start3A_562 : memref<16x128xf32, #tpu.memory_space<vmem>>) target_semaphore(%arg15 : memref<!tpu.dma_semaphore, #tpu.memory_space<semaphore_mem>>)
      %slice3A_565 = vector.extract_strided_slice %and3A_26 {offsets = [13], sizes = [1], strides = [1]} : vector<16xi32> to vector<1xi32>
      %squeeze3A_566 = vector.extract %slice3A_565[0] : i32 from vector<1xi32>
      %multiple_of3A_567 = tpu.assume_multiple %squeeze3A_566, 128 : i32
      %dma_start3A_568 = arith.constant 208 : i32
      %dma_start3A_569 = arith.constant 0 : i32
      %dma_start3A_570 = tpu.memref_slice %arg13[%dma_start3A_568, %dma_start3A_569] : memref<256x128xf32, #tpu.memory_space<vmem>> -> memref<16x128xf32, #tpu.memory_space<vmem>>
      %dma_start3A_571 = arith.constant 0 : i32
      %dma_start3A_572 = tpu.memref_slice %arg3[%dma_start3A_571, %multiple_of3A_567] : memref<16x1000000xf32, #tpu.memory_space<hbm>> -> memref<16x128xf32, #tpu.memory_space<hbm>>
      %dma_start3A_573 = arith.constant 208 : i32
      %dma_start3A_574 = arith.constant 0 : i32
      %dma_start3A_575 = tpu.memref_slice %arg13[%dma_start3A_573, %dma_start3A_574] : memref<256x128xf32, #tpu.memory_space<vmem>> -> memref<16x128xf32, #tpu.memory_space<vmem>>
      %dma_start3A_576 = arith.constant 0 : i32
      %dma_start3A_577 = tpu.memref_slice %arg3[%dma_start3A_576, %multiple_of3A_567] : memref<16x1000000xf32, #tpu.memory_space<hbm>> -> memref<16x128xf32, #tpu.memory_space<hbm>>
      tpu.enqueue_dma source(%dma_start3A_577 : memref<16x128xf32, #tpu.memory_space<hbm>>) target(%dma_start3A_575 : memref<16x128xf32, #tpu.memory_space<vmem>>) target_semaphore(%arg15 : memref<!tpu.dma_semaphore, #tpu.memory_space<semaphore_mem>>)
      %slice3A_578 = vector.extract_strided_slice %and3A_20 {offsets = [14], sizes = [1], strides = [1]} : vector<16xi32> to vector<1xi32>
      %squeeze3A_579 = vector.extract %slice3A_578[0] : i32 from vector<1xi32>
      %multiple_of3A_580 = tpu.assume_multiple %squeeze3A_579, 128 : i32
      %dma_start3A_581 = arith.constant 224 : i32
      %dma_start3A_582 = arith.constant 0 : i32
      %dma_start3A_583 = tpu.memref_slice %arg11[%dma_start3A_581, %dma_start3A_582] : memref<256x128xf32, #tpu.memory_space<vmem>> -> memref<16x128xf32, #tpu.memory_space<vmem>>
      %dma_start3A_584 = arith.constant 0 : i32
      %dma_start3A_585 = tpu.memref_slice %arg2[%dma_start3A_584, %multiple_of3A_580] : memref<16x1000000xf32, #tpu.memory_space<hbm>> -> memref<16x128xf32, #tpu.memory_space<hbm>>
      %dma_start3A_586 = arith.constant 224 : i32
      %dma_start3A_587 = arith.constant 0 : i32
      %dma_start3A_588 = tpu.memref_slice %arg11[%dma_start3A_586, %dma_start3A_587] : memref<256x128xf32, #tpu.memory_space<vmem>> -> memref<16x128xf32, #tpu.memory_space<vmem>>
      %dma_start3A_589 = arith.constant 0 : i32
      %dma_start3A_590 = tpu.memref_slice %arg2[%dma_start3A_589, %multiple_of3A_580] : memref<16x1000000xf32, #tpu.memory_space<hbm>> -> memref<16x128xf32, #tpu.memory_space<hbm>>
      tpu.enqueue_dma source(%dma_start3A_590 : memref<16x128xf32, #tpu.memory_space<hbm>>) target(%dma_start3A_588 : memref<16x128xf32, #tpu.memory_space<vmem>>) target_semaphore(%arg15 : memref<!tpu.dma_semaphore, #tpu.memory_space<semaphore_mem>>)
      %slice3A_591 = vector.extract_strided_slice %and3A_23 {offsets = [14], sizes = [1], strides = [1]} : vector<16xi32> to vector<1xi32>
      %squeeze3A_592 = vector.extract %slice3A_591[0] : i32 from vector<1xi32>
      %multiple_of3A_593 = tpu.assume_multiple %squeeze3A_592, 128 : i32
      %dma_start3A_594 = arith.constant 224 : i32
      %dma_start3A_595 = arith.constant 0 : i32
      %dma_start3A_596 = tpu.memref_slice %arg12[%dma_start3A_594, %dma_start3A_595] : memref<256x128xf32, #tpu.memory_space<vmem>> -> memref<16x128xf32, #tpu.memory_space<vmem>>
      %dma_start3A_597 = arith.constant 0 : i32
      %dma_start3A_598 = tpu.memref_slice %arg3[%dma_start3A_597, %multiple_of3A_593] : memref<16x1000000xf32, #tpu.memory_space<hbm>> -> memref<16x128xf32, #tpu.memory_space<hbm>>
      %dma_start3A_599 = arith.constant 224 : i32
      %dma_start3A_600 = arith.constant 0 : i32
      %dma_start3A_601 = tpu.memref_slice %arg12[%dma_start3A_599, %dma_start3A_600] : memref<256x128xf32, #tpu.memory_space<vmem>> -> memref<16x128xf32, #tpu.memory_space<vmem>>
      %dma_start3A_602 = arith.constant 0 : i32
      %dma_start3A_603 = tpu.memref_slice %arg3[%dma_start3A_602, %multiple_of3A_593] : memref<16x1000000xf32, #tpu.memory_space<hbm>> -> memref<16x128xf32, #tpu.memory_space<hbm>>
      tpu.enqueue_dma source(%dma_start3A_603 : memref<16x128xf32, #tpu.memory_space<hbm>>) target(%dma_start3A_601 : memref<16x128xf32, #tpu.memory_space<vmem>>) target_semaphore(%arg15 : memref<!tpu.dma_semaphore, #tpu.memory_space<semaphore_mem>>)
      %slice3A_604 = vector.extract_strided_slice %and3A_26 {offsets = [14], sizes = [1], strides = [1]} : vector<16xi32> to vector<1xi32>
      %squeeze3A_605 = vector.extract %slice3A_604[0] : i32 from vector<1xi32>
      %multiple_of3A_606 = tpu.assume_multiple %squeeze3A_605, 128 : i32
      %dma_start3A_607 = arith.constant 224 : i32
      %dma_start3A_608 = arith.constant 0 : i32
      %dma_start3A_609 = tpu.memref_slice %arg13[%dma_start3A_607, %dma_start3A_608] : memref<256x128xf32, #tpu.memory_space<vmem>> -> memref<16x128xf32, #tpu.memory_space<vmem>>
      %dma_start3A_610 = arith.constant 0 : i32
      %dma_start3A_611 = tpu.memref_slice %arg3[%dma_start3A_610, %multiple_of3A_606] : memref<16x1000000xf32, #tpu.memory_space<hbm>> -> memref<16x128xf32, #tpu.memory_space<hbm>>
      %dma_start3A_612 = arith.constant 224 : i32
      %dma_start3A_613 = arith.constant 0 : i32
      %dma_start3A_614 = tpu.memref_slice %arg13[%dma_start3A_612, %dma_start3A_613] : memref<256x128xf32, #tpu.memory_space<vmem>> -> memref<16x128xf32, #tpu.memory_space<vmem>>
      %dma_start3A_615 = arith.constant 0 : i32
      %dma_start3A_616 = tpu.memref_slice %arg3[%dma_start3A_615, %multiple_of3A_606] : memref<16x1000000xf32, #tpu.memory_space<hbm>> -> memref<16x128xf32, #tpu.memory_space<hbm>>
      tpu.enqueue_dma source(%dma_start3A_616 : memref<16x128xf32, #tpu.memory_space<hbm>>) target(%dma_start3A_614 : memref<16x128xf32, #tpu.memory_space<vmem>>) target_semaphore(%arg15 : memref<!tpu.dma_semaphore, #tpu.memory_space<semaphore_mem>>)
      %slice3A_617 = vector.extract_strided_slice %and3A_20 {offsets = [15], sizes = [1], strides = [1]} : vector<16xi32> to vector<1xi32>
      %squeeze3A_618 = vector.extract %slice3A_617[0] : i32 from vector<1xi32>
      %multiple_of3A_619 = tpu.assume_multiple %squeeze3A_618, 128 : i32
      %dma_start3A_620 = arith.constant 240 : i32
      %dma_start3A_621 = arith.constant 0 : i32
      %dma_start3A_622 = tpu.memref_slice %arg11[%dma_start3A_620, %dma_start3A_621] : memref<256x128xf32, #tpu.memory_space<vmem>> -> memref<16x128xf32, #tpu.memory_space<vmem>>
      %dma_start3A_623 = arith.constant 0 : i32
      %dma_start3A_624 = tpu.memref_slice %arg2[%dma_start3A_623, %multiple_of3A_619] : memref<16x1000000xf32, #tpu.memory_space<hbm>> -> memref<16x128xf32, #tpu.memory_space<hbm>>
      %dma_start3A_625 = arith.constant 240 : i32
      %dma_start3A_626 = arith.constant 0 : i32
      %dma_start3A_627 = tpu.memref_slice %arg11[%dma_start3A_625, %dma_start3A_626] : memref<256x128xf32, #tpu.memory_space<vmem>> -> memref<16x128xf32, #tpu.memory_space<vmem>>
      %dma_start3A_628 = arith.constant 0 : i32
      %dma_start3A_629 = tpu.memref_slice %arg2[%dma_start3A_628, %multiple_of3A_619] : memref<16x1000000xf32, #tpu.memory_space<hbm>> -> memref<16x128xf32, #tpu.memory_space<hbm>>
      tpu.enqueue_dma source(%dma_start3A_629 : memref<16x128xf32, #tpu.memory_space<hbm>>) target(%dma_start3A_627 : memref<16x128xf32, #tpu.memory_space<vmem>>) target_semaphore(%arg15 : memref<!tpu.dma_semaphore, #tpu.memory_space<semaphore_mem>>)
      %slice3A_630 = vector.extract_strided_slice %and3A_23 {offsets = [15], sizes = [1], strides = [1]} : vector<16xi32> to vector<1xi32>
      %squeeze3A_631 = vector.extract %slice3A_630[0] : i32 from vector<1xi32>
      %multiple_of3A_632 = tpu.assume_multiple %squeeze3A_631, 128 : i32
      %dma_start3A_633 = arith.constant 240 : i32
      %dma_start3A_634 = arith.constant 0 : i32
      %dma_start3A_635 = tpu.memref_slice %arg12[%dma_start3A_633, %dma_start3A_634] : memref<256x128xf32, #tpu.memory_space<vmem>> -> memref<16x128xf32, #tpu.memory_space<vmem>>
      %dma_start3A_636 = arith.constant 0 : i32
      %dma_start3A_637 = tpu.memref_slice %arg3[%dma_start3A_636, %multiple_of3A_632] : memref<16x1000000xf32, #tpu.memory_space<hbm>> -> memref<16x128xf32, #tpu.memory_space<hbm>>
      %dma_start3A_638 = arith.constant 240 : i32
      %dma_start3A_639 = arith.constant 0 : i32
      %dma_start3A_640 = tpu.memref_slice %arg12[%dma_start3A_638, %dma_start3A_639] : memref<256x128xf32, #tpu.memory_space<vmem>> -> memref<16x128xf32, #tpu.memory_space<vmem>>
      %dma_start3A_641 = arith.constant 0 : i32
      %dma_start3A_642 = tpu.memref_slice %arg3[%dma_start3A_641, %multiple_of3A_632] : memref<16x1000000xf32, #tpu.memory_space<hbm>> -> memref<16x128xf32, #tpu.memory_space<hbm>>
      tpu.enqueue_dma source(%dma_start3A_642 : memref<16x128xf32, #tpu.memory_space<hbm>>) target(%dma_start3A_640 : memref<16x128xf32, #tpu.memory_space<vmem>>) target_semaphore(%arg15 : memref<!tpu.dma_semaphore, #tpu.memory_space<semaphore_mem>>)
      %slice3A_643 = vector.extract_strided_slice %and3A_26 {offsets = [15], sizes = [1], strides = [1]} : vector<16xi32> to vector<1xi32>
      %squeeze3A_644 = vector.extract %slice3A_643[0] : i32 from vector<1xi32>
      %multiple_of3A_645 = tpu.assume_multiple %squeeze3A_644, 128 : i32
      %dma_start3A_646 = arith.constant 240 : i32
      %dma_start3A_647 = arith.constant 0 : i32
      %dma_start3A_648 = tpu.memref_slice %arg13[%dma_start3A_646, %dma_start3A_647] : memref<256x128xf32, #tpu.memory_space<vmem>> -> memref<16x128xf32, #tpu.memory_space<vmem>>
      %dma_start3A_649 = arith.constant 0 : i32
      %dma_start3A_650 = tpu.memref_slice %arg3[%dma_start3A_649, %multiple_of3A_645] : memref<16x1000000xf32, #tpu.memory_space<hbm>> -> memref<16x128xf32, #tpu.memory_space<hbm>>
      %dma_start3A_651 = arith.constant 240 : i32
      %dma_start3A_652 = arith.constant 0 : i32
      %dma_start3A_653 = tpu.memref_slice %arg13[%dma_start3A_651, %dma_start3A_652] : memref<256x128xf32, #tpu.memory_space<vmem>> -> memref<16x128xf32, #tpu.memory_space<vmem>>
      %dma_start3A_654 = arith.constant 0 : i32
      %dma_start3A_655 = tpu.memref_slice %arg3[%dma_start3A_654, %multiple_of3A_645] : memref<16x1000000xf32, #tpu.memory_space<hbm>> -> memref<16x128xf32, #tpu.memory_space<hbm>>
      tpu.enqueue_dma source(%dma_start3A_655 : memref<16x128xf32, #tpu.memory_space<hbm>>) target(%dma_start3A_653 : memref<16x128xf32, #tpu.memory_space<vmem>>) target_semaphore(%arg15 : memref<!tpu.dma_semaphore, #tpu.memory_space<semaphore_mem>>)
      %dma_wait3A = arith.constant 0 : i32
      %dma_wait3A_656 = arith.constant 0 : i32
      %dma_wait3A_657 = tpu.memref_slice %arg11[%dma_wait3A, %dma_wait3A_656] : memref<256x128xf32, #tpu.memory_space<vmem>> -> memref<16x128xf32, #tpu.memory_space<vmem>>
      %dma_wait3A_658 = arith.constant 0 : i32
      %dma_wait3A_659 = arith.constant 0 : i32
      %dma_wait3A_660 = tpu.memref_slice %arg2[%dma_wait3A_658, %dma_wait3A_659] : memref<16x1000000xf32, #tpu.memory_space<hbm>> -> memref<16x128xf32, #tpu.memory_space<hbm>>
      %dma_wait3A_661 = arith.constant 0 : i32
      %dma_wait3A_662 = arith.constant 0 : i32
      %dma_wait3A_663 = tpu.memref_slice %arg11[%dma_wait3A_661, %dma_wait3A_662] : memref<256x128xf32, #tpu.memory_space<vmem>> -> memref<16x128xf32, #tpu.memory_space<vmem>>
      %dma_wait3A_664 = arith.constant 0 : i32
      %dma_wait3A_665 = arith.constant 0 : i32
      %dma_wait3A_666 = tpu.memref_slice %arg2[%dma_wait3A_664, %dma_wait3A_665] : memref<16x1000000xf32, #tpu.memory_space<hbm>> -> memref<16x128xf32, #tpu.memory_space<hbm>>
      tpu.wait_dma2 semaphore(%arg15 : memref<!tpu.dma_semaphore, #tpu.memory_space<semaphore_mem>>) src(%dma_wait3A_666 : memref<16x128xf32, #tpu.memory_space<hbm>>) dst(%dma_wait3A_663 : memref<16x128xf32, #tpu.memory_space<vmem>>)
      %dma_wait3A_667 = arith.constant 0 : i32
      %dma_wait3A_668 = arith.constant 0 : i32
      %dma_wait3A_669 = tpu.memref_slice %arg12[%dma_wait3A_667, %dma_wait3A_668] : memref<256x128xf32, #tpu.memory_space<vmem>> -> memref<16x128xf32, #tpu.memory_space<vmem>>
      %dma_wait3A_670 = arith.constant 0 : i32
      %dma_wait3A_671 = arith.constant 0 : i32
      %dma_wait3A_672 = tpu.memref_slice %arg3[%dma_wait3A_670, %dma_wait3A_671] : memref<16x1000000xf32, #tpu.memory_space<hbm>> -> memref<16x128xf32, #tpu.memory_space<hbm>>
      %dma_wait3A_673 = arith.constant 0 : i32
      %dma_wait3A_674 = arith.constant 0 : i32
      %dma_wait3A_675 = tpu.memref_slice %arg12[%dma_wait3A_673, %dma_wait3A_674] : memref<256x128xf32, #tpu.memory_space<vmem>> -> memref<16x128xf32, #tpu.memory_space<vmem>>
      %dma_wait3A_676 = arith.constant 0 : i32
      %dma_wait3A_677 = arith.constant 0 : i32
      %dma_wait3A_678 = tpu.memref_slice %arg3[%dma_wait3A_676, %dma_wait3A_677] : memref<16x1000000xf32, #tpu.memory_space<hbm>> -> memref<16x128xf32, #tpu.memory_space<hbm>>
      tpu.wait_dma2 semaphore(%arg15 : memref<!tpu.dma_semaphore, #tpu.memory_space<semaphore_mem>>) src(%dma_wait3A_678 : memref<16x128xf32, #tpu.memory_space<hbm>>) dst(%dma_wait3A_675 : memref<16x128xf32, #tpu.memory_space<vmem>>)
      %dma_wait3A_679 = arith.constant 0 : i32
      %dma_wait3A_680 = arith.constant 0 : i32
      %dma_wait3A_681 = tpu.memref_slice %arg13[%dma_wait3A_679, %dma_wait3A_680] : memref<256x128xf32, #tpu.memory_space<vmem>> -> memref<16x128xf32, #tpu.memory_space<vmem>>
      %dma_wait3A_682 = arith.constant 0 : i32
      %dma_wait3A_683 = arith.constant 0 : i32
      %dma_wait3A_684 = tpu.memref_slice %arg3[%dma_wait3A_682, %dma_wait3A_683] : memref<16x1000000xf32, #tpu.memory_space<hbm>> -> memref<16x128xf32, #tpu.memory_space<hbm>>
      %dma_wait3A_685 = arith.constant 0 : i32
      %dma_wait3A_686 = arith.constant 0 : i32
      %dma_wait3A_687 = tpu.memref_slice %arg13[%dma_wait3A_685, %dma_wait3A_686] : memref<256x128xf32, #tpu.memory_space<vmem>> -> memref<16x128xf32, #tpu.memory_space<vmem>>
      %dma_wait3A_688 = arith.constant 0 : i32
      %dma_wait3A_689 = arith.constant 0 : i32
      %dma_wait3A_690 = tpu.memref_slice %arg3[%dma_wait3A_688, %dma_wait3A_689] : memref<16x1000000xf32, #tpu.memory_space<hbm>> -> memref<16x128xf32, #tpu.memory_space<hbm>>
      tpu.wait_dma2 semaphore(%arg15 : memref<!tpu.dma_semaphore, #tpu.memory_space<semaphore_mem>>) src(%dma_wait3A_690 : memref<16x128xf32, #tpu.memory_space<hbm>>) dst(%dma_wait3A_687 : memref<16x128xf32, #tpu.memory_space<vmem>>)
      %dma_wait3A_691 = arith.constant 16 : i32
      %dma_wait3A_692 = arith.constant 0 : i32
      %dma_wait3A_693 = tpu.memref_slice %arg11[%dma_wait3A_691, %dma_wait3A_692] : memref<256x128xf32, #tpu.memory_space<vmem>> -> memref<16x128xf32, #tpu.memory_space<vmem>>
      %dma_wait3A_694 = arith.constant 0 : i32
      %dma_wait3A_695 = arith.constant 0 : i32
      %dma_wait3A_696 = tpu.memref_slice %arg2[%dma_wait3A_694, %dma_wait3A_695] : memref<16x1000000xf32, #tpu.memory_space<hbm>> -> memref<16x128xf32, #tpu.memory_space<hbm>>
      %dma_wait3A_697 = arith.constant 16 : i32
      %dma_wait3A_698 = arith.constant 0 : i32
      %dma_wait3A_699 = tpu.memref_slice %arg11[%dma_wait3A_697, %dma_wait3A_698] : memref<256x128xf32, #tpu.memory_space<vmem>> -> memref<16x128xf32, #tpu.memory_space<vmem>>
      %dma_wait3A_700 = arith.constant 0 : i32
      %dma_wait3A_701 = arith.constant 0 : i32
      %dma_wait3A_702 = tpu.memref_slice %arg2[%dma_wait3A_700, %dma_wait3A_701] : memref<16x1000000xf32, #tpu.memory_space<hbm>> -> memref<16x128xf32, #tpu.memory_space<hbm>>
      tpu.wait_dma2 semaphore(%arg15 : memref<!tpu.dma_semaphore, #tpu.memory_space<semaphore_mem>>) src(%dma_wait3A_702 : memref<16x128xf32, #tpu.memory_space<hbm>>) dst(%dma_wait3A_699 : memref<16x128xf32, #tpu.memory_space<vmem>>)
      %dma_wait3A_703 = arith.constant 16 : i32
      %dma_wait3A_704 = arith.constant 0 : i32
      %dma_wait3A_705 = tpu.memref_slice %arg12[%dma_wait3A_703, %dma_wait3A_704] : memref<256x128xf32, #tpu.memory_space<vmem>> -> memref<16x128xf32, #tpu.memory_space<vmem>>
      %dma_wait3A_706 = arith.constant 0 : i32
      %dma_wait3A_707 = arith.constant 0 : i32
      %dma_wait3A_708 = tpu.memref_slice %arg3[%dma_wait3A_706, %dma_wait3A_707] : memref<16x1000000xf32, #tpu.memory_space<hbm>> -> memref<16x128xf32, #tpu.memory_space<hbm>>
      %dma_wait3A_709 = arith.constant 16 : i32
      %dma_wait3A_710 = arith.constant 0 : i32
      %dma_wait3A_711 = tpu.memref_slice %arg12[%dma_wait3A_709, %dma_wait3A_710] : memref<256x128xf32, #tpu.memory_space<vmem>> -> memref<16x128xf32, #tpu.memory_space<vmem>>
      %dma_wait3A_712 = arith.constant 0 : i32
      %dma_wait3A_713 = arith.constant 0 : i32
      %dma_wait3A_714 = tpu.memref_slice %arg3[%dma_wait3A_712, %dma_wait3A_713] : memref<16x1000000xf32, #tpu.memory_space<hbm>> -> memref<16x128xf32, #tpu.memory_space<hbm>>
      tpu.wait_dma2 semaphore(%arg15 : memref<!tpu.dma_semaphore, #tpu.memory_space<semaphore_mem>>) src(%dma_wait3A_714 : memref<16x128xf32, #tpu.memory_space<hbm>>) dst(%dma_wait3A_711 : memref<16x128xf32, #tpu.memory_space<vmem>>)
      %dma_wait3A_715 = arith.constant 16 : i32
      %dma_wait3A_716 = arith.constant 0 : i32
      %dma_wait3A_717 = tpu.memref_slice %arg13[%dma_wait3A_715, %dma_wait3A_716] : memref<256x128xf32, #tpu.memory_space<vmem>> -> memref<16x128xf32, #tpu.memory_space<vmem>>
      %dma_wait3A_718 = arith.constant 0 : i32
      %dma_wait3A_719 = arith.constant 0 : i32
      %dma_wait3A_720 = tpu.memref_slice %arg3[%dma_wait3A_718, %dma_wait3A_719] : memref<16x1000000xf32, #tpu.memory_space<hbm>> -> memref<16x128xf32, #tpu.memory_space<hbm>>
      %dma_wait3A_721 = arith.constant 16 : i32
      %dma_wait3A_722 = arith.constant 0 : i32
      %dma_wait3A_723 = tpu.memref_slice %arg13[%dma_wait3A_721, %dma_wait3A_722] : memref<256x128xf32, #tpu.memory_space<vmem>> -> memref<16x128xf32, #tpu.memory_space<vmem>>
      %dma_wait3A_724 = arith.constant 0 : i32
      %dma_wait3A_725 = arith.constant 0 : i32
      %dma_wait3A_726 = tpu.memref_slice %arg3[%dma_wait3A_724, %dma_wait3A_725] : memref<16x1000000xf32, #tpu.memory_space<hbm>> -> memref<16x128xf32, #tpu.memory_space<hbm>>
      tpu.wait_dma2 semaphore(%arg15 : memref<!tpu.dma_semaphore, #tpu.memory_space<semaphore_mem>>) src(%dma_wait3A_726 : memref<16x128xf32, #tpu.memory_space<hbm>>) dst(%dma_wait3A_723 : memref<16x128xf32, #tpu.memory_space<vmem>>)
      %dma_wait3A_727 = arith.constant 32 : i32
      %dma_wait3A_728 = arith.constant 0 : i32
      %dma_wait3A_729 = tpu.memref_slice %arg11[%dma_wait3A_727, %dma_wait3A_728] : memref<256x128xf32, #tpu.memory_space<vmem>> -> memref<16x128xf32, #tpu.memory_space<vmem>>
      %dma_wait3A_730 = arith.constant 0 : i32
      %dma_wait3A_731 = arith.constant 0 : i32
      %dma_wait3A_732 = tpu.memref_slice %arg2[%dma_wait3A_730, %dma_wait3A_731] : memref<16x1000000xf32, #tpu.memory_space<hbm>> -> memref<16x128xf32, #tpu.memory_space<hbm>>
      %dma_wait3A_733 = arith.constant 32 : i32
      %dma_wait3A_734 = arith.constant 0 : i32
      %dma_wait3A_735 = tpu.memref_slice %arg11[%dma_wait3A_733, %dma_wait3A_734] : memref<256x128xf32, #tpu.memory_space<vmem>> -> memref<16x128xf32, #tpu.memory_space<vmem>>
      %dma_wait3A_736 = arith.constant 0 : i32
      %dma_wait3A_737 = arith.constant 0 : i32
      %dma_wait3A_738 = tpu.memref_slice %arg2[%dma_wait3A_736, %dma_wait3A_737] : memref<16x1000000xf32, #tpu.memory_space<hbm>> -> memref<16x128xf32, #tpu.memory_space<hbm>>
      tpu.wait_dma2 semaphore(%arg15 : memref<!tpu.dma_semaphore, #tpu.memory_space<semaphore_mem>>) src(%dma_wait3A_738 : memref<16x128xf32, #tpu.memory_space<hbm>>) dst(%dma_wait3A_735 : memref<16x128xf32, #tpu.memory_space<vmem>>)
      %dma_wait3A_739 = arith.constant 32 : i32
      %dma_wait3A_740 = arith.constant 0 : i32
      %dma_wait3A_741 = tpu.memref_slice %arg12[%dma_wait3A_739, %dma_wait3A_740] : memref<256x128xf32, #tpu.memory_space<vmem>> -> memref<16x128xf32, #tpu.memory_space<vmem>>
      %dma_wait3A_742 = arith.constant 0 : i32
      %dma_wait3A_743 = arith.constant 0 : i32
      %dma_wait3A_744 = tpu.memref_slice %arg3[%dma_wait3A_742, %dma_wait3A_743] : memref<16x1000000xf32, #tpu.memory_space<hbm>> -> memref<16x128xf32, #tpu.memory_space<hbm>>
      %dma_wait3A_745 = arith.constant 32 : i32
      %dma_wait3A_746 = arith.constant 0 : i32
      %dma_wait3A_747 = tpu.memref_slice %arg12[%dma_wait3A_745, %dma_wait3A_746] : memref<256x128xf32, #tpu.memory_space<vmem>> -> memref<16x128xf32, #tpu.memory_space<vmem>>
      %dma_wait3A_748 = arith.constant 0 : i32
      %dma_wait3A_749 = arith.constant 0 : i32
      %dma_wait3A_750 = tpu.memref_slice %arg3[%dma_wait3A_748, %dma_wait3A_749] : memref<16x1000000xf32, #tpu.memory_space<hbm>> -> memref<16x128xf32, #tpu.memory_space<hbm>>
      tpu.wait_dma2 semaphore(%arg15 : memref<!tpu.dma_semaphore, #tpu.memory_space<semaphore_mem>>) src(%dma_wait3A_750 : memref<16x128xf32, #tpu.memory_space<hbm>>) dst(%dma_wait3A_747 : memref<16x128xf32, #tpu.memory_space<vmem>>)
      %dma_wait3A_751 = arith.constant 32 : i32
      %dma_wait3A_752 = arith.constant 0 : i32
      %dma_wait3A_753 = tpu.memref_slice %arg13[%dma_wait3A_751, %dma_wait3A_752] : memref<256x128xf32, #tpu.memory_space<vmem>> -> memref<16x128xf32, #tpu.memory_space<vmem>>
      %dma_wait3A_754 = arith.constant 0 : i32
      %dma_wait3A_755 = arith.constant 0 : i32
      %dma_wait3A_756 = tpu.memref_slice %arg3[%dma_wait3A_754, %dma_wait3A_755] : memref<16x1000000xf32, #tpu.memory_space<hbm>> -> memref<16x128xf32, #tpu.memory_space<hbm>>
      %dma_wait3A_757 = arith.constant 32 : i32
      %dma_wait3A_758 = arith.constant 0 : i32
      %dma_wait3A_759 = tpu.memref_slice %arg13[%dma_wait3A_757, %dma_wait3A_758] : memref<256x128xf32, #tpu.memory_space<vmem>> -> memref<16x128xf32, #tpu.memory_space<vmem>>
      %dma_wait3A_760 = arith.constant 0 : i32
      %dma_wait3A_761 = arith.constant 0 : i32
      %dma_wait3A_762 = tpu.memref_slice %arg3[%dma_wait3A_760, %dma_wait3A_761] : memref<16x1000000xf32, #tpu.memory_space<hbm>> -> memref<16x128xf32, #tpu.memory_space<hbm>>
      tpu.wait_dma2 semaphore(%arg15 : memref<!tpu.dma_semaphore, #tpu.memory_space<semaphore_mem>>) src(%dma_wait3A_762 : memref<16x128xf32, #tpu.memory_space<hbm>>) dst(%dma_wait3A_759 : memref<16x128xf32, #tpu.memory_space<vmem>>)
      %dma_wait3A_763 = arith.constant 48 : i32
      %dma_wait3A_764 = arith.constant 0 : i32
      %dma_wait3A_765 = tpu.memref_slice %arg11[%dma_wait3A_763, %dma_wait3A_764] : memref<256x128xf32, #tpu.memory_space<vmem>> -> memref<16x128xf32, #tpu.memory_space<vmem>>
      %dma_wait3A_766 = arith.constant 0 : i32
      %dma_wait3A_767 = arith.constant 0 : i32
      %dma_wait3A_768 = tpu.memref_slice %arg2[%dma_wait3A_766, %dma_wait3A_767] : memref<16x1000000xf32, #tpu.memory_space<hbm>> -> memref<16x128xf32, #tpu.memory_space<hbm>>
      %dma_wait3A_769 = arith.constant 48 : i32
      %dma_wait3A_770 = arith.constant 0 : i32
      %dma_wait3A_771 = tpu.memref_slice %arg11[%dma_wait3A_769, %dma_wait3A_770] : memref<256x128xf32, #tpu.memory_space<vmem>> -> memref<16x128xf32, #tpu.memory_space<vmem>>
      %dma_wait3A_772 = arith.constant 0 : i32
      %dma_wait3A_773 = arith.constant 0 : i32
      %dma_wait3A_774 = tpu.memref_slice %arg2[%dma_wait3A_772, %dma_wait3A_773] : memref<16x1000000xf32, #tpu.memory_space<hbm>> -> memref<16x128xf32, #tpu.memory_space<hbm>>
      tpu.wait_dma2 semaphore(%arg15 : memref<!tpu.dma_semaphore, #tpu.memory_space<semaphore_mem>>) src(%dma_wait3A_774 : memref<16x128xf32, #tpu.memory_space<hbm>>) dst(%dma_wait3A_771 : memref<16x128xf32, #tpu.memory_space<vmem>>)
      %dma_wait3A_775 = arith.constant 48 : i32
      %dma_wait3A_776 = arith.constant 0 : i32
      %dma_wait3A_777 = tpu.memref_slice %arg12[%dma_wait3A_775, %dma_wait3A_776] : memref<256x128xf32, #tpu.memory_space<vmem>> -> memref<16x128xf32, #tpu.memory_space<vmem>>
      %dma_wait3A_778 = arith.constant 0 : i32
      %dma_wait3A_779 = arith.constant 0 : i32
      %dma_wait3A_780 = tpu.memref_slice %arg3[%dma_wait3A_778, %dma_wait3A_779] : memref<16x1000000xf32, #tpu.memory_space<hbm>> -> memref<16x128xf32, #tpu.memory_space<hbm>>
      %dma_wait3A_781 = arith.constant 48 : i32
      %dma_wait3A_782 = arith.constant 0 : i32
      %dma_wait3A_783 = tpu.memref_slice %arg12[%dma_wait3A_781, %dma_wait3A_782] : memref<256x128xf32, #tpu.memory_space<vmem>> -> memref<16x128xf32, #tpu.memory_space<vmem>>
      %dma_wait3A_784 = arith.constant 0 : i32
      %dma_wait3A_785 = arith.constant 0 : i32
      %dma_wait3A_786 = tpu.memref_slice %arg3[%dma_wait3A_784, %dma_wait3A_785] : memref<16x1000000xf32, #tpu.memory_space<hbm>> -> memref<16x128xf32, #tpu.memory_space<hbm>>
      tpu.wait_dma2 semaphore(%arg15 : memref<!tpu.dma_semaphore, #tpu.memory_space<semaphore_mem>>) src(%dma_wait3A_786 : memref<16x128xf32, #tpu.memory_space<hbm>>) dst(%dma_wait3A_783 : memref<16x128xf32, #tpu.memory_space<vmem>>)
      %dma_wait3A_787 = arith.constant 48 : i32
      %dma_wait3A_788 = arith.constant 0 : i32
      %dma_wait3A_789 = tpu.memref_slice %arg13[%dma_wait3A_787, %dma_wait3A_788] : memref<256x128xf32, #tpu.memory_space<vmem>> -> memref<16x128xf32, #tpu.memory_space<vmem>>
      %dma_wait3A_790 = arith.constant 0 : i32
      %dma_wait3A_791 = arith.constant 0 : i32
      %dma_wait3A_792 = tpu.memref_slice %arg3[%dma_wait3A_790, %dma_wait3A_791] : memref<16x1000000xf32, #tpu.memory_space<hbm>> -> memref<16x128xf32, #tpu.memory_space<hbm>>
      %dma_wait3A_793 = arith.constant 48 : i32
      %dma_wait3A_794 = arith.constant 0 : i32
      %dma_wait3A_795 = tpu.memref_slice %arg13[%dma_wait3A_793, %dma_wait3A_794] : memref<256x128xf32, #tpu.memory_space<vmem>> -> memref<16x128xf32, #tpu.memory_space<vmem>>
      %dma_wait3A_796 = arith.constant 0 : i32
      %dma_wait3A_797 = arith.constant 0 : i32
      %dma_wait3A_798 = tpu.memref_slice %arg3[%dma_wait3A_796, %dma_wait3A_797] : memref<16x1000000xf32, #tpu.memory_space<hbm>> -> memref<16x128xf32, #tpu.memory_space<hbm>>
      tpu.wait_dma2 semaphore(%arg15 : memref<!tpu.dma_semaphore, #tpu.memory_space<semaphore_mem>>) src(%dma_wait3A_798 : memref<16x128xf32, #tpu.memory_space<hbm>>) dst(%dma_wait3A_795 : memref<16x128xf32, #tpu.memory_space<vmem>>)
      %dma_wait3A_799 = arith.constant 64 : i32
      %dma_wait3A_800 = arith.constant 0 : i32
      %dma_wait3A_801 = tpu.memref_slice %arg11[%dma_wait3A_799, %dma_wait3A_800] : memref<256x128xf32, #tpu.memory_space<vmem>> -> memref<16x128xf32, #tpu.memory_space<vmem>>
      %dma_wait3A_802 = arith.constant 0 : i32
      %dma_wait3A_803 = arith.constant 0 : i32
      %dma_wait3A_804 = tpu.memref_slice %arg2[%dma_wait3A_802, %dma_wait3A_803] : memref<16x1000000xf32, #tpu.memory_space<hbm>> -> memref<16x128xf32, #tpu.memory_space<hbm>>
      %dma_wait3A_805 = arith.constant 64 : i32
      %dma_wait3A_806 = arith.constant 0 : i32
      %dma_wait3A_807 = tpu.memref_slice %arg11[%dma_wait3A_805, %dma_wait3A_806] : memref<256x128xf32, #tpu.memory_space<vmem>> -> memref<16x128xf32, #tpu.memory_space<vmem>>
      %dma_wait3A_808 = arith.constant 0 : i32
      %dma_wait3A_809 = arith.constant 0 : i32
      %dma_wait3A_810 = tpu.memref_slice %arg2[%dma_wait3A_808, %dma_wait3A_809] : memref<16x1000000xf32, #tpu.memory_space<hbm>> -> memref<16x128xf32, #tpu.memory_space<hbm>>
      tpu.wait_dma2 semaphore(%arg15 : memref<!tpu.dma_semaphore, #tpu.memory_space<semaphore_mem>>) src(%dma_wait3A_810 : memref<16x128xf32, #tpu.memory_space<hbm>>) dst(%dma_wait3A_807 : memref<16x128xf32, #tpu.memory_space<vmem>>)
      %dma_wait3A_811 = arith.constant 64 : i32
      %dma_wait3A_812 = arith.constant 0 : i32
      %dma_wait3A_813 = tpu.memref_slice %arg12[%dma_wait3A_811, %dma_wait3A_812] : memref<256x128xf32, #tpu.memory_space<vmem>> -> memref<16x128xf32, #tpu.memory_space<vmem>>
      %dma_wait3A_814 = arith.constant 0 : i32
      %dma_wait3A_815 = arith.constant 0 : i32
      %dma_wait3A_816 = tpu.memref_slice %arg3[%dma_wait3A_814, %dma_wait3A_815] : memref<16x1000000xf32, #tpu.memory_space<hbm>> -> memref<16x128xf32, #tpu.memory_space<hbm>>
      %dma_wait3A_817 = arith.constant 64 : i32
      %dma_wait3A_818 = arith.constant 0 : i32
      %dma_wait3A_819 = tpu.memref_slice %arg12[%dma_wait3A_817, %dma_wait3A_818] : memref<256x128xf32, #tpu.memory_space<vmem>> -> memref<16x128xf32, #tpu.memory_space<vmem>>
      %dma_wait3A_820 = arith.constant 0 : i32
      %dma_wait3A_821 = arith.constant 0 : i32
      %dma_wait3A_822 = tpu.memref_slice %arg3[%dma_wait3A_820, %dma_wait3A_821] : memref<16x1000000xf32, #tpu.memory_space<hbm>> -> memref<16x128xf32, #tpu.memory_space<hbm>>
      tpu.wait_dma2 semaphore(%arg15 : memref<!tpu.dma_semaphore, #tpu.memory_space<semaphore_mem>>) src(%dma_wait3A_822 : memref<16x128xf32, #tpu.memory_space<hbm>>) dst(%dma_wait3A_819 : memref<16x128xf32, #tpu.memory_space<vmem>>)
      %dma_wait3A_823 = arith.constant 64 : i32
      %dma_wait3A_824 = arith.constant 0 : i32
      %dma_wait3A_825 = tpu.memref_slice %arg13[%dma_wait3A_823, %dma_wait3A_824] : memref<256x128xf32, #tpu.memory_space<vmem>> -> memref<16x128xf32, #tpu.memory_space<vmem>>
      %dma_wait3A_826 = arith.constant 0 : i32
      %dma_wait3A_827 = arith.constant 0 : i32
      %dma_wait3A_828 = tpu.memref_slice %arg3[%dma_wait3A_826, %dma_wait3A_827] : memref<16x1000000xf32, #tpu.memory_space<hbm>> -> memref<16x128xf32, #tpu.memory_space<hbm>>
      %dma_wait3A_829 = arith.constant 64 : i32
      %dma_wait3A_830 = arith.constant 0 : i32
      %dma_wait3A_831 = tpu.memref_slice %arg13[%dma_wait3A_829, %dma_wait3A_830] : memref<256x128xf32, #tpu.memory_space<vmem>> -> memref<16x128xf32, #tpu.memory_space<vmem>>
      %dma_wait3A_832 = arith.constant 0 : i32
      %dma_wait3A_833 = arith.constant 0 : i32
      %dma_wait3A_834 = tpu.memref_slice %arg3[%dma_wait3A_832, %dma_wait3A_833] : memref<16x1000000xf32, #tpu.memory_space<hbm>> -> memref<16x128xf32, #tpu.memory_space<hbm>>
      tpu.wait_dma2 semaphore(%arg15 : memref<!tpu.dma_semaphore, #tpu.memory_space<semaphore_mem>>) src(%dma_wait3A_834 : memref<16x128xf32, #tpu.memory_space<hbm>>) dst(%dma_wait3A_831 : memref<16x128xf32, #tpu.memory_space<vmem>>)
      %dma_wait3A_835 = arith.constant 80 : i32
      %dma_wait3A_836 = arith.constant 0 : i32
      %dma_wait3A_837 = tpu.memref_slice %arg11[%dma_wait3A_835, %dma_wait3A_836] : memref<256x128xf32, #tpu.memory_space<vmem>> -> memref<16x128xf32, #tpu.memory_space<vmem>>
      %dma_wait3A_838 = arith.constant 0 : i32
      %dma_wait3A_839 = arith.constant 0 : i32
      %dma_wait3A_840 = tpu.memref_slice %arg2[%dma_wait3A_838, %dma_wait3A_839] : memref<16x1000000xf32, #tpu.memory_space<hbm>> -> memref<16x128xf32, #tpu.memory_space<hbm>>
      %dma_wait3A_841 = arith.constant 80 : i32
      %dma_wait3A_842 = arith.constant 0 : i32
      %dma_wait3A_843 = tpu.memref_slice %arg11[%dma_wait3A_841, %dma_wait3A_842] : memref<256x128xf32, #tpu.memory_space<vmem>> -> memref<16x128xf32, #tpu.memory_space<vmem>>
      %dma_wait3A_844 = arith.constant 0 : i32
      %dma_wait3A_845 = arith.constant 0 : i32
      %dma_wait3A_846 = tpu.memref_slice %arg2[%dma_wait3A_844, %dma_wait3A_845] : memref<16x1000000xf32, #tpu.memory_space<hbm>> -> memref<16x128xf32, #tpu.memory_space<hbm>>
      tpu.wait_dma2 semaphore(%arg15 : memref<!tpu.dma_semaphore, #tpu.memory_space<semaphore_mem>>) src(%dma_wait3A_846 : memref<16x128xf32, #tpu.memory_space<hbm>>) dst(%dma_wait3A_843 : memref<16x128xf32, #tpu.memory_space<vmem>>)
      %dma_wait3A_847 = arith.constant 80 : i32
      %dma_wait3A_848 = arith.constant 0 : i32
      %dma_wait3A_849 = tpu.memref_slice %arg12[%dma_wait3A_847, %dma_wait3A_848] : memref<256x128xf32, #tpu.memory_space<vmem>> -> memref<16x128xf32, #tpu.memory_space<vmem>>
      %dma_wait3A_850 = arith.constant 0 : i32
      %dma_wait3A_851 = arith.constant 0 : i32
      %dma_wait3A_852 = tpu.memref_slice %arg3[%dma_wait3A_850, %dma_wait3A_851] : memref<16x1000000xf32, #tpu.memory_space<hbm>> -> memref<16x128xf32, #tpu.memory_space<hbm>>
      %dma_wait3A_853 = arith.constant 80 : i32
      %dma_wait3A_854 = arith.constant 0 : i32
      %dma_wait3A_855 = tpu.memref_slice %arg12[%dma_wait3A_853, %dma_wait3A_854] : memref<256x128xf32, #tpu.memory_space<vmem>> -> memref<16x128xf32, #tpu.memory_space<vmem>>
      %dma_wait3A_856 = arith.constant 0 : i32
      %dma_wait3A_857 = arith.constant 0 : i32
      %dma_wait3A_858 = tpu.memref_slice %arg3[%dma_wait3A_856, %dma_wait3A_857] : memref<16x1000000xf32, #tpu.memory_space<hbm>> -> memref<16x128xf32, #tpu.memory_space<hbm>>
      tpu.wait_dma2 semaphore(%arg15 : memref<!tpu.dma_semaphore, #tpu.memory_space<semaphore_mem>>) src(%dma_wait3A_858 : memref<16x128xf32, #tpu.memory_space<hbm>>) dst(%dma_wait3A_855 : memref<16x128xf32, #tpu.memory_space<vmem>>)
      %dma_wait3A_859 = arith.constant 80 : i32
      %dma_wait3A_860 = arith.constant 0 : i32
      %dma_wait3A_861 = tpu.memref_slice %arg13[%dma_wait3A_859, %dma_wait3A_860] : memref<256x128xf32, #tpu.memory_space<vmem>> -> memref<16x128xf32, #tpu.memory_space<vmem>>
      %dma_wait3A_862 = arith.constant 0 : i32
      %dma_wait3A_863 = arith.constant 0 : i32
      %dma_wait3A_864 = tpu.memref_slice %arg3[%dma_wait3A_862, %dma_wait3A_863] : memref<16x1000000xf32, #tpu.memory_space<hbm>> -> memref<16x128xf32, #tpu.memory_space<hbm>>
      %dma_wait3A_865 = arith.constant 80 : i32
      %dma_wait3A_866 = arith.constant 0 : i32
      %dma_wait3A_867 = tpu.memref_slice %arg13[%dma_wait3A_865, %dma_wait3A_866] : memref<256x128xf32, #tpu.memory_space<vmem>> -> memref<16x128xf32, #tpu.memory_space<vmem>>
      %dma_wait3A_868 = arith.constant 0 : i32
      %dma_wait3A_869 = arith.constant 0 : i32
      %dma_wait3A_870 = tpu.memref_slice %arg3[%dma_wait3A_868, %dma_wait3A_869] : memref<16x1000000xf32, #tpu.memory_space<hbm>> -> memref<16x128xf32, #tpu.memory_space<hbm>>
      tpu.wait_dma2 semaphore(%arg15 : memref<!tpu.dma_semaphore, #tpu.memory_space<semaphore_mem>>) src(%dma_wait3A_870 : memref<16x128xf32, #tpu.memory_space<hbm>>) dst(%dma_wait3A_867 : memref<16x128xf32, #tpu.memory_space<vmem>>)
      %dma_wait3A_871 = arith.constant 96 : i32
      %dma_wait3A_872 = arith.constant 0 : i32
      %dma_wait3A_873 = tpu.memref_slice %arg11[%dma_wait3A_871, %dma_wait3A_872] : memref<256x128xf32, #tpu.memory_space<vmem>> -> memref<16x128xf32, #tpu.memory_space<vmem>>
      %dma_wait3A_874 = arith.constant 0 : i32
      %dma_wait3A_875 = arith.constant 0 : i32
      %dma_wait3A_876 = tpu.memref_slice %arg2[%dma_wait3A_874, %dma_wait3A_875] : memref<16x1000000xf32, #tpu.memory_space<hbm>> -> memref<16x128xf32, #tpu.memory_space<hbm>>
      %dma_wait3A_877 = arith.constant 96 : i32
      %dma_wait3A_878 = arith.constant 0 : i32
      %dma_wait3A_879 = tpu.memref_slice %arg11[%dma_wait3A_877, %dma_wait3A_878] : memref<256x128xf32, #tpu.memory_space<vmem>> -> memref<16x128xf32, #tpu.memory_space<vmem>>
      %dma_wait3A_880 = arith.constant 0 : i32
      %dma_wait3A_881 = arith.constant 0 : i32
      %dma_wait3A_882 = tpu.memref_slice %arg2[%dma_wait3A_880, %dma_wait3A_881] : memref<16x1000000xf32, #tpu.memory_space<hbm>> -> memref<16x128xf32, #tpu.memory_space<hbm>>
      tpu.wait_dma2 semaphore(%arg15 : memref<!tpu.dma_semaphore, #tpu.memory_space<semaphore_mem>>) src(%dma_wait3A_882 : memref<16x128xf32, #tpu.memory_space<hbm>>) dst(%dma_wait3A_879 : memref<16x128xf32, #tpu.memory_space<vmem>>)
      %dma_wait3A_883 = arith.constant 96 : i32
      %dma_wait3A_884 = arith.constant 0 : i32
      %dma_wait3A_885 = tpu.memref_slice %arg12[%dma_wait3A_883, %dma_wait3A_884] : memref<256x128xf32, #tpu.memory_space<vmem>> -> memref<16x128xf32, #tpu.memory_space<vmem>>
      %dma_wait3A_886 = arith.constant 0 : i32
      %dma_wait3A_887 = arith.constant 0 : i32
      %dma_wait3A_888 = tpu.memref_slice %arg3[%dma_wait3A_886, %dma_wait3A_887] : memref<16x1000000xf32, #tpu.memory_space<hbm>> -> memref<16x128xf32, #tpu.memory_space<hbm>>
      %dma_wait3A_889 = arith.constant 96 : i32
      %dma_wait3A_890 = arith.constant 0 : i32
      %dma_wait3A_891 = tpu.memref_slice %arg12[%dma_wait3A_889, %dma_wait3A_890] : memref<256x128xf32, #tpu.memory_space<vmem>> -> memref<16x128xf32, #tpu.memory_space<vmem>>
      %dma_wait3A_892 = arith.constant 0 : i32
      %dma_wait3A_893 = arith.constant 0 : i32
      %dma_wait3A_894 = tpu.memref_slice %arg3[%dma_wait3A_892, %dma_wait3A_893] : memref<16x1000000xf32, #tpu.memory_space<hbm>> -> memref<16x128xf32, #tpu.memory_space<hbm>>
      tpu.wait_dma2 semaphore(%arg15 : memref<!tpu.dma_semaphore, #tpu.memory_space<semaphore_mem>>) src(%dma_wait3A_894 : memref<16x128xf32, #tpu.memory_space<hbm>>) dst(%dma_wait3A_891 : memref<16x128xf32, #tpu.memory_space<vmem>>)
      %dma_wait3A_895 = arith.constant 96 : i32
      %dma_wait3A_896 = arith.constant 0 : i32
      %dma_wait3A_897 = tpu.memref_slice %arg13[%dma_wait3A_895, %dma_wait3A_896] : memref<256x128xf32, #tpu.memory_space<vmem>> -> memref<16x128xf32, #tpu.memory_space<vmem>>
      %dma_wait3A_898 = arith.constant 0 : i32
      %dma_wait3A_899 = arith.constant 0 : i32
      %dma_wait3A_900 = tpu.memref_slice %arg3[%dma_wait3A_898, %dma_wait3A_899] : memref<16x1000000xf32, #tpu.memory_space<hbm>> -> memref<16x128xf32, #tpu.memory_space<hbm>>
      %dma_wait3A_901 = arith.constant 96 : i32
      %dma_wait3A_902 = arith.constant 0 : i32
      %dma_wait3A_903 = tpu.memref_slice %arg13[%dma_wait3A_901, %dma_wait3A_902] : memref<256x128xf32, #tpu.memory_space<vmem>> -> memref<16x128xf32, #tpu.memory_space<vmem>>
      %dma_wait3A_904 = arith.constant 0 : i32
      %dma_wait3A_905 = arith.constant 0 : i32
      %dma_wait3A_906 = tpu.memref_slice %arg3[%dma_wait3A_904, %dma_wait3A_905] : memref<16x1000000xf32, #tpu.memory_space<hbm>> -> memref<16x128xf32, #tpu.memory_space<hbm>>
      tpu.wait_dma2 semaphore(%arg15 : memref<!tpu.dma_semaphore, #tpu.memory_space<semaphore_mem>>) src(%dma_wait3A_906 : memref<16x128xf32, #tpu.memory_space<hbm>>) dst(%dma_wait3A_903 : memref<16x128xf32, #tpu.memory_space<vmem>>)
      %dma_wait3A_907 = arith.constant 112 : i32
      %dma_wait3A_908 = arith.constant 0 : i32
      %dma_wait3A_909 = tpu.memref_slice %arg11[%dma_wait3A_907, %dma_wait3A_908] : memref<256x128xf32, #tpu.memory_space<vmem>> -> memref<16x128xf32, #tpu.memory_space<vmem>>
      %dma_wait3A_910 = arith.constant 0 : i32
      %dma_wait3A_911 = arith.constant 0 : i32
      %dma_wait3A_912 = tpu.memref_slice %arg2[%dma_wait3A_910, %dma_wait3A_911] : memref<16x1000000xf32, #tpu.memory_space<hbm>> -> memref<16x128xf32, #tpu.memory_space<hbm>>
      %dma_wait3A_913 = arith.constant 112 : i32
      %dma_wait3A_914 = arith.constant 0 : i32
      %dma_wait3A_915 = tpu.memref_slice %arg11[%dma_wait3A_913, %dma_wait3A_914] : memref<256x128xf32, #tpu.memory_space<vmem>> -> memref<16x128xf32, #tpu.memory_space<vmem>>
      %dma_wait3A_916 = arith.constant 0 : i32
      %dma_wait3A_917 = arith.constant 0 : i32
      %dma_wait3A_918 = tpu.memref_slice %arg2[%dma_wait3A_916, %dma_wait3A_917] : memref<16x1000000xf32, #tpu.memory_space<hbm>> -> memref<16x128xf32, #tpu.memory_space<hbm>>
      tpu.wait_dma2 semaphore(%arg15 : memref<!tpu.dma_semaphore, #tpu.memory_space<semaphore_mem>>) src(%dma_wait3A_918 : memref<16x128xf32, #tpu.memory_space<hbm>>) dst(%dma_wait3A_915 : memref<16x128xf32, #tpu.memory_space<vmem>>)
      %dma_wait3A_919 = arith.constant 112 : i32
      %dma_wait3A_920 = arith.constant 0 : i32
      %dma_wait3A_921 = tpu.memref_slice %arg12[%dma_wait3A_919, %dma_wait3A_920] : memref<256x128xf32, #tpu.memory_space<vmem>> -> memref<16x128xf32, #tpu.memory_space<vmem>>
      %dma_wait3A_922 = arith.constant 0 : i32
      %dma_wait3A_923 = arith.constant 0 : i32
      %dma_wait3A_924 = tpu.memref_slice %arg3[%dma_wait3A_922, %dma_wait3A_923] : memref<16x1000000xf32, #tpu.memory_space<hbm>> -> memref<16x128xf32, #tpu.memory_space<hbm>>
      %dma_wait3A_925 = arith.constant 112 : i32
      %dma_wait3A_926 = arith.constant 0 : i32
      %dma_wait3A_927 = tpu.memref_slice %arg12[%dma_wait3A_925, %dma_wait3A_926] : memref<256x128xf32, #tpu.memory_space<vmem>> -> memref<16x128xf32, #tpu.memory_space<vmem>>
      %dma_wait3A_928 = arith.constant 0 : i32
      %dma_wait3A_929 = arith.constant 0 : i32
      %dma_wait3A_930 = tpu.memref_slice %arg3[%dma_wait3A_928, %dma_wait3A_929] : memref<16x1000000xf32, #tpu.memory_space<hbm>> -> memref<16x128xf32, #tpu.memory_space<hbm>>
      tpu.wait_dma2 semaphore(%arg15 : memref<!tpu.dma_semaphore, #tpu.memory_space<semaphore_mem>>) src(%dma_wait3A_930 : memref<16x128xf32, #tpu.memory_space<hbm>>) dst(%dma_wait3A_927 : memref<16x128xf32, #tpu.memory_space<vmem>>)
      %dma_wait3A_931 = arith.constant 112 : i32
      %dma_wait3A_932 = arith.constant 0 : i32
      %dma_wait3A_933 = tpu.memref_slice %arg13[%dma_wait3A_931, %dma_wait3A_932] : memref<256x128xf32, #tpu.memory_space<vmem>> -> memref<16x128xf32, #tpu.memory_space<vmem>>
      %dma_wait3A_934 = arith.constant 0 : i32
      %dma_wait3A_935 = arith.constant 0 : i32
      %dma_wait3A_936 = tpu.memref_slice %arg3[%dma_wait3A_934, %dma_wait3A_935] : memref<16x1000000xf32, #tpu.memory_space<hbm>> -> memref<16x128xf32, #tpu.memory_space<hbm>>
      %dma_wait3A_937 = arith.constant 112 : i32
      %dma_wait3A_938 = arith.constant 0 : i32
      %dma_wait3A_939 = tpu.memref_slice %arg13[%dma_wait3A_937, %dma_wait3A_938] : memref<256x128xf32, #tpu.memory_space<vmem>> -> memref<16x128xf32, #tpu.memory_space<vmem>>
      %dma_wait3A_940 = arith.constant 0 : i32
      %dma_wait3A_941 = arith.constant 0 : i32
      %dma_wait3A_942 = tpu.memref_slice %arg3[%dma_wait3A_940, %dma_wait3A_941] : memref<16x1000000xf32, #tpu.memory_space<hbm>> -> memref<16x128xf32, #tpu.memory_space<hbm>>
      tpu.wait_dma2 semaphore(%arg15 : memref<!tpu.dma_semaphore, #tpu.memory_space<semaphore_mem>>) src(%dma_wait3A_942 : memref<16x128xf32, #tpu.memory_space<hbm>>) dst(%dma_wait3A_939 : memref<16x128xf32, #tpu.memory_space<vmem>>)
      %dma_wait3A_943 = arith.constant 128 : i32
      %dma_wait3A_944 = arith.constant 0 : i32
      %dma_wait3A_945 = tpu.memref_slice %arg11[%dma_wait3A_943, %dma_wait3A_944] : memref<256x128xf32, #tpu.memory_space<vmem>> -> memref<16x128xf32, #tpu.memory_space<vmem>>
      %dma_wait3A_946 = arith.constant 0 : i32
      %dma_wait3A_947 = arith.constant 0 : i32
      %dma_wait3A_948 = tpu.memref_slice %arg2[%dma_wait3A_946, %dma_wait3A_947] : memref<16x1000000xf32, #tpu.memory_space<hbm>> -> memref<16x128xf32, #tpu.memory_space<hbm>>
      %dma_wait3A_949 = arith.constant 128 : i32
      %dma_wait3A_950 = arith.constant 0 : i32
      %dma_wait3A_951 = tpu.memref_slice %arg11[%dma_wait3A_949, %dma_wait3A_950] : memref<256x128xf32, #tpu.memory_space<vmem>> -> memref<16x128xf32, #tpu.memory_space<vmem>>
      %dma_wait3A_952 = arith.constant 0 : i32
      %dma_wait3A_953 = arith.constant 0 : i32
      %dma_wait3A_954 = tpu.memref_slice %arg2[%dma_wait3A_952, %dma_wait3A_953] : memref<16x1000000xf32, #tpu.memory_space<hbm>> -> memref<16x128xf32, #tpu.memory_space<hbm>>
      tpu.wait_dma2 semaphore(%arg15 : memref<!tpu.dma_semaphore, #tpu.memory_space<semaphore_mem>>) src(%dma_wait3A_954 : memref<16x128xf32, #tpu.memory_space<hbm>>) dst(%dma_wait3A_951 : memref<16x128xf32, #tpu.memory_space<vmem>>)
      %dma_wait3A_955 = arith.constant 128 : i32
      %dma_wait3A_956 = arith.constant 0 : i32
      %dma_wait3A_957 = tpu.memref_slice %arg12[%dma_wait3A_955, %dma_wait3A_956] : memref<256x128xf32, #tpu.memory_space<vmem>> -> memref<16x128xf32, #tpu.memory_space<vmem>>
      %dma_wait3A_958 = arith.constant 0 : i32
      %dma_wait3A_959 = arith.constant 0 : i32
      %dma_wait3A_960 = tpu.memref_slice %arg3[%dma_wait3A_958, %dma_wait3A_959] : memref<16x1000000xf32, #tpu.memory_space<hbm>> -> memref<16x128xf32, #tpu.memory_space<hbm>>
      %dma_wait3A_961 = arith.constant 128 : i32
      %dma_wait3A_962 = arith.constant 0 : i32
      %dma_wait3A_963 = tpu.memref_slice %arg12[%dma_wait3A_961, %dma_wait3A_962] : memref<256x128xf32, #tpu.memory_space<vmem>> -> memref<16x128xf32, #tpu.memory_space<vmem>>
      %dma_wait3A_964 = arith.constant 0 : i32
      %dma_wait3A_965 = arith.constant 0 : i32
      %dma_wait3A_966 = tpu.memref_slice %arg3[%dma_wait3A_964, %dma_wait3A_965] : memref<16x1000000xf32, #tpu.memory_space<hbm>> -> memref<16x128xf32, #tpu.memory_space<hbm>>
      tpu.wait_dma2 semaphore(%arg15 : memref<!tpu.dma_semaphore, #tpu.memory_space<semaphore_mem>>) src(%dma_wait3A_966 : memref<16x128xf32, #tpu.memory_space<hbm>>) dst(%dma_wait3A_963 : memref<16x128xf32, #tpu.memory_space<vmem>>)
      %dma_wait3A_967 = arith.constant 128 : i32
      %dma_wait3A_968 = arith.constant 0 : i32
      %dma_wait3A_969 = tpu.memref_slice %arg13[%dma_wait3A_967, %dma_wait3A_968] : memref<256x128xf32, #tpu.memory_space<vmem>> -> memref<16x128xf32, #tpu.memory_space<vmem>>
      %dma_wait3A_970 = arith.constant 0 : i32
      %dma_wait3A_971 = arith.constant 0 : i32
      %dma_wait3A_972 = tpu.memref_slice %arg3[%dma_wait3A_970, %dma_wait3A_971] : memref<16x1000000xf32, #tpu.memory_space<hbm>> -> memref<16x128xf32, #tpu.memory_space<hbm>>
      %dma_wait3A_973 = arith.constant 128 : i32
      %dma_wait3A_974 = arith.constant 0 : i32
      %dma_wait3A_975 = tpu.memref_slice %arg13[%dma_wait3A_973, %dma_wait3A_974] : memref<256x128xf32, #tpu.memory_space<vmem>> -> memref<16x128xf32, #tpu.memory_space<vmem>>
      %dma_wait3A_976 = arith.constant 0 : i32
      %dma_wait3A_977 = arith.constant 0 : i32
      %dma_wait3A_978 = tpu.memref_slice %arg3[%dma_wait3A_976, %dma_wait3A_977] : memref<16x1000000xf32, #tpu.memory_space<hbm>> -> memref<16x128xf32, #tpu.memory_space<hbm>>
      tpu.wait_dma2 semaphore(%arg15 : memref<!tpu.dma_semaphore, #tpu.memory_space<semaphore_mem>>) src(%dma_wait3A_978 : memref<16x128xf32, #tpu.memory_space<hbm>>) dst(%dma_wait3A_975 : memref<16x128xf32, #tpu.memory_space<vmem>>)
      %dma_wait3A_979 = arith.constant 144 : i32
      %dma_wait3A_980 = arith.constant 0 : i32
      %dma_wait3A_981 = tpu.memref_slice %arg11[%dma_wait3A_979, %dma_wait3A_980] : memref<256x128xf32, #tpu.memory_space<vmem>> -> memref<16x128xf32, #tpu.memory_space<vmem>>
      %dma_wait3A_982 = arith.constant 0 : i32
      %dma_wait3A_983 = arith.constant 0 : i32
      %dma_wait3A_984 = tpu.memref_slice %arg2[%dma_wait3A_982, %dma_wait3A_983] : memref<16x1000000xf32, #tpu.memory_space<hbm>> -> memref<16x128xf32, #tpu.memory_space<hbm>>
      %dma_wait3A_985 = arith.constant 144 : i32
      %dma_wait3A_986 = arith.constant 0 : i32
      %dma_wait3A_987 = tpu.memref_slice %arg11[%dma_wait3A_985, %dma_wait3A_986] : memref<256x128xf32, #tpu.memory_space<vmem>> -> memref<16x128xf32, #tpu.memory_space<vmem>>
      %dma_wait3A_988 = arith.constant 0 : i32
      %dma_wait3A_989 = arith.constant 0 : i32
      %dma_wait3A_990 = tpu.memref_slice %arg2[%dma_wait3A_988, %dma_wait3A_989] : memref<16x1000000xf32, #tpu.memory_space<hbm>> -> memref<16x128xf32, #tpu.memory_space<hbm>>
      tpu.wait_dma2 semaphore(%arg15 : memref<!tpu.dma_semaphore, #tpu.memory_space<semaphore_mem>>) src(%dma_wait3A_990 : memref<16x128xf32, #tpu.memory_space<hbm>>) dst(%dma_wait3A_987 : memref<16x128xf32, #tpu.memory_space<vmem>>)
      %dma_wait3A_991 = arith.constant 144 : i32
      %dma_wait3A_992 = arith.constant 0 : i32
      %dma_wait3A_993 = tpu.memref_slice %arg12[%dma_wait3A_991, %dma_wait3A_992] : memref<256x128xf32, #tpu.memory_space<vmem>> -> memref<16x128xf32, #tpu.memory_space<vmem>>
      %dma_wait3A_994 = arith.constant 0 : i32
      %dma_wait3A_995 = arith.constant 0 : i32
      %dma_wait3A_996 = tpu.memref_slice %arg3[%dma_wait3A_994, %dma_wait3A_995] : memref<16x1000000xf32, #tpu.memory_space<hbm>> -> memref<16x128xf32, #tpu.memory_space<hbm>>
      %dma_wait3A_997 = arith.constant 144 : i32
      %dma_wait3A_998 = arith.constant 0 : i32
      %dma_wait3A_999 = tpu.memref_slice %arg12[%dma_wait3A_997, %dma_wait3A_998] : memref<256x128xf32, #tpu.memory_space<vmem>> -> memref<16x128xf32, #tpu.memory_space<vmem>>
      %dma_wait3A_1000 = arith.constant 0 : i32
      %dma_wait3A_1001 = arith.constant 0 : i32
      %dma_wait3A_1002 = tpu.memref_slice %arg3[%dma_wait3A_1000, %dma_wait3A_1001] : memref<16x1000000xf32, #tpu.memory_space<hbm>> -> memref<16x128xf32, #tpu.memory_space<hbm>>
      tpu.wait_dma2 semaphore(%arg15 : memref<!tpu.dma_semaphore, #tpu.memory_space<semaphore_mem>>) src(%dma_wait3A_1002 : memref<16x128xf32, #tpu.memory_space<hbm>>) dst(%dma_wait3A_999 : memref<16x128xf32, #tpu.memory_space<vmem>>)
      %dma_wait3A_1003 = arith.constant 144 : i32
      %dma_wait3A_1004 = arith.constant 0 : i32
      %dma_wait3A_1005 = tpu.memref_slice %arg13[%dma_wait3A_1003, %dma_wait3A_1004] : memref<256x128xf32, #tpu.memory_space<vmem>> -> memref<16x128xf32, #tpu.memory_space<vmem>>
      %dma_wait3A_1006 = arith.constant 0 : i32
      %dma_wait3A_1007 = arith.constant 0 : i32
      %dma_wait3A_1008 = tpu.memref_slice %arg3[%dma_wait3A_1006, %dma_wait3A_1007] : memref<16x1000000xf32, #tpu.memory_space<hbm>> -> memref<16x128xf32, #tpu.memory_space<hbm>>
      %dma_wait3A_1009 = arith.constant 144 : i32
      %dma_wait3A_1010 = arith.constant 0 : i32
      %dma_wait3A_1011 = tpu.memref_slice %arg13[%dma_wait3A_1009, %dma_wait3A_1010] : memref<256x128xf32, #tpu.memory_space<vmem>> -> memref<16x128xf32, #tpu.memory_space<vmem>>
      %dma_wait3A_1012 = arith.constant 0 : i32
      %dma_wait3A_1013 = arith.constant 0 : i32
      %dma_wait3A_1014 = tpu.memref_slice %arg3[%dma_wait3A_1012, %dma_wait3A_1013] : memref<16x1000000xf32, #tpu.memory_space<hbm>> -> memref<16x128xf32, #tpu.memory_space<hbm>>
      tpu.wait_dma2 semaphore(%arg15 : memref<!tpu.dma_semaphore, #tpu.memory_space<semaphore_mem>>) src(%dma_wait3A_1014 : memref<16x128xf32, #tpu.memory_space<hbm>>) dst(%dma_wait3A_1011 : memref<16x128xf32, #tpu.memory_space<vmem>>)
      %dma_wait3A_1015 = arith.constant 160 : i32
      %dma_wait3A_1016 = arith.constant 0 : i32
      %dma_wait3A_1017 = tpu.memref_slice %arg11[%dma_wait3A_1015, %dma_wait3A_1016] : memref<256x128xf32, #tpu.memory_space<vmem>> -> memref<16x128xf32, #tpu.memory_space<vmem>>
      %dma_wait3A_1018 = arith.constant 0 : i32
      %dma_wait3A_1019 = arith.constant 0 : i32
      %dma_wait3A_1020 = tpu.memref_slice %arg2[%dma_wait3A_1018, %dma_wait3A_1019] : memref<16x1000000xf32, #tpu.memory_space<hbm>> -> memref<16x128xf32, #tpu.memory_space<hbm>>
      %dma_wait3A_1021 = arith.constant 160 : i32
      %dma_wait3A_1022 = arith.constant 0 : i32
      %dma_wait3A_1023 = tpu.memref_slice %arg11[%dma_wait3A_1021, %dma_wait3A_1022] : memref<256x128xf32, #tpu.memory_space<vmem>> -> memref<16x128xf32, #tpu.memory_space<vmem>>
      %dma_wait3A_1024 = arith.constant 0 : i32
      %dma_wait3A_1025 = arith.constant 0 : i32
      %dma_wait3A_1026 = tpu.memref_slice %arg2[%dma_wait3A_1024, %dma_wait3A_1025] : memref<16x1000000xf32, #tpu.memory_space<hbm>> -> memref<16x128xf32, #tpu.memory_space<hbm>>
      tpu.wait_dma2 semaphore(%arg15 : memref<!tpu.dma_semaphore, #tpu.memory_space<semaphore_mem>>) src(%dma_wait3A_1026 : memref<16x128xf32, #tpu.memory_space<hbm>>) dst(%dma_wait3A_1023 : memref<16x128xf32, #tpu.memory_space<vmem>>)
      %dma_wait3A_1027 = arith.constant 160 : i32
      %dma_wait3A_1028 = arith.constant 0 : i32
      %dma_wait3A_1029 = tpu.memref_slice %arg12[%dma_wait3A_1027, %dma_wait3A_1028] : memref<256x128xf32, #tpu.memory_space<vmem>> -> memref<16x128xf32, #tpu.memory_space<vmem>>
      %dma_wait3A_1030 = arith.constant 0 : i32
      %dma_wait3A_1031 = arith.constant 0 : i32
      %dma_wait3A_1032 = tpu.memref_slice %arg3[%dma_wait3A_1030, %dma_wait3A_1031] : memref<16x1000000xf32, #tpu.memory_space<hbm>> -> memref<16x128xf32, #tpu.memory_space<hbm>>
      %dma_wait3A_1033 = arith.constant 160 : i32
      %dma_wait3A_1034 = arith.constant 0 : i32
      %dma_wait3A_1035 = tpu.memref_slice %arg12[%dma_wait3A_1033, %dma_wait3A_1034] : memref<256x128xf32, #tpu.memory_space<vmem>> -> memref<16x128xf32, #tpu.memory_space<vmem>>
      %dma_wait3A_1036 = arith.constant 0 : i32
      %dma_wait3A_1037 = arith.constant 0 : i32
      %dma_wait3A_1038 = tpu.memref_slice %arg3[%dma_wait3A_1036, %dma_wait3A_1037] : memref<16x1000000xf32, #tpu.memory_space<hbm>> -> memref<16x128xf32, #tpu.memory_space<hbm>>
      tpu.wait_dma2 semaphore(%arg15 : memref<!tpu.dma_semaphore, #tpu.memory_space<semaphore_mem>>) src(%dma_wait3A_1038 : memref<16x128xf32, #tpu.memory_space<hbm>>) dst(%dma_wait3A_1035 : memref<16x128xf32, #tpu.memory_space<vmem>>)
      %dma_wait3A_1039 = arith.constant 160 : i32
      %dma_wait3A_1040 = arith.constant 0 : i32
      %dma_wait3A_1041 = tpu.memref_slice %arg13[%dma_wait3A_1039, %dma_wait3A_1040] : memref<256x128xf32, #tpu.memory_space<vmem>> -> memref<16x128xf32, #tpu.memory_space<vmem>>
      %dma_wait3A_1042 = arith.constant 0 : i32
      %dma_wait3A_1043 = arith.constant 0 : i32
      %dma_wait3A_1044 = tpu.memref_slice %arg3[%dma_wait3A_1042, %dma_wait3A_1043] : memref<16x1000000xf32, #tpu.memory_space<hbm>> -> memref<16x128xf32, #tpu.memory_space<hbm>>
      %dma_wait3A_1045 = arith.constant 160 : i32
      %dma_wait3A_1046 = arith.constant 0 : i32
      %dma_wait3A_1047 = tpu.memref_slice %arg13[%dma_wait3A_1045, %dma_wait3A_1046] : memref<256x128xf32, #tpu.memory_space<vmem>> -> memref<16x128xf32, #tpu.memory_space<vmem>>
      %dma_wait3A_1048 = arith.constant 0 : i32
      %dma_wait3A_1049 = arith.constant 0 : i32
      %dma_wait3A_1050 = tpu.memref_slice %arg3[%dma_wait3A_1048, %dma_wait3A_1049] : memref<16x1000000xf32, #tpu.memory_space<hbm>> -> memref<16x128xf32, #tpu.memory_space<hbm>>
      tpu.wait_dma2 semaphore(%arg15 : memref<!tpu.dma_semaphore, #tpu.memory_space<semaphore_mem>>) src(%dma_wait3A_1050 : memref<16x128xf32, #tpu.memory_space<hbm>>) dst(%dma_wait3A_1047 : memref<16x128xf32, #tpu.memory_space<vmem>>)
      %dma_wait3A_1051 = arith.constant 176 : i32
      %dma_wait3A_1052 = arith.constant 0 : i32
      %dma_wait3A_1053 = tpu.memref_slice %arg11[%dma_wait3A_1051, %dma_wait3A_1052] : memref<256x128xf32, #tpu.memory_space<vmem>> -> memref<16x128xf32, #tpu.memory_space<vmem>>
      %dma_wait3A_1054 = arith.constant 0 : i32
      %dma_wait3A_1055 = arith.constant 0 : i32
      %dma_wait3A_1056 = tpu.memref_slice %arg2[%dma_wait3A_1054, %dma_wait3A_1055] : memref<16x1000000xf32, #tpu.memory_space<hbm>> -> memref<16x128xf32, #tpu.memory_space<hbm>>
      %dma_wait3A_1057 = arith.constant 176 : i32
      %dma_wait3A_1058 = arith.constant 0 : i32
      %dma_wait3A_1059 = tpu.memref_slice %arg11[%dma_wait3A_1057, %dma_wait3A_1058] : memref<256x128xf32, #tpu.memory_space<vmem>> -> memref<16x128xf32, #tpu.memory_space<vmem>>
      %dma_wait3A_1060 = arith.constant 0 : i32
      %dma_wait3A_1061 = arith.constant 0 : i32
      %dma_wait3A_1062 = tpu.memref_slice %arg2[%dma_wait3A_1060, %dma_wait3A_1061] : memref<16x1000000xf32, #tpu.memory_space<hbm>> -> memref<16x128xf32, #tpu.memory_space<hbm>>
      tpu.wait_dma2 semaphore(%arg15 : memref<!tpu.dma_semaphore, #tpu.memory_space<semaphore_mem>>) src(%dma_wait3A_1062 : memref<16x128xf32, #tpu.memory_space<hbm>>) dst(%dma_wait3A_1059 : memref<16x128xf32, #tpu.memory_space<vmem>>)
      %dma_wait3A_1063 = arith.constant 176 : i32
      %dma_wait3A_1064 = arith.constant 0 : i32
      %dma_wait3A_1065 = tpu.memref_slice %arg12[%dma_wait3A_1063, %dma_wait3A_1064] : memref<256x128xf32, #tpu.memory_space<vmem>> -> memref<16x128xf32, #tpu.memory_space<vmem>>
      %dma_wait3A_1066 = arith.constant 0 : i32
      %dma_wait3A_1067 = arith.constant 0 : i32
      %dma_wait3A_1068 = tpu.memref_slice %arg3[%dma_wait3A_1066, %dma_wait3A_1067] : memref<16x1000000xf32, #tpu.memory_space<hbm>> -> memref<16x128xf32, #tpu.memory_space<hbm>>
      %dma_wait3A_1069 = arith.constant 176 : i32
      %dma_wait3A_1070 = arith.constant 0 : i32
      %dma_wait3A_1071 = tpu.memref_slice %arg12[%dma_wait3A_1069, %dma_wait3A_1070] : memref<256x128xf32, #tpu.memory_space<vmem>> -> memref<16x128xf32, #tpu.memory_space<vmem>>
      %dma_wait3A_1072 = arith.constant 0 : i32
      %dma_wait3A_1073 = arith.constant 0 : i32
      %dma_wait3A_1074 = tpu.memref_slice %arg3[%dma_wait3A_1072, %dma_wait3A_1073] : memref<16x1000000xf32, #tpu.memory_space<hbm>> -> memref<16x128xf32, #tpu.memory_space<hbm>>
      tpu.wait_dma2 semaphore(%arg15 : memref<!tpu.dma_semaphore, #tpu.memory_space<semaphore_mem>>) src(%dma_wait3A_1074 : memref<16x128xf32, #tpu.memory_space<hbm>>) dst(%dma_wait3A_1071 : memref<16x128xf32, #tpu.memory_space<vmem>>)
      %dma_wait3A_1075 = arith.constant 176 : i32
      %dma_wait3A_1076 = arith.constant 0 : i32
      %dma_wait3A_1077 = tpu.memref_slice %arg13[%dma_wait3A_1075, %dma_wait3A_1076] : memref<256x128xf32, #tpu.memory_space<vmem>> -> memref<16x128xf32, #tpu.memory_space<vmem>>
      %dma_wait3A_1078 = arith.constant 0 : i32
      %dma_wait3A_1079 = arith.constant 0 : i32
      %dma_wait3A_1080 = tpu.memref_slice %arg3[%dma_wait3A_1078, %dma_wait3A_1079] : memref<16x1000000xf32, #tpu.memory_space<hbm>> -> memref<16x128xf32, #tpu.memory_space<hbm>>
      %dma_wait3A_1081 = arith.constant 176 : i32
      %dma_wait3A_1082 = arith.constant 0 : i32
      %dma_wait3A_1083 = tpu.memref_slice %arg13[%dma_wait3A_1081, %dma_wait3A_1082] : memref<256x128xf32, #tpu.memory_space<vmem>> -> memref<16x128xf32, #tpu.memory_space<vmem>>
      %dma_wait3A_1084 = arith.constant 0 : i32
      %dma_wait3A_1085 = arith.constant 0 : i32
      %dma_wait3A_1086 = tpu.memref_slice %arg3[%dma_wait3A_1084, %dma_wait3A_1085] : memref<16x1000000xf32, #tpu.memory_space<hbm>> -> memref<16x128xf32, #tpu.memory_space<hbm>>
      tpu.wait_dma2 semaphore(%arg15 : memref<!tpu.dma_semaphore, #tpu.memory_space<semaphore_mem>>) src(%dma_wait3A_1086 : memref<16x128xf32, #tpu.memory_space<hbm>>) dst(%dma_wait3A_1083 : memref<16x128xf32, #tpu.memory_space<vmem>>)
      %dma_wait3A_1087 = arith.constant 192 : i32
      %dma_wait3A_1088 = arith.constant 0 : i32
      %dma_wait3A_1089 = tpu.memref_slice %arg11[%dma_wait3A_1087, %dma_wait3A_1088] : memref<256x128xf32, #tpu.memory_space<vmem>> -> memref<16x128xf32, #tpu.memory_space<vmem>>
      %dma_wait3A_1090 = arith.constant 0 : i32
      %dma_wait3A_1091 = arith.constant 0 : i32
      %dma_wait3A_1092 = tpu.memref_slice %arg2[%dma_wait3A_1090, %dma_wait3A_1091] : memref<16x1000000xf32, #tpu.memory_space<hbm>> -> memref<16x128xf32, #tpu.memory_space<hbm>>
      %dma_wait3A_1093 = arith.constant 192 : i32
      %dma_wait3A_1094 = arith.constant 0 : i32
      %dma_wait3A_1095 = tpu.memref_slice %arg11[%dma_wait3A_1093, %dma_wait3A_1094] : memref<256x128xf32, #tpu.memory_space<vmem>> -> memref<16x128xf32, #tpu.memory_space<vmem>>
      %dma_wait3A_1096 = arith.constant 0 : i32
      %dma_wait3A_1097 = arith.constant 0 : i32
      %dma_wait3A_1098 = tpu.memref_slice %arg2[%dma_wait3A_1096, %dma_wait3A_1097] : memref<16x1000000xf32, #tpu.memory_space<hbm>> -> memref<16x128xf32, #tpu.memory_space<hbm>>
      tpu.wait_dma2 semaphore(%arg15 : memref<!tpu.dma_semaphore, #tpu.memory_space<semaphore_mem>>) src(%dma_wait3A_1098 : memref<16x128xf32, #tpu.memory_space<hbm>>) dst(%dma_wait3A_1095 : memref<16x128xf32, #tpu.memory_space<vmem>>)
      %dma_wait3A_1099 = arith.constant 192 : i32
      %dma_wait3A_1100 = arith.constant 0 : i32
      %dma_wait3A_1101 = tpu.memref_slice %arg12[%dma_wait3A_1099, %dma_wait3A_1100] : memref<256x128xf32, #tpu.memory_space<vmem>> -> memref<16x128xf32, #tpu.memory_space<vmem>>
      %dma_wait3A_1102 = arith.constant 0 : i32
      %dma_wait3A_1103 = arith.constant 0 : i32
      %dma_wait3A_1104 = tpu.memref_slice %arg3[%dma_wait3A_1102, %dma_wait3A_1103] : memref<16x1000000xf32, #tpu.memory_space<hbm>> -> memref<16x128xf32, #tpu.memory_space<hbm>>
      %dma_wait3A_1105 = arith.constant 192 : i32
      %dma_wait3A_1106 = arith.constant 0 : i32
      %dma_wait3A_1107 = tpu.memref_slice %arg12[%dma_wait3A_1105, %dma_wait3A_1106] : memref<256x128xf32, #tpu.memory_space<vmem>> -> memref<16x128xf32, #tpu.memory_space<vmem>>
      %dma_wait3A_1108 = arith.constant 0 : i32
      %dma_wait3A_1109 = arith.constant 0 : i32
      %dma_wait3A_1110 = tpu.memref_slice %arg3[%dma_wait3A_1108, %dma_wait3A_1109] : memref<16x1000000xf32, #tpu.memory_space<hbm>> -> memref<16x128xf32, #tpu.memory_space<hbm>>
      tpu.wait_dma2 semaphore(%arg15 : memref<!tpu.dma_semaphore, #tpu.memory_space<semaphore_mem>>) src(%dma_wait3A_1110 : memref<16x128xf32, #tpu.memory_space<hbm>>) dst(%dma_wait3A_1107 : memref<16x128xf32, #tpu.memory_space<vmem>>)
      %dma_wait3A_1111 = arith.constant 192 : i32
      %dma_wait3A_1112 = arith.constant 0 : i32
      %dma_wait3A_1113 = tpu.memref_slice %arg13[%dma_wait3A_1111, %dma_wait3A_1112] : memref<256x128xf32, #tpu.memory_space<vmem>> -> memref<16x128xf32, #tpu.memory_space<vmem>>
      %dma_wait3A_1114 = arith.constant 0 : i32
      %dma_wait3A_1115 = arith.constant 0 : i32
      %dma_wait3A_1116 = tpu.memref_slice %arg3[%dma_wait3A_1114, %dma_wait3A_1115] : memref<16x1000000xf32, #tpu.memory_space<hbm>> -> memref<16x128xf32, #tpu.memory_space<hbm>>
      %dma_wait3A_1117 = arith.constant 192 : i32
      %dma_wait3A_1118 = arith.constant 0 : i32
      %dma_wait3A_1119 = tpu.memref_slice %arg13[%dma_wait3A_1117, %dma_wait3A_1118] : memref<256x128xf32, #tpu.memory_space<vmem>> -> memref<16x128xf32, #tpu.memory_space<vmem>>
      %dma_wait3A_1120 = arith.constant 0 : i32
      %dma_wait3A_1121 = arith.constant 0 : i32
      %dma_wait3A_1122 = tpu.memref_slice %arg3[%dma_wait3A_1120, %dma_wait3A_1121] : memref<16x1000000xf32, #tpu.memory_space<hbm>> -> memref<16x128xf32, #tpu.memory_space<hbm>>
      tpu.wait_dma2 semaphore(%arg15 : memref<!tpu.dma_semaphore, #tpu.memory_space<semaphore_mem>>) src(%dma_wait3A_1122 : memref<16x128xf32, #tpu.memory_space<hbm>>) dst(%dma_wait3A_1119 : memref<16x128xf32, #tpu.memory_space<vmem>>)
      %dma_wait3A_1123 = arith.constant 208 : i32
      %dma_wait3A_1124 = arith.constant 0 : i32
      %dma_wait3A_1125 = tpu.memref_slice %arg11[%dma_wait3A_1123, %dma_wait3A_1124] : memref<256x128xf32, #tpu.memory_space<vmem>> -> memref<16x128xf32, #tpu.memory_space<vmem>>
      %dma_wait3A_1126 = arith.constant 0 : i32
      %dma_wait3A_1127 = arith.constant 0 : i32
      %dma_wait3A_1128 = tpu.memref_slice %arg2[%dma_wait3A_1126, %dma_wait3A_1127] : memref<16x1000000xf32, #tpu.memory_space<hbm>> -> memref<16x128xf32, #tpu.memory_space<hbm>>
      %dma_wait3A_1129 = arith.constant 208 : i32
      %dma_wait3A_1130 = arith.constant 0 : i32
      %dma_wait3A_1131 = tpu.memref_slice %arg11[%dma_wait3A_1129, %dma_wait3A_1130] : memref<256x128xf32, #tpu.memory_space<vmem>> -> memref<16x128xf32, #tpu.memory_space<vmem>>
      %dma_wait3A_1132 = arith.constant 0 : i32
      %dma_wait3A_1133 = arith.constant 0 : i32
      %dma_wait3A_1134 = tpu.memref_slice %arg2[%dma_wait3A_1132, %dma_wait3A_1133] : memref<16x1000000xf32, #tpu.memory_space<hbm>> -> memref<16x128xf32, #tpu.memory_space<hbm>>
      tpu.wait_dma2 semaphore(%arg15 : memref<!tpu.dma_semaphore, #tpu.memory_space<semaphore_mem>>) src(%dma_wait3A_1134 : memref<16x128xf32, #tpu.memory_space<hbm>>) dst(%dma_wait3A_1131 : memref<16x128xf32, #tpu.memory_space<vmem>>)
      %dma_wait3A_1135 = arith.constant 208 : i32
      %dma_wait3A_1136 = arith.constant 0 : i32
      %dma_wait3A_1137 = tpu.memref_slice %arg12[%dma_wait3A_1135, %dma_wait3A_1136] : memref<256x128xf32, #tpu.memory_space<vmem>> -> memref<16x128xf32, #tpu.memory_space<vmem>>
      %dma_wait3A_1138 = arith.constant 0 : i32
      %dma_wait3A_1139 = arith.constant 0 : i32
      %dma_wait3A_1140 = tpu.memref_slice %arg3[%dma_wait3A_1138, %dma_wait3A_1139] : memref<16x1000000xf32, #tpu.memory_space<hbm>> -> memref<16x128xf32, #tpu.memory_space<hbm>>
      %dma_wait3A_1141 = arith.constant 208 : i32
      %dma_wait3A_1142 = arith.constant 0 : i32
      %dma_wait3A_1143 = tpu.memref_slice %arg12[%dma_wait3A_1141, %dma_wait3A_1142] : memref<256x128xf32, #tpu.memory_space<vmem>> -> memref<16x128xf32, #tpu.memory_space<vmem>>
      %dma_wait3A_1144 = arith.constant 0 : i32
      %dma_wait3A_1145 = arith.constant 0 : i32
      %dma_wait3A_1146 = tpu.memref_slice %arg3[%dma_wait3A_1144, %dma_wait3A_1145] : memref<16x1000000xf32, #tpu.memory_space<hbm>> -> memref<16x128xf32, #tpu.memory_space<hbm>>
      tpu.wait_dma2 semaphore(%arg15 : memref<!tpu.dma_semaphore, #tpu.memory_space<semaphore_mem>>) src(%dma_wait3A_1146 : memref<16x128xf32, #tpu.memory_space<hbm>>) dst(%dma_wait3A_1143 : memref<16x128xf32, #tpu.memory_space<vmem>>)
      %dma_wait3A_1147 = arith.constant 208 : i32
      %dma_wait3A_1148 = arith.constant 0 : i32
      %dma_wait3A_1149 = tpu.memref_slice %arg13[%dma_wait3A_1147, %dma_wait3A_1148] : memref<256x128xf32, #tpu.memory_space<vmem>> -> memref<16x128xf32, #tpu.memory_space<vmem>>
      %dma_wait3A_1150 = arith.constant 0 : i32
      %dma_wait3A_1151 = arith.constant 0 : i32
      %dma_wait3A_1152 = tpu.memref_slice %arg3[%dma_wait3A_1150, %dma_wait3A_1151] : memref<16x1000000xf32, #tpu.memory_space<hbm>> -> memref<16x128xf32, #tpu.memory_space<hbm>>
      %dma_wait3A_1153 = arith.constant 208 : i32
      %dma_wait3A_1154 = arith.constant 0 : i32
      %dma_wait3A_1155 = tpu.memref_slice %arg13[%dma_wait3A_1153, %dma_wait3A_1154] : memref<256x128xf32, #tpu.memory_space<vmem>> -> memref<16x128xf32, #tpu.memory_space<vmem>>
      %dma_wait3A_1156 = arith.constant 0 : i32
      %dma_wait3A_1157 = arith.constant 0 : i32
      %dma_wait3A_1158 = tpu.memref_slice %arg3[%dma_wait3A_1156, %dma_wait3A_1157] : memref<16x1000000xf32, #tpu.memory_space<hbm>> -> memref<16x128xf32, #tpu.memory_space<hbm>>
      tpu.wait_dma2 semaphore(%arg15 : memref<!tpu.dma_semaphore, #tpu.memory_space<semaphore_mem>>) src(%dma_wait3A_1158 : memref<16x128xf32, #tpu.memory_space<hbm>>) dst(%dma_wait3A_1155 : memref<16x128xf32, #tpu.memory_space<vmem>>)
      %dma_wait3A_1159 = arith.constant 224 : i32
      %dma_wait3A_1160 = arith.constant 0 : i32
      %dma_wait3A_1161 = tpu.memref_slice %arg11[%dma_wait3A_1159, %dma_wait3A_1160] : memref<256x128xf32, #tpu.memory_space<vmem>> -> memref<16x128xf32, #tpu.memory_space<vmem>>
      %dma_wait3A_1162 = arith.constant 0 : i32
      %dma_wait3A_1163 = arith.constant 0 : i32
      %dma_wait3A_1164 = tpu.memref_slice %arg2[%dma_wait3A_1162, %dma_wait3A_1163] : memref<16x1000000xf32, #tpu.memory_space<hbm>> -> memref<16x128xf32, #tpu.memory_space<hbm>>
      %dma_wait3A_1165 = arith.constant 224 : i32
      %dma_wait3A_1166 = arith.constant 0 : i32
      %dma_wait3A_1167 = tpu.memref_slice %arg11[%dma_wait3A_1165, %dma_wait3A_1166] : memref<256x128xf32, #tpu.memory_space<vmem>> -> memref<16x128xf32, #tpu.memory_space<vmem>>
      %dma_wait3A_1168 = arith.constant 0 : i32
      %dma_wait3A_1169 = arith.constant 0 : i32
      %dma_wait3A_1170 = tpu.memref_slice %arg2[%dma_wait3A_1168, %dma_wait3A_1169] : memref<16x1000000xf32, #tpu.memory_space<hbm>> -> memref<16x128xf32, #tpu.memory_space<hbm>>
      tpu.wait_dma2 semaphore(%arg15 : memref<!tpu.dma_semaphore, #tpu.memory_space<semaphore_mem>>) src(%dma_wait3A_1170 : memref<16x128xf32, #tpu.memory_space<hbm>>) dst(%dma_wait3A_1167 : memref<16x128xf32, #tpu.memory_space<vmem>>)
      %dma_wait3A_1171 = arith.constant 224 : i32
      %dma_wait3A_1172 = arith.constant 0 : i32
      %dma_wait3A_1173 = tpu.memref_slice %arg12[%dma_wait3A_1171, %dma_wait3A_1172] : memref<256x128xf32, #tpu.memory_space<vmem>> -> memref<16x128xf32, #tpu.memory_space<vmem>>
      %dma_wait3A_1174 = arith.constant 0 : i32
      %dma_wait3A_1175 = arith.constant 0 : i32
      %dma_wait3A_1176 = tpu.memref_slice %arg3[%dma_wait3A_1174, %dma_wait3A_1175] : memref<16x1000000xf32, #tpu.memory_space<hbm>> -> memref<16x128xf32, #tpu.memory_space<hbm>>
      %dma_wait3A_1177 = arith.constant 224 : i32
      %dma_wait3A_1178 = arith.constant 0 : i32
      %dma_wait3A_1179 = tpu.memref_slice %arg12[%dma_wait3A_1177, %dma_wait3A_1178] : memref<256x128xf32, #tpu.memory_space<vmem>> -> memref<16x128xf32, #tpu.memory_space<vmem>>
      %dma_wait3A_1180 = arith.constant 0 : i32
      %dma_wait3A_1181 = arith.constant 0 : i32
      %dma_wait3A_1182 = tpu.memref_slice %arg3[%dma_wait3A_1180, %dma_wait3A_1181] : memref<16x1000000xf32, #tpu.memory_space<hbm>> -> memref<16x128xf32, #tpu.memory_space<hbm>>
      tpu.wait_dma2 semaphore(%arg15 : memref<!tpu.dma_semaphore, #tpu.memory_space<semaphore_mem>>) src(%dma_wait3A_1182 : memref<16x128xf32, #tpu.memory_space<hbm>>) dst(%dma_wait3A_1179 : memref<16x128xf32, #tpu.memory_space<vmem>>)
      %dma_wait3A_1183 = arith.constant 224 : i32
      %dma_wait3A_1184 = arith.constant 0 : i32
      %dma_wait3A_1185 = tpu.memref_slice %arg13[%dma_wait3A_1183, %dma_wait3A_1184] : memref<256x128xf32, #tpu.memory_space<vmem>> -> memref<16x128xf32, #tpu.memory_space<vmem>>
      %dma_wait3A_1186 = arith.constant 0 : i32
      %dma_wait3A_1187 = arith.constant 0 : i32
      %dma_wait3A_1188 = tpu.memref_slice %arg3[%dma_wait3A_1186, %dma_wait3A_1187] : memref<16x1000000xf32, #tpu.memory_space<hbm>> -> memref<16x128xf32, #tpu.memory_space<hbm>>
      %dma_wait3A_1189 = arith.constant 224 : i32
      %dma_wait3A_1190 = arith.constant 0 : i32
      %dma_wait3A_1191 = tpu.memref_slice %arg13[%dma_wait3A_1189, %dma_wait3A_1190] : memref<256x128xf32, #tpu.memory_space<vmem>> -> memref<16x128xf32, #tpu.memory_space<vmem>>
      %dma_wait3A_1192 = arith.constant 0 : i32
      %dma_wait3A_1193 = arith.constant 0 : i32
      %dma_wait3A_1194 = tpu.memref_slice %arg3[%dma_wait3A_1192, %dma_wait3A_1193] : memref<16x1000000xf32, #tpu.memory_space<hbm>> -> memref<16x128xf32, #tpu.memory_space<hbm>>
      tpu.wait_dma2 semaphore(%arg15 : memref<!tpu.dma_semaphore, #tpu.memory_space<semaphore_mem>>) src(%dma_wait3A_1194 : memref<16x128xf32, #tpu.memory_space<hbm>>) dst(%dma_wait3A_1191 : memref<16x128xf32, #tpu.memory_space<vmem>>)
      %dma_wait3A_1195 = arith.constant 240 : i32
      %dma_wait3A_1196 = arith.constant 0 : i32
      %dma_wait3A_1197 = tpu.memref_slice %arg11[%dma_wait3A_1195, %dma_wait3A_1196] : memref<256x128xf32, #tpu.memory_space<vmem>> -> memref<16x128xf32, #tpu.memory_space<vmem>>
      %dma_wait3A_1198 = arith.constant 0 : i32
      %dma_wait3A_1199 = arith.constant 0 : i32
      %dma_wait3A_1200 = tpu.memref_slice %arg2[%dma_wait3A_1198, %dma_wait3A_1199] : memref<16x1000000xf32, #tpu.memory_space<hbm>> -> memref<16x128xf32, #tpu.memory_space<hbm>>
      %dma_wait3A_1201 = arith.constant 240 : i32
      %dma_wait3A_1202 = arith.constant 0 : i32
      %dma_wait3A_1203 = tpu.memref_slice %arg11[%dma_wait3A_1201, %dma_wait3A_1202] : memref<256x128xf32, #tpu.memory_space<vmem>> -> memref<16x128xf32, #tpu.memory_space<vmem>>
      %dma_wait3A_1204 = arith.constant 0 : i32
      %dma_wait3A_1205 = arith.constant 0 : i32
      %dma_wait3A_1206 = tpu.memref_slice %arg2[%dma_wait3A_1204, %dma_wait3A_1205] : memref<16x1000000xf32, #tpu.memory_space<hbm>> -> memref<16x128xf32, #tpu.memory_space<hbm>>
      tpu.wait_dma2 semaphore(%arg15 : memref<!tpu.dma_semaphore, #tpu.memory_space<semaphore_mem>>) src(%dma_wait3A_1206 : memref<16x128xf32, #tpu.memory_space<hbm>>) dst(%dma_wait3A_1203 : memref<16x128xf32, #tpu.memory_space<vmem>>)
      %dma_wait3A_1207 = arith.constant 240 : i32
      %dma_wait3A_1208 = arith.constant 0 : i32
      %dma_wait3A_1209 = tpu.memref_slice %arg12[%dma_wait3A_1207, %dma_wait3A_1208] : memref<256x128xf32, #tpu.memory_space<vmem>> -> memref<16x128xf32, #tpu.memory_space<vmem>>
      %dma_wait3A_1210 = arith.constant 0 : i32
      %dma_wait3A_1211 = arith.constant 0 : i32
      %dma_wait3A_1212 = tpu.memref_slice %arg3[%dma_wait3A_1210, %dma_wait3A_1211] : memref<16x1000000xf32, #tpu.memory_space<hbm>> -> memref<16x128xf32, #tpu.memory_space<hbm>>
      %dma_wait3A_1213 = arith.constant 240 : i32
      %dma_wait3A_1214 = arith.constant 0 : i32
      %dma_wait3A_1215 = tpu.memref_slice %arg12[%dma_wait3A_1213, %dma_wait3A_1214] : memref<256x128xf32, #tpu.memory_space<vmem>> -> memref<16x128xf32, #tpu.memory_space<vmem>>
      %dma_wait3A_1216 = arith.constant 0 : i32
      %dma_wait3A_1217 = arith.constant 0 : i32
      %dma_wait3A_1218 = tpu.memref_slice %arg3[%dma_wait3A_1216, %dma_wait3A_1217] : memref<16x1000000xf32, #tpu.memory_space<hbm>> -> memref<16x128xf32, #tpu.memory_space<hbm>>
      tpu.wait_dma2 semaphore(%arg15 : memref<!tpu.dma_semaphore, #tpu.memory_space<semaphore_mem>>) src(%dma_wait3A_1218 : memref<16x128xf32, #tpu.memory_space<hbm>>) dst(%dma_wait3A_1215 : memref<16x128xf32, #tpu.memory_space<vmem>>)
      %dma_wait3A_1219 = arith.constant 240 : i32
      %dma_wait3A_1220 = arith.constant 0 : i32
      %dma_wait3A_1221 = tpu.memref_slice %arg13[%dma_wait3A_1219, %dma_wait3A_1220] : memref<256x128xf32, #tpu.memory_space<vmem>> -> memref<16x128xf32, #tpu.memory_space<vmem>>
      %dma_wait3A_1222 = arith.constant 0 : i32
      %dma_wait3A_1223 = arith.constant 0 : i32
      %dma_wait3A_1224 = tpu.memref_slice %arg3[%dma_wait3A_1222, %dma_wait3A_1223] : memref<16x1000000xf32, #tpu.memory_space<hbm>> -> memref<16x128xf32, #tpu.memory_space<hbm>>
      %dma_wait3A_1225 = arith.constant 240 : i32
      %dma_wait3A_1226 = arith.constant 0 : i32
      %dma_wait3A_1227 = tpu.memref_slice %arg13[%dma_wait3A_1225, %dma_wait3A_1226] : memref<256x128xf32, #tpu.memory_space<vmem>> -> memref<16x128xf32, #tpu.memory_space<vmem>>
      %dma_wait3A_1228 = arith.constant 0 : i32
      %dma_wait3A_1229 = arith.constant 0 : i32
      %dma_wait3A_1230 = tpu.memref_slice %arg3[%dma_wait3A_1228, %dma_wait3A_1229] : memref<16x1000000xf32, #tpu.memory_space<hbm>> -> memref<16x128xf32, #tpu.memory_space<hbm>>
      tpu.wait_dma2 semaphore(%arg15 : memref<!tpu.dma_semaphore, #tpu.memory_space<semaphore_mem>>) src(%dma_wait3A_1230 : memref<16x128xf32, #tpu.memory_space<hbm>>) dst(%dma_wait3A_1227 : memref<16x128xf32, #tpu.memory_space<vmem>>)
      %broadcast_in_dim3A_1231 = arith.constant 0.000000e+00 : f32
      %broadcast_in_dim3A_1232 = vector.broadcast %broadcast_in_dim3A_1231 : f32 to vector<16xf32>
      %add3A_1233 = arith.constant 0 : i32
      %add3A_1234 = vector.broadcast %add3A_1233 : i32 to vector<16xi32>
      %add3A_1235 = arith.addi %add3A_1234, %iota3A : vector<16xi32>
      %slice3A_1236 = vector.extract_strided_slice %and3A_29 {offsets = [0], sizes = [1], strides = [1]} : vector<16xi32> to vector<1xi32>
      %squeeze3A_1237 = vector.extract %slice3A_1236[0] : i32 from vector<1xi32>
      %broadcast_in_dim3A_1238 = vector.broadcast %squeeze3A_1237 : i32 to vector<16xi32>
      %gather3A = tpu.vector_load_idx %arg11[%add3A_1235, %broadcast_in_dim3A_1238] : memref<256x128xf32, #tpu.memory_space<vmem>>[vector<16xi32>, vector<16xi32>], vector<16xf32>,
      %slice3A_1239 = vector.extract_strided_slice %and3A_32 {offsets = [0], sizes = [1], strides = [1]} : vector<16xi32> to vector<1xi32>
      %squeeze3A_1240 = vector.extract %slice3A_1239[0] : i32 from vector<1xi32>
      %broadcast_in_dim3A_1241 = vector.broadcast %squeeze3A_1240 : i32 to vector<16xi32>
      %gather3A_1242 = tpu.vector_load_idx %arg12[%add3A_1235, %broadcast_in_dim3A_1241] : memref<256x128xf32, #tpu.memory_space<vmem>>[vector<16xi32>, vector<16xi32>], vector<16xf32>,
      %slice3A_1243 = vector.extract_strided_slice %and3A_35 {offsets = [0], sizes = [1], strides = [1]} : vector<16xi32> to vector<1xi32>
      %squeeze3A_1244 = vector.extract %slice3A_1243[0] : i32 from vector<1xi32>
      %broadcast_in_dim3A_1245 = vector.broadcast %squeeze3A_1244 : i32 to vector<16xi32>
      %gather3A_1246 = tpu.vector_load_idx %arg13[%add3A_1235, %broadcast_in_dim3A_1245] : memref<256x128xf32, #tpu.memory_space<vmem>>[vector<16xi32>, vector<16xi32>], vector<16xf32>,
      %eq3A = arith.constant 0 : i32
      %eq3A_1247 = vector.broadcast %eq3A : i32 to vector<16xi32>
      %eq3A_1248 = arith.cmpi eq, %iota3A, %eq3A_1247 : vector<16xi32>
      %sub3A = arith.subf %gather3A_1242, %gather3A_1246 : vector<16xf32>
      %mul3A_1249 = arith.mulf %gather3A, %sub3A : vector<16xf32>
      %reduce_sum3A = arith.constant true
      %reduce_sum3A_1250 = vector.broadcast %reduce_sum3A : i1 to vector<16xi1>
      %reduce_sum3A_1251 = tpu.scan <sum>, %mul3A_1249 masked %reduce_sum3A_1250 : vector<16xf32>, vector<16xi1> -> vector<16xf32>
      %reduce_sum3A_1252 = vector.extract %reduce_sum3A_1251[15] : f32 from vector<16xf32>
      %broadcast_in_dim3A_1253 = vector.broadcast %reduce_sum3A_1252 : f32 to vector<16xf32>
      %select_n3A = arith.select %eq3A_1248, %broadcast_in_dim3A_1253, %broadcast_in_dim3A_1232 : vector<16xi1>, vector<16xf32>
      %add3A_1254 = arith.constant 16 : i32
      %add3A_1255 = vector.broadcast %add3A_1254 : i32 to vector<16xi32>
      %add3A_1256 = arith.addi %add3A_1255, %iota3A : vector<16xi32>
      %slice3A_1257 = vector.extract_strided_slice %and3A_29 {offsets = [1], sizes = [1], strides = [1]} : vector<16xi32> to vector<1xi32>
      %squeeze3A_1258 = vector.extract %slice3A_1257[0] : i32 from vector<1xi32>
      %broadcast_in_dim3A_1259 = vector.broadcast %squeeze3A_1258 : i32 to vector<16xi32>
      %gather3A_1260 = tpu.vector_load_idx %arg11[%add3A_1256, %broadcast_in_dim3A_1259] : memref<256x128xf32, #tpu.memory_space<vmem>>[vector<16xi32>, vector<16xi32>], vector<16xf32>,
      %slice3A_1261 = vector.extract_strided_slice %and3A_32 {offsets = [1], sizes = [1], strides = [1]} : vector<16xi32> to vector<1xi32>
      %squeeze3A_1262 = vector.extract %slice3A_1261[0] : i32 from vector<1xi32>
      %broadcast_in_dim3A_1263 = vector.broadcast %squeeze3A_1262 : i32 to vector<16xi32>
      %gather3A_1264 = tpu.vector_load_idx %arg12[%add3A_1256, %broadcast_in_dim3A_1263] : memref<256x128xf32, #tpu.memory_space<vmem>>[vector<16xi32>, vector<16xi32>], vector<16xf32>,
      %slice3A_1265 = vector.extract_strided_slice %and3A_35 {offsets = [1], sizes = [1], strides = [1]} : vector<16xi32> to vector<1xi32>
      %squeeze3A_1266 = vector.extract %slice3A_1265[0] : i32 from vector<1xi32>
      %broadcast_in_dim3A_1267 = vector.broadcast %squeeze3A_1266 : i32 to vector<16xi32>
      %gather3A_1268 = tpu.vector_load_idx %arg13[%add3A_1256, %broadcast_in_dim3A_1267] : memref<256x128xf32, #tpu.memory_space<vmem>>[vector<16xi32>, vector<16xi32>], vector<16xf32>,
      %eq3A_1269 = arith.constant 1 : i32
      %eq3A_1270 = vector.broadcast %eq3A_1269 : i32 to vector<16xi32>
      %eq3A_1271 = arith.cmpi eq, %iota3A, %eq3A_1270 : vector<16xi32>
      %sub3A_1272 = arith.subf %gather3A_1264, %gather3A_1268 : vector<16xf32>
      %mul3A_1273 = arith.mulf %gather3A_1260, %sub3A_1272 : vector<16xf32>
      %reduce_sum3A_1274 = arith.constant true
      %reduce_sum3A_1275 = vector.broadcast %reduce_sum3A_1274 : i1 to vector<16xi1>
      %reduce_sum3A_1276 = tpu.scan <sum>, %mul3A_1273 masked %reduce_sum3A_1275 : vector<16xf32>, vector<16xi1> -> vector<16xf32>
      %reduce_sum3A_1277 = vector.extract %reduce_sum3A_1276[15] : f32 from vector<16xf32>
      %broadcast_in_dim3A_1278 = vector.broadcast %reduce_sum3A_1277 : f32 to vector<16xf32>
      %select_n3A_1279 = arith.select %eq3A_1271, %broadcast_in_dim3A_1278, %select_n3A : vector<16xi1>, vector<16xf32>
      %add3A_1280 = arith.constant 32 : i32
      %add3A_1281 = vector.broadcast %add3A_1280 : i32 to vector<16xi32>
      %add3A_1282 = arith.addi %add3A_1281, %iota3A : vector<16xi32>
      %slice3A_1283 = vector.extract_strided_slice %and3A_29 {offsets = [2], sizes = [1], strides = [1]} : vector<16xi32> to vector<1xi32>
      %squeeze3A_1284 = vector.extract %slice3A_1283[0] : i32 from vector<1xi32>
      %broadcast_in_dim3A_1285 = vector.broadcast %squeeze3A_1284 : i32 to vector<16xi32>
      %gather3A_1286 = tpu.vector_load_idx %arg11[%add3A_1282, %broadcast_in_dim3A_1285] : memref<256x128xf32, #tpu.memory_space<vmem>>[vector<16xi32>, vector<16xi32>], vector<16xf32>,
      %slice3A_1287 = vector.extract_strided_slice %and3A_32 {offsets = [2], sizes = [1], strides = [1]} : vector<16xi32> to vector<1xi32>
      %squeeze3A_1288 = vector.extract %slice3A_1287[0] : i32 from vector<1xi32>
      %broadcast_in_dim3A_1289 = vector.broadcast %squeeze3A_1288 : i32 to vector<16xi32>
      %gather3A_1290 = tpu.vector_load_idx %arg12[%add3A_1282, %broadcast_in_dim3A_1289] : memref<256x128xf32, #tpu.memory_space<vmem>>[vector<16xi32>, vector<16xi32>], vector<16xf32>,
      %slice3A_1291 = vector.extract_strided_slice %and3A_35 {offsets = [2], sizes = [1], strides = [1]} : vector<16xi32> to vector<1xi32>
      %squeeze3A_1292 = vector.extract %slice3A_1291[0] : i32 from vector<1xi32>
      %broadcast_in_dim3A_1293 = vector.broadcast %squeeze3A_1292 : i32 to vector<16xi32>
      %gather3A_1294 = tpu.vector_load_idx %arg13[%add3A_1282, %broadcast_in_dim3A_1293] : memref<256x128xf32, #tpu.memory_space<vmem>>[vector<16xi32>, vector<16xi32>], vector<16xf32>,
      %eq3A_1295 = arith.constant 2 : i32
      %eq3A_1296 = vector.broadcast %eq3A_1295 : i32 to vector<16xi32>
      %eq3A_1297 = arith.cmpi eq, %iota3A, %eq3A_1296 : vector<16xi32>
      %sub3A_1298 = arith.subf %gather3A_1290, %gather3A_1294 : vector<16xf32>
      %mul3A_1299 = arith.mulf %gather3A_1286, %sub3A_1298 : vector<16xf32>
      %reduce_sum3A_1300 = arith.constant true
      %reduce_sum3A_1301 = vector.broadcast %reduce_sum3A_1300 : i1 to vector<16xi1>
      %reduce_sum3A_1302 = tpu.scan <sum>, %mul3A_1299 masked %reduce_sum3A_1301 : vector<16xf32>, vector<16xi1> -> vector<16xf32>
      %reduce_sum3A_1303 = vector.extract %reduce_sum3A_1302[15] : f32 from vector<16xf32>
      %broadcast_in_dim3A_1304 = vector.broadcast %reduce_sum3A_1303 : f32 to vector<16xf32>
      %select_n3A_1305 = arith.select %eq3A_1297, %broadcast_in_dim3A_1304, %select_n3A_1279 : vector<16xi1>, vector<16xf32>
      %add3A_1306 = arith.constant 48 : i32
      %add3A_1307 = vector.broadcast %add3A_1306 : i32 to vector<16xi32>
      %add3A_1308 = arith.addi %add3A_1307, %iota3A : vector<16xi32>
      %slice3A_1309 = vector.extract_strided_slice %and3A_29 {offsets = [3], sizes = [1], strides = [1]} : vector<16xi32> to vector<1xi32>
      %squeeze3A_1310 = vector.extract %slice3A_1309[0] : i32 from vector<1xi32>
      %broadcast_in_dim3A_1311 = vector.broadcast %squeeze3A_1310 : i32 to vector<16xi32>
      %gather3A_1312 = tpu.vector_load_idx %arg11[%add3A_1308, %broadcast_in_dim3A_1311] : memref<256x128xf32, #tpu.memory_space<vmem>>[vector<16xi32>, vector<16xi32>], vector<16xf32>,
      %slice3A_1313 = vector.extract_strided_slice %and3A_32 {offsets = [3], sizes = [1], strides = [1]} : vector<16xi32> to vector<1xi32>
      %squeeze3A_1314 = vector.extract %slice3A_1313[0] : i32 from vector<1xi32>
      %broadcast_in_dim3A_1315 = vector.broadcast %squeeze3A_1314 : i32 to vector<16xi32>
      %gather3A_1316 = tpu.vector_load_idx %arg12[%add3A_1308, %broadcast_in_dim3A_1315] : memref<256x128xf32, #tpu.memory_space<vmem>>[vector<16xi32>, vector<16xi32>], vector<16xf32>,
      %slice3A_1317 = vector.extract_strided_slice %and3A_35 {offsets = [3], sizes = [1], strides = [1]} : vector<16xi32> to vector<1xi32>
      %squeeze3A_1318 = vector.extract %slice3A_1317[0] : i32 from vector<1xi32>
      %broadcast_in_dim3A_1319 = vector.broadcast %squeeze3A_1318 : i32 to vector<16xi32>
      %gather3A_1320 = tpu.vector_load_idx %arg13[%add3A_1308, %broadcast_in_dim3A_1319] : memref<256x128xf32, #tpu.memory_space<vmem>>[vector<16xi32>, vector<16xi32>], vector<16xf32>,
      %eq3A_1321 = arith.constant 3 : i32
      %eq3A_1322 = vector.broadcast %eq3A_1321 : i32 to vector<16xi32>
      %eq3A_1323 = arith.cmpi eq, %iota3A, %eq3A_1322 : vector<16xi32>
      %sub3A_1324 = arith.subf %gather3A_1316, %gather3A_1320 : vector<16xf32>
      %mul3A_1325 = arith.mulf %gather3A_1312, %sub3A_1324 : vector<16xf32>
      %reduce_sum3A_1326 = arith.constant true
      %reduce_sum3A_1327 = vector.broadcast %reduce_sum3A_1326 : i1 to vector<16xi1>
      %reduce_sum3A_1328 = tpu.scan <sum>, %mul3A_1325 masked %reduce_sum3A_1327 : vector<16xf32>, vector<16xi1> -> vector<16xf32>
      %reduce_sum3A_1329 = vector.extract %reduce_sum3A_1328[15] : f32 from vector<16xf32>
      %broadcast_in_dim3A_1330 = vector.broadcast %reduce_sum3A_1329 : f32 to vector<16xf32>
      %select_n3A_1331 = arith.select %eq3A_1323, %broadcast_in_dim3A_1330, %select_n3A_1305 : vector<16xi1>, vector<16xf32>
      %add3A_1332 = arith.constant 64 : i32
      %add3A_1333 = vector.broadcast %add3A_1332 : i32 to vector<16xi32>
      %add3A_1334 = arith.addi %add3A_1333, %iota3A : vector<16xi32>
      %slice3A_1335 = vector.extract_strided_slice %and3A_29 {offsets = [4], sizes = [1], strides = [1]} : vector<16xi32> to vector<1xi32>
      %squeeze3A_1336 = vector.extract %slice3A_1335[0] : i32 from vector<1xi32>
      %broadcast_in_dim3A_1337 = vector.broadcast %squeeze3A_1336 : i32 to vector<16xi32>
      %gather3A_1338 = tpu.vector_load_idx %arg11[%add3A_1334, %broadcast_in_dim3A_1337] : memref<256x128xf32, #tpu.memory_space<vmem>>[vector<16xi32>, vector<16xi32>], vector<16xf32>,
      %slice3A_1339 = vector.extract_strided_slice %and3A_32 {offsets = [4], sizes = [1], strides = [1]} : vector<16xi32> to vector<1xi32>
      %squeeze3A_1340 = vector.extract %slice3A_1339[0] : i32 from vector<1xi32>
      %broadcast_in_dim3A_1341 = vector.broadcast %squeeze3A_1340 : i32 to vector<16xi32>
      %gather3A_1342 = tpu.vector_load_idx %arg12[%add3A_1334, %broadcast_in_dim3A_1341] : memref<256x128xf32, #tpu.memory_space<vmem>>[vector<16xi32>, vector<16xi32>], vector<16xf32>,
      %slice3A_1343 = vector.extract_strided_slice %and3A_35 {offsets = [4], sizes = [1], strides = [1]} : vector<16xi32> to vector<1xi32>
      %squeeze3A_1344 = vector.extract %slice3A_1343[0] : i32 from vector<1xi32>
      %broadcast_in_dim3A_1345 = vector.broadcast %squeeze3A_1344 : i32 to vector<16xi32>
      %gather3A_1346 = tpu.vector_load_idx %arg13[%add3A_1334, %broadcast_in_dim3A_1345] : memref<256x128xf32, #tpu.memory_space<vmem>>[vector<16xi32>, vector<16xi32>], vector<16xf32>,
      %eq3A_1347 = arith.constant 4 : i32
      %eq3A_1348 = vector.broadcast %eq3A_1347 : i32 to vector<16xi32>
      %eq3A_1349 = arith.cmpi eq, %iota3A, %eq3A_1348 : vector<16xi32>
      %sub3A_1350 = arith.subf %gather3A_1342, %gather3A_1346 : vector<16xf32>
      %mul3A_1351 = arith.mulf %gather3A_1338, %sub3A_1350 : vector<16xf32>
      %reduce_sum3A_1352 = arith.constant true
      %reduce_sum3A_1353 = vector.broadcast %reduce_sum3A_1352 : i1 to vector<16xi1>
      %reduce_sum3A_1354 = tpu.scan <sum>, %mul3A_1351 masked %reduce_sum3A_1353 : vector<16xf32>, vector<16xi1> -> vector<16xf32>
      %reduce_sum3A_1355 = vector.extract %reduce_sum3A_1354[15] : f32 from vector<16xf32>
      %broadcast_in_dim3A_1356 = vector.broadcast %reduce_sum3A_1355 : f32 to vector<16xf32>
      %select_n3A_1357 = arith.select %eq3A_1349, %broadcast_in_dim3A_1356, %select_n3A_1331 : vector<16xi1>, vector<16xf32>
      %add3A_1358 = arith.constant 80 : i32
      %add3A_1359 = vector.broadcast %add3A_1358 : i32 to vector<16xi32>
      %add3A_1360 = arith.addi %add3A_1359, %iota3A : vector<16xi32>
      %slice3A_1361 = vector.extract_strided_slice %and3A_29 {offsets = [5], sizes = [1], strides = [1]} : vector<16xi32> to vector<1xi32>
      %squeeze3A_1362 = vector.extract %slice3A_1361[0] : i32 from vector<1xi32>
      %broadcast_in_dim3A_1363 = vector.broadcast %squeeze3A_1362 : i32 to vector<16xi32>
      %gather3A_1364 = tpu.vector_load_idx %arg11[%add3A_1360, %broadcast_in_dim3A_1363] : memref<256x128xf32, #tpu.memory_space<vmem>>[vector<16xi32>, vector<16xi32>], vector<16xf32>,
      %slice3A_1365 = vector.extract_strided_slice %and3A_32 {offsets = [5], sizes = [1], strides = [1]} : vector<16xi32> to vector<1xi32>
      %squeeze3A_1366 = vector.extract %slice3A_1365[0] : i32 from vector<1xi32>
      %broadcast_in_dim3A_1367 = vector.broadcast %squeeze3A_1366 : i32 to vector<16xi32>
      %gather3A_1368 = tpu.vector_load_idx %arg12[%add3A_1360, %broadcast_in_dim3A_1367] : memref<256x128xf32, #tpu.memory_space<vmem>>[vector<16xi32>, vector<16xi32>], vector<16xf32>,
      %slice3A_1369 = vector.extract_strided_slice %and3A_35 {offsets = [5], sizes = [1], strides = [1]} : vector<16xi32> to vector<1xi32>
      %squeeze3A_1370 = vector.extract %slice3A_1369[0] : i32 from vector<1xi32>
      %broadcast_in_dim3A_1371 = vector.broadcast %squeeze3A_1370 : i32 to vector<16xi32>
      %gather3A_1372 = tpu.vector_load_idx %arg13[%add3A_1360, %broadcast_in_dim3A_1371] : memref<256x128xf32, #tpu.memory_space<vmem>>[vector<16xi32>, vector<16xi32>], vector<16xf32>,
      %eq3A_1373 = arith.constant 5 : i32
      %eq3A_1374 = vector.broadcast %eq3A_1373 : i32 to vector<16xi32>
      %eq3A_1375 = arith.cmpi eq, %iota3A, %eq3A_1374 : vector<16xi32>
      %sub3A_1376 = arith.subf %gather3A_1368, %gather3A_1372 : vector<16xf32>
      %mul3A_1377 = arith.mulf %gather3A_1364, %sub3A_1376 : vector<16xf32>
      %reduce_sum3A_1378 = arith.constant true
      %reduce_sum3A_1379 = vector.broadcast %reduce_sum3A_1378 : i1 to vector<16xi1>
      %reduce_sum3A_1380 = tpu.scan <sum>, %mul3A_1377 masked %reduce_sum3A_1379 : vector<16xf32>, vector<16xi1> -> vector<16xf32>
      %reduce_sum3A_1381 = vector.extract %reduce_sum3A_1380[15] : f32 from vector<16xf32>
      %broadcast_in_dim3A_1382 = vector.broadcast %reduce_sum3A_1381 : f32 to vector<16xf32>
      %select_n3A_1383 = arith.select %eq3A_1375, %broadcast_in_dim3A_1382, %select_n3A_1357 : vector<16xi1>, vector<16xf32>
      %add3A_1384 = arith.constant 96 : i32
      %add3A_1385 = vector.broadcast %add3A_1384 : i32 to vector<16xi32>
      %add3A_1386 = arith.addi %add3A_1385, %iota3A : vector<16xi32>
      %slice3A_1387 = vector.extract_strided_slice %and3A_29 {offsets = [6], sizes = [1], strides = [1]} : vector<16xi32> to vector<1xi32>
      %squeeze3A_1388 = vector.extract %slice3A_1387[0] : i32 from vector<1xi32>
      %broadcast_in_dim3A_1389 = vector.broadcast %squeeze3A_1388 : i32 to vector<16xi32>
      %gather3A_1390 = tpu.vector_load_idx %arg11[%add3A_1386, %broadcast_in_dim3A_1389] : memref<256x128xf32, #tpu.memory_space<vmem>>[vector<16xi32>, vector<16xi32>], vector<16xf32>,
      %slice3A_1391 = vector.extract_strided_slice %and3A_32 {offsets = [6], sizes = [1], strides = [1]} : vector<16xi32> to vector<1xi32>
      %squeeze3A_1392 = vector.extract %slice3A_1391[0] : i32 from vector<1xi32>
      %broadcast_in_dim3A_1393 = vector.broadcast %squeeze3A_1392 : i32 to vector<16xi32>
      %gather3A_1394 = tpu.vector_load_idx %arg12[%add3A_1386, %broadcast_in_dim3A_1393] : memref<256x128xf32, #tpu.memory_space<vmem>>[vector<16xi32>, vector<16xi32>], vector<16xf32>,
      %slice3A_1395 = vector.extract_strided_slice %and3A_35 {offsets = [6], sizes = [1], strides = [1]} : vector<16xi32> to vector<1xi32>
      %squeeze3A_1396 = vector.extract %slice3A_1395[0] : i32 from vector<1xi32>
      %broadcast_in_dim3A_1397 = vector.broadcast %squeeze3A_1396 : i32 to vector<16xi32>
      %gather3A_1398 = tpu.vector_load_idx %arg13[%add3A_1386, %broadcast_in_dim3A_1397] : memref<256x128xf32, #tpu.memory_space<vmem>>[vector<16xi32>, vector<16xi32>], vector<16xf32>,
      %eq3A_1399 = arith.constant 6 : i32
      %eq3A_1400 = vector.broadcast %eq3A_1399 : i32 to vector<16xi32>
      %eq3A_1401 = arith.cmpi eq, %iota3A, %eq3A_1400 : vector<16xi32>
      %sub3A_1402 = arith.subf %gather3A_1394, %gather3A_1398 : vector<16xf32>
      %mul3A_1403 = arith.mulf %gather3A_1390, %sub3A_1402 : vector<16xf32>
      %reduce_sum3A_1404 = arith.constant true
      %reduce_sum3A_1405 = vector.broadcast %reduce_sum3A_1404 : i1 to vector<16xi1>
      %reduce_sum3A_1406 = tpu.scan <sum>, %mul3A_1403 masked %reduce_sum3A_1405 : vector<16xf32>, vector<16xi1> -> vector<16xf32>
      %reduce_sum3A_1407 = vector.extract %reduce_sum3A_1406[15] : f32 from vector<16xf32>
      %broadcast_in_dim3A_1408 = vector.broadcast %reduce_sum3A_1407 : f32 to vector<16xf32>
      %select_n3A_1409 = arith.select %eq3A_1401, %broadcast_in_dim3A_1408, %select_n3A_1383 : vector<16xi1>, vector<16xf32>
      %add3A_1410 = arith.constant 112 : i32
      %add3A_1411 = vector.broadcast %add3A_1410 : i32 to vector<16xi32>
      %add3A_1412 = arith.addi %add3A_1411, %iota3A : vector<16xi32>
      %slice3A_1413 = vector.extract_strided_slice %and3A_29 {offsets = [7], sizes = [1], strides = [1]} : vector<16xi32> to vector<1xi32>
      %squeeze3A_1414 = vector.extract %slice3A_1413[0] : i32 from vector<1xi32>
      %broadcast_in_dim3A_1415 = vector.broadcast %squeeze3A_1414 : i32 to vector<16xi32>
      %gather3A_1416 = tpu.vector_load_idx %arg11[%add3A_1412, %broadcast_in_dim3A_1415] : memref<256x128xf32, #tpu.memory_space<vmem>>[vector<16xi32>, vector<16xi32>], vector<16xf32>,
      %slice3A_1417 = vector.extract_strided_slice %and3A_32 {offsets = [7], sizes = [1], strides = [1]} : vector<16xi32> to vector<1xi32>
      %squeeze3A_1418 = vector.extract %slice3A_1417[0] : i32 from vector<1xi32>
      %broadcast_in_dim3A_1419 = vector.broadcast %squeeze3A_1418 : i32 to vector<16xi32>
      %gather3A_1420 = tpu.vector_load_idx %arg12[%add3A_1412, %broadcast_in_dim3A_1419] : memref<256x128xf32, #tpu.memory_space<vmem>>[vector<16xi32>, vector<16xi32>], vector<16xf32>,
      %slice3A_1421 = vector.extract_strided_slice %and3A_35 {offsets = [7], sizes = [1], strides = [1]} : vector<16xi32> to vector<1xi32>
      %squeeze3A_1422 = vector.extract %slice3A_1421[0] : i32 from vector<1xi32>
      %broadcast_in_dim3A_1423 = vector.broadcast %squeeze3A_1422 : i32 to vector<16xi32>
      %gather3A_1424 = tpu.vector_load_idx %arg13[%add3A_1412, %broadcast_in_dim3A_1423] : memref<256x128xf32, #tpu.memory_space<vmem>>[vector<16xi32>, vector<16xi32>], vector<16xf32>,
      %eq3A_1425 = arith.constant 7 : i32
      %eq3A_1426 = vector.broadcast %eq3A_1425 : i32 to vector<16xi32>
      %eq3A_1427 = arith.cmpi eq, %iota3A, %eq3A_1426 : vector<16xi32>
      %sub3A_1428 = arith.subf %gather3A_1420, %gather3A_1424 : vector<16xf32>
      %mul3A_1429 = arith.mulf %gather3A_1416, %sub3A_1428 : vector<16xf32>
      %reduce_sum3A_1430 = arith.constant true
      %reduce_sum3A_1431 = vector.broadcast %reduce_sum3A_1430 : i1 to vector<16xi1>
      %reduce_sum3A_1432 = tpu.scan <sum>, %mul3A_1429 masked %reduce_sum3A_1431 : vector<16xf32>, vector<16xi1> -> vector<16xf32>
      %reduce_sum3A_1433 = vector.extract %reduce_sum3A_1432[15] : f32 from vector<16xf32>
      %broadcast_in_dim3A_1434 = vector.broadcast %reduce_sum3A_1433 : f32 to vector<16xf32>
      %select_n3A_1435 = arith.select %eq3A_1427, %broadcast_in_dim3A_1434, %select_n3A_1409 : vector<16xi1>, vector<16xf32>
      %add3A_1436 = arith.constant 128 : i32
      %add3A_1437 = vector.broadcast %add3A_1436 : i32 to vector<16xi32>
      %add3A_1438 = arith.addi %add3A_1437, %iota3A : vector<16xi32>
      %slice3A_1439 = vector.extract_strided_slice %and3A_29 {offsets = [8], sizes = [1], strides = [1]} : vector<16xi32> to vector<1xi32>
      %squeeze3A_1440 = vector.extract %slice3A_1439[0] : i32 from vector<1xi32>
      %broadcast_in_dim3A_1441 = vector.broadcast %squeeze3A_1440 : i32 to vector<16xi32>
      %gather3A_1442 = tpu.vector_load_idx %arg11[%add3A_1438, %broadcast_in_dim3A_1441] : memref<256x128xf32, #tpu.memory_space<vmem>>[vector<16xi32>, vector<16xi32>], vector<16xf32>,
      %slice3A_1443 = vector.extract_strided_slice %and3A_32 {offsets = [8], sizes = [1], strides = [1]} : vector<16xi32> to vector<1xi32>
      %squeeze3A_1444 = vector.extract %slice3A_1443[0] : i32 from vector<1xi32>
      %broadcast_in_dim3A_1445 = vector.broadcast %squeeze3A_1444 : i32 to vector<16xi32>
      %gather3A_1446 = tpu.vector_load_idx %arg12[%add3A_1438, %broadcast_in_dim3A_1445] : memref<256x128xf32, #tpu.memory_space<vmem>>[vector<16xi32>, vector<16xi32>], vector<16xf32>,
      %slice3A_1447 = vector.extract_strided_slice %and3A_35 {offsets = [8], sizes = [1], strides = [1]} : vector<16xi32> to vector<1xi32>
      %squeeze3A_1448 = vector.extract %slice3A_1447[0] : i32 from vector<1xi32>
      %broadcast_in_dim3A_1449 = vector.broadcast %squeeze3A_1448 : i32 to vector<16xi32>
      %gather3A_1450 = tpu.vector_load_idx %arg13[%add3A_1438, %broadcast_in_dim3A_1449] : memref<256x128xf32, #tpu.memory_space<vmem>>[vector<16xi32>, vector<16xi32>], vector<16xf32>,
      %eq3A_1451 = arith.constant 8 : i32
      %eq3A_1452 = vector.broadcast %eq3A_1451 : i32 to vector<16xi32>
      %eq3A_1453 = arith.cmpi eq, %iota3A, %eq3A_1452 : vector<16xi32>
      %sub3A_1454 = arith.subf %gather3A_1446, %gather3A_1450 : vector<16xf32>
      %mul3A_1455 = arith.mulf %gather3A_1442, %sub3A_1454 : vector<16xf32>
      %reduce_sum3A_1456 = arith.constant true
      %reduce_sum3A_1457 = vector.broadcast %reduce_sum3A_1456 : i1 to vector<16xi1>
      %reduce_sum3A_1458 = tpu.scan <sum>, %mul3A_1455 masked %reduce_sum3A_1457 : vector<16xf32>, vector<16xi1> -> vector<16xf32>
      %reduce_sum3A_1459 = vector.extract %reduce_sum3A_1458[15] : f32 from vector<16xf32>
      %broadcast_in_dim3A_1460 = vector.broadcast %reduce_sum3A_1459 : f32 to vector<16xf32>
      %select_n3A_1461 = arith.select %eq3A_1453, %broadcast_in_dim3A_1460, %select_n3A_1435 : vector<16xi1>, vector<16xf32>
      %add3A_1462 = arith.constant 144 : i32
      %add3A_1463 = vector.broadcast %add3A_1462 : i32 to vector<16xi32>
      %add3A_1464 = arith.addi %add3A_1463, %iota3A : vector<16xi32>
      %slice3A_1465 = vector.extract_strided_slice %and3A_29 {offsets = [9], sizes = [1], strides = [1]} : vector<16xi32> to vector<1xi32>
      %squeeze3A_1466 = vector.extract %slice3A_1465[0] : i32 from vector<1xi32>
      %broadcast_in_dim3A_1467 = vector.broadcast %squeeze3A_1466 : i32 to vector<16xi32>
      %gather3A_1468 = tpu.vector_load_idx %arg11[%add3A_1464, %broadcast_in_dim3A_1467] : memref<256x128xf32, #tpu.memory_space<vmem>>[vector<16xi32>, vector<16xi32>], vector<16xf32>,
      %slice3A_1469 = vector.extract_strided_slice %and3A_32 {offsets = [9], sizes = [1], strides = [1]} : vector<16xi32> to vector<1xi32>
      %squeeze3A_1470 = vector.extract %slice3A_1469[0] : i32 from vector<1xi32>
      %broadcast_in_dim3A_1471 = vector.broadcast %squeeze3A_1470 : i32 to vector<16xi32>
      %gather3A_1472 = tpu.vector_load_idx %arg12[%add3A_1464, %broadcast_in_dim3A_1471] : memref<256x128xf32, #tpu.memory_space<vmem>>[vector<16xi32>, vector<16xi32>], vector<16xf32>,
      %slice3A_1473 = vector.extract_strided_slice %and3A_35 {offsets = [9], sizes = [1], strides = [1]} : vector<16xi32> to vector<1xi32>
      %squeeze3A_1474 = vector.extract %slice3A_1473[0] : i32 from vector<1xi32>
      %broadcast_in_dim3A_1475 = vector.broadcast %squeeze3A_1474 : i32 to vector<16xi32>
      %gather3A_1476 = tpu.vector_load_idx %arg13[%add3A_1464, %broadcast_in_dim3A_1475] : memref<256x128xf32, #tpu.memory_space<vmem>>[vector<16xi32>, vector<16xi32>], vector<16xf32>,
      %eq3A_1477 = arith.constant 9 : i32
      %eq3A_1478 = vector.broadcast %eq3A_1477 : i32 to vector<16xi32>
      %eq3A_1479 = arith.cmpi eq, %iota3A, %eq3A_1478 : vector<16xi32>
      %sub3A_1480 = arith.subf %gather3A_1472, %gather3A_1476 : vector<16xf32>
      %mul3A_1481 = arith.mulf %gather3A_1468, %sub3A_1480 : vector<16xf32>
      %reduce_sum3A_1482 = arith.constant true
      %reduce_sum3A_1483 = vector.broadcast %reduce_sum3A_1482 : i1 to vector<16xi1>
      %reduce_sum3A_1484 = tpu.scan <sum>, %mul3A_1481 masked %reduce_sum3A_1483 : vector<16xf32>, vector<16xi1> -> vector<16xf32>
      %reduce_sum3A_1485 = vector.extract %reduce_sum3A_1484[15] : f32 from vector<16xf32>
      %broadcast_in_dim3A_1486 = vector.broadcast %reduce_sum3A_1485 : f32 to vector<16xf32>
      %select_n3A_1487 = arith.select %eq3A_1479, %broadcast_in_dim3A_1486, %select_n3A_1461 : vector<16xi1>, vector<16xf32>
      %add3A_1488 = arith.constant 160 : i32
      %add3A_1489 = vector.broadcast %add3A_1488 : i32 to vector<16xi32>
      %add3A_1490 = arith.addi %add3A_1489, %iota3A : vector<16xi32>
      %slice3A_1491 = vector.extract_strided_slice %and3A_29 {offsets = [10], sizes = [1], strides = [1]} : vector<16xi32> to vector<1xi32>
      %squeeze3A_1492 = vector.extract %slice3A_1491[0] : i32 from vector<1xi32>
      %broadcast_in_dim3A_1493 = vector.broadcast %squeeze3A_1492 : i32 to vector<16xi32>
      %gather3A_1494 = tpu.vector_load_idx %arg11[%add3A_1490, %broadcast_in_dim3A_1493] : memref<256x128xf32, #tpu.memory_space<vmem>>[vector<16xi32>, vector<16xi32>], vector<16xf32>,
      %slice3A_1495 = vector.extract_strided_slice %and3A_32 {offsets = [10], sizes = [1], strides = [1]} : vector<16xi32> to vector<1xi32>
      %squeeze3A_1496 = vector.extract %slice3A_1495[0] : i32 from vector<1xi32>
      %broadcast_in_dim3A_1497 = vector.broadcast %squeeze3A_1496 : i32 to vector<16xi32>
      %gather3A_1498 = tpu.vector_load_idx %arg12[%add3A_1490, %broadcast_in_dim3A_1497] : memref<256x128xf32, #tpu.memory_space<vmem>>[vector<16xi32>, vector<16xi32>], vector<16xf32>,
      %slice3A_1499 = vector.extract_strided_slice %and3A_35 {offsets = [10], sizes = [1], strides = [1]} : vector<16xi32> to vector<1xi32>
      %squeeze3A_1500 = vector.extract %slice3A_1499[0] : i32 from vector<1xi32>
      %broadcast_in_dim3A_1501 = vector.broadcast %squeeze3A_1500 : i32 to vector<16xi32>
      %gather3A_1502 = tpu.vector_load_idx %arg13[%add3A_1490, %broadcast_in_dim3A_1501] : memref<256x128xf32, #tpu.memory_space<vmem>>[vector<16xi32>, vector<16xi32>], vector<16xf32>,
      %eq3A_1503 = arith.constant 10 : i32
      %eq3A_1504 = vector.broadcast %eq3A_1503 : i32 to vector<16xi32>
      %eq3A_1505 = arith.cmpi eq, %iota3A, %eq3A_1504 : vector<16xi32>
      %sub3A_1506 = arith.subf %gather3A_1498, %gather3A_1502 : vector<16xf32>
      %mul3A_1507 = arith.mulf %gather3A_1494, %sub3A_1506 : vector<16xf32>
      %reduce_sum3A_1508 = arith.constant true
      %reduce_sum3A_1509 = vector.broadcast %reduce_sum3A_1508 : i1 to vector<16xi1>
      %reduce_sum3A_1510 = tpu.scan <sum>, %mul3A_1507 masked %reduce_sum3A_1509 : vector<16xf32>, vector<16xi1> -> vector<16xf32>
      %reduce_sum3A_1511 = vector.extract %reduce_sum3A_1510[15] : f32 from vector<16xf32>
      %broadcast_in_dim3A_1512 = vector.broadcast %reduce_sum3A_1511 : f32 to vector<16xf32>
      %select_n3A_1513 = arith.select %eq3A_1505, %broadcast_in_dim3A_1512, %select_n3A_1487 : vector<16xi1>, vector<16xf32>
      %add3A_1514 = arith.constant 176 : i32
      %add3A_1515 = vector.broadcast %add3A_1514 : i32 to vector<16xi32>
      %add3A_1516 = arith.addi %add3A_1515, %iota3A : vector<16xi32>
      %slice3A_1517 = vector.extract_strided_slice %and3A_29 {offsets = [11], sizes = [1], strides = [1]} : vector<16xi32> to vector<1xi32>
      %squeeze3A_1518 = vector.extract %slice3A_1517[0] : i32 from vector<1xi32>
      %broadcast_in_dim3A_1519 = vector.broadcast %squeeze3A_1518 : i32 to vector<16xi32>
      %gather3A_1520 = tpu.vector_load_idx %arg11[%add3A_1516, %broadcast_in_dim3A_1519] : memref<256x128xf32, #tpu.memory_space<vmem>>[vector<16xi32>, vector<16xi32>], vector<16xf32>,
      %slice3A_1521 = vector.extract_strided_slice %and3A_32 {offsets = [11], sizes = [1], strides = [1]} : vector<16xi32> to vector<1xi32>
      %squeeze3A_1522 = vector.extract %slice3A_1521[0] : i32 from vector<1xi32>
      %broadcast_in_dim3A_1523 = vector.broadcast %squeeze3A_1522 : i32 to vector<16xi32>
      %gather3A_1524 = tpu.vector_load_idx %arg12[%add3A_1516, %broadcast_in_dim3A_1523] : memref<256x128xf32, #tpu.memory_space<vmem>>[vector<16xi32>, vector<16xi32>], vector<16xf32>,
      %slice3A_1525 = vector.extract_strided_slice %and3A_35 {offsets = [11], sizes = [1], strides = [1]} : vector<16xi32> to vector<1xi32>
      %squeeze3A_1526 = vector.extract %slice3A_1525[0] : i32 from vector<1xi32>
      %broadcast_in_dim3A_1527 = vector.broadcast %squeeze3A_1526 : i32 to vector<16xi32>
      %gather3A_1528 = tpu.vector_load_idx %arg13[%add3A_1516, %broadcast_in_dim3A_1527] : memref<256x128xf32, #tpu.memory_space<vmem>>[vector<16xi32>, vector<16xi32>], vector<16xf32>,
      %eq3A_1529 = arith.constant 11 : i32
      %eq3A_1530 = vector.broadcast %eq3A_1529 : i32 to vector<16xi32>
      %eq3A_1531 = arith.cmpi eq, %iota3A, %eq3A_1530 : vector<16xi32>
      %sub3A_1532 = arith.subf %gather3A_1524, %gather3A_1528 : vector<16xf32>
      %mul3A_1533 = arith.mulf %gather3A_1520, %sub3A_1532 : vector<16xf32>
      %reduce_sum3A_1534 = arith.constant true
      %reduce_sum3A_1535 = vector.broadcast %reduce_sum3A_1534 : i1 to vector<16xi1>
      %reduce_sum3A_1536 = tpu.scan <sum>, %mul3A_1533 masked %reduce_sum3A_1535 : vector<16xf32>, vector<16xi1> -> vector<16xf32>
      %reduce_sum3A_1537 = vector.extract %reduce_sum3A_1536[15] : f32 from vector<16xf32>
      %broadcast_in_dim3A_1538 = vector.broadcast %reduce_sum3A_1537 : f32 to vector<16xf32>
      %select_n3A_1539 = arith.select %eq3A_1531, %broadcast_in_dim3A_1538, %select_n3A_1513 : vector<16xi1>, vector<16xf32>
      %add3A_1540 = arith.constant 192 : i32
      %add3A_1541 = vector.broadcast %add3A_1540 : i32 to vector<16xi32>
      %add3A_1542 = arith.addi %add3A_1541, %iota3A : vector<16xi32>
      %slice3A_1543 = vector.extract_strided_slice %and3A_29 {offsets = [12], sizes = [1], strides = [1]} : vector<16xi32> to vector<1xi32>
      %squeeze3A_1544 = vector.extract %slice3A_1543[0] : i32 from vector<1xi32>
      %broadcast_in_dim3A_1545 = vector.broadcast %squeeze3A_1544 : i32 to vector<16xi32>
      %gather3A_1546 = tpu.vector_load_idx %arg11[%add3A_1542, %broadcast_in_dim3A_1545] : memref<256x128xf32, #tpu.memory_space<vmem>>[vector<16xi32>, vector<16xi32>], vector<16xf32>,
      %slice3A_1547 = vector.extract_strided_slice %and3A_32 {offsets = [12], sizes = [1], strides = [1]} : vector<16xi32> to vector<1xi32>
      %squeeze3A_1548 = vector.extract %slice3A_1547[0] : i32 from vector<1xi32>
      %broadcast_in_dim3A_1549 = vector.broadcast %squeeze3A_1548 : i32 to vector<16xi32>
      %gather3A_1550 = tpu.vector_load_idx %arg12[%add3A_1542, %broadcast_in_dim3A_1549] : memref<256x128xf32, #tpu.memory_space<vmem>>[vector<16xi32>, vector<16xi32>], vector<16xf32>,
      %slice3A_1551 = vector.extract_strided_slice %and3A_35 {offsets = [12], sizes = [1], strides = [1]} : vector<16xi32> to vector<1xi32>
      %squeeze3A_1552 = vector.extract %slice3A_1551[0] : i32 from vector<1xi32>
      %broadcast_in_dim3A_1553 = vector.broadcast %squeeze3A_1552 : i32 to vector<16xi32>
      %gather3A_1554 = tpu.vector_load_idx %arg13[%add3A_1542, %broadcast_in_dim3A_1553] : memref<256x128xf32, #tpu.memory_space<vmem>>[vector<16xi32>, vector<16xi32>], vector<16xf32>,
      %eq3A_1555 = arith.constant 12 : i32
      %eq3A_1556 = vector.broadcast %eq3A_1555 : i32 to vector<16xi32>
      %eq3A_1557 = arith.cmpi eq, %iota3A, %eq3A_1556 : vector<16xi32>
      %sub3A_1558 = arith.subf %gather3A_1550, %gather3A_1554 : vector<16xf32>
      %mul3A_1559 = arith.mulf %gather3A_1546, %sub3A_1558 : vector<16xf32>
      %reduce_sum3A_1560 = arith.constant true
      %reduce_sum3A_1561 = vector.broadcast %reduce_sum3A_1560 : i1 to vector<16xi1>
      %reduce_sum3A_1562 = tpu.scan <sum>, %mul3A_1559 masked %reduce_sum3A_1561 : vector<16xf32>, vector<16xi1> -> vector<16xf32>
      %reduce_sum3A_1563 = vector.extract %reduce_sum3A_1562[15] : f32 from vector<16xf32>
      %broadcast_in_dim3A_1564 = vector.broadcast %reduce_sum3A_1563 : f32 to vector<16xf32>
      %select_n3A_1565 = arith.select %eq3A_1557, %broadcast_in_dim3A_1564, %select_n3A_1539 : vector<16xi1>, vector<16xf32>
      %add3A_1566 = arith.constant 208 : i32
      %add3A_1567 = vector.broadcast %add3A_1566 : i32 to vector<16xi32>
      %add3A_1568 = arith.addi %add3A_1567, %iota3A : vector<16xi32>
      %slice3A_1569 = vector.extract_strided_slice %and3A_29 {offsets = [13], sizes = [1], strides = [1]} : vector<16xi32> to vector<1xi32>
      %squeeze3A_1570 = vector.extract %slice3A_1569[0] : i32 from vector<1xi32>
      %broadcast_in_dim3A_1571 = vector.broadcast %squeeze3A_1570 : i32 to vector<16xi32>
      %gather3A_1572 = tpu.vector_load_idx %arg11[%add3A_1568, %broadcast_in_dim3A_1571] : memref<256x128xf32, #tpu.memory_space<vmem>>[vector<16xi32>, vector<16xi32>], vector<16xf32>,
      %slice3A_1573 = vector.extract_strided_slice %and3A_32 {offsets = [13], sizes = [1], strides = [1]} : vector<16xi32> to vector<1xi32>
      %squeeze3A_1574 = vector.extract %slice3A_1573[0] : i32 from vector<1xi32>
      %broadcast_in_dim3A_1575 = vector.broadcast %squeeze3A_1574 : i32 to vector<16xi32>
      %gather3A_1576 = tpu.vector_load_idx %arg12[%add3A_1568, %broadcast_in_dim3A_1575] : memref<256x128xf32, #tpu.memory_space<vmem>>[vector<16xi32>, vector<16xi32>], vector<16xf32>,
      %slice3A_1577 = vector.extract_strided_slice %and3A_35 {offsets = [13], sizes = [1], strides = [1]} : vector<16xi32> to vector<1xi32>
      %squeeze3A_1578 = vector.extract %slice3A_1577[0] : i32 from vector<1xi32>
      %broadcast_in_dim3A_1579 = vector.broadcast %squeeze3A_1578 : i32 to vector<16xi32>
      %gather3A_1580 = tpu.vector_load_idx %arg13[%add3A_1568, %broadcast_in_dim3A_1579] : memref<256x128xf32, #tpu.memory_space<vmem>>[vector<16xi32>, vector<16xi32>], vector<16xf32>,
      %eq3A_1581 = arith.constant 13 : i32
      %eq3A_1582 = vector.broadcast %eq3A_1581 : i32 to vector<16xi32>
      %eq3A_1583 = arith.cmpi eq, %iota3A, %eq3A_1582 : vector<16xi32>
      %sub3A_1584 = arith.subf %gather3A_1576, %gather3A_1580 : vector<16xf32>
      %mul3A_1585 = arith.mulf %gather3A_1572, %sub3A_1584 : vector<16xf32>
      %reduce_sum3A_1586 = arith.constant true
      %reduce_sum3A_1587 = vector.broadcast %reduce_sum3A_1586 : i1 to vector<16xi1>
      %reduce_sum3A_1588 = tpu.scan <sum>, %mul3A_1585 masked %reduce_sum3A_1587 : vector<16xf32>, vector<16xi1> -> vector<16xf32>
      %reduce_sum3A_1589 = vector.extract %reduce_sum3A_1588[15] : f32 from vector<16xf32>
      %broadcast_in_dim3A_1590 = vector.broadcast %reduce_sum3A_1589 : f32 to vector<16xf32>
      %select_n3A_1591 = arith.select %eq3A_1583, %broadcast_in_dim3A_1590, %select_n3A_1565 : vector<16xi1>, vector<16xf32>
      %add3A_1592 = arith.constant 224 : i32
      %add3A_1593 = vector.broadcast %add3A_1592 : i32 to vector<16xi32>
      %add3A_1594 = arith.addi %add3A_1593, %iota3A : vector<16xi32>
      %slice3A_1595 = vector.extract_strided_slice %and3A_29 {offsets = [14], sizes = [1], strides = [1]} : vector<16xi32> to vector<1xi32>
      %squeeze3A_1596 = vector.extract %slice3A_1595[0] : i32 from vector<1xi32>
      %broadcast_in_dim3A_1597 = vector.broadcast %squeeze3A_1596 : i32 to vector<16xi32>
      %gather3A_1598 = tpu.vector_load_idx %arg11[%add3A_1594, %broadcast_in_dim3A_1597] : memref<256x128xf32, #tpu.memory_space<vmem>>[vector<16xi32>, vector<16xi32>], vector<16xf32>,
      %slice3A_1599 = vector.extract_strided_slice %and3A_32 {offsets = [14], sizes = [1], strides = [1]} : vector<16xi32> to vector<1xi32>
      %squeeze3A_1600 = vector.extract %slice3A_1599[0] : i32 from vector<1xi32>
      %broadcast_in_dim3A_1601 = vector.broadcast %squeeze3A_1600 : i32 to vector<16xi32>
      %gather3A_1602 = tpu.vector_load_idx %arg12[%add3A_1594, %broadcast_in_dim3A_1601] : memref<256x128xf32, #tpu.memory_space<vmem>>[vector<16xi32>, vector<16xi32>], vector<16xf32>,
      %slice3A_1603 = vector.extract_strided_slice %and3A_35 {offsets = [14], sizes = [1], strides = [1]} : vector<16xi32> to vector<1xi32>
      %squeeze3A_1604 = vector.extract %slice3A_1603[0] : i32 from vector<1xi32>
      %broadcast_in_dim3A_1605 = vector.broadcast %squeeze3A_1604 : i32 to vector<16xi32>
      %gather3A_1606 = tpu.vector_load_idx %arg13[%add3A_1594, %broadcast_in_dim3A_1605] : memref<256x128xf32, #tpu.memory_space<vmem>>[vector<16xi32>, vector<16xi32>], vector<16xf32>,
      %eq3A_1607 = arith.constant 14 : i32
      %eq3A_1608 = vector.broadcast %eq3A_1607 : i32 to vector<16xi32>
      %eq3A_1609 = arith.cmpi eq, %iota3A, %eq3A_1608 : vector<16xi32>
      %sub3A_1610 = arith.subf %gather3A_1602, %gather3A_1606 : vector<16xf32>
      %mul3A_1611 = arith.mulf %gather3A_1598, %sub3A_1610 : vector<16xf32>
      %reduce_sum3A_1612 = arith.constant true
      %reduce_sum3A_1613 = vector.broadcast %reduce_sum3A_1612 : i1 to vector<16xi1>
      %reduce_sum3A_1614 = tpu.scan <sum>, %mul3A_1611 masked %reduce_sum3A_1613 : vector<16xf32>, vector<16xi1> -> vector<16xf32>
      %reduce_sum3A_1615 = vector.extract %reduce_sum3A_1614[15] : f32 from vector<16xf32>
      %broadcast_in_dim3A_1616 = vector.broadcast %reduce_sum3A_1615 : f32 to vector<16xf32>
      %select_n3A_1617 = arith.select %eq3A_1609, %broadcast_in_dim3A_1616, %select_n3A_1591 : vector<16xi1>, vector<16xf32>
      %add3A_1618 = arith.constant 240 : i32
      %add3A_1619 = vector.broadcast %add3A_1618 : i32 to vector<16xi32>
      %add3A_1620 = arith.addi %add3A_1619, %iota3A : vector<16xi32>
      %slice3A_1621 = vector.extract_strided_slice %and3A_29 {offsets = [15], sizes = [1], strides = [1]} : vector<16xi32> to vector<1xi32>
      %squeeze3A_1622 = vector.extract %slice3A_1621[0] : i32 from vector<1xi32>
      %broadcast_in_dim3A_1623 = vector.broadcast %squeeze3A_1622 : i32 to vector<16xi32>
      %gather3A_1624 = tpu.vector_load_idx %arg11[%add3A_1620, %broadcast_in_dim3A_1623] : memref<256x128xf32, #tpu.memory_space<vmem>>[vector<16xi32>, vector<16xi32>], vector<16xf32>,
      %slice3A_1625 = vector.extract_strided_slice %and3A_32 {offsets = [15], sizes = [1], strides = [1]} : vector<16xi32> to vector<1xi32>
      %squeeze3A_1626 = vector.extract %slice3A_1625[0] : i32 from vector<1xi32>
      %broadcast_in_dim3A_1627 = vector.broadcast %squeeze3A_1626 : i32 to vector<16xi32>
      %gather3A_1628 = tpu.vector_load_idx %arg12[%add3A_1620, %broadcast_in_dim3A_1627] : memref<256x128xf32, #tpu.memory_space<vmem>>[vector<16xi32>, vector<16xi32>], vector<16xf32>,
      %slice3A_1629 = vector.extract_strided_slice %and3A_35 {offsets = [15], sizes = [1], strides = [1]} : vector<16xi32> to vector<1xi32>
      %squeeze3A_1630 = vector.extract %slice3A_1629[0] : i32 from vector<1xi32>
      %broadcast_in_dim3A_1631 = vector.broadcast %squeeze3A_1630 : i32 to vector<16xi32>
      %gather3A_1632 = tpu.vector_load_idx %arg13[%add3A_1620, %broadcast_in_dim3A_1631] : memref<256x128xf32, #tpu.memory_space<vmem>>[vector<16xi32>, vector<16xi32>], vector<16xf32>,
      %eq3A_1633 = arith.constant 15 : i32
      %eq3A_1634 = vector.broadcast %eq3A_1633 : i32 to vector<16xi32>
      %eq3A_1635 = arith.cmpi eq, %iota3A, %eq3A_1634 : vector<16xi32>
      %sub3A_1636 = arith.subf %gather3A_1628, %gather3A_1632 : vector<16xf32>
      %mul3A_1637 = arith.mulf %gather3A_1624, %sub3A_1636 : vector<16xf32>
      %reduce_sum3A_1638 = arith.constant true
      %reduce_sum3A_1639 = vector.broadcast %reduce_sum3A_1638 : i1 to vector<16xi1>
      %reduce_sum3A_1640 = tpu.scan <sum>, %mul3A_1637 masked %reduce_sum3A_1639 : vector<16xf32>, vector<16xi1> -> vector<16xf32>
      %reduce_sum3A_1641 = vector.extract %reduce_sum3A_1640[15] : f32 from vector<16xf32>
      %broadcast_in_dim3A_1642 = vector.broadcast %reduce_sum3A_1641 : f32 to vector<16xf32>
      %select_n3A_1643 = arith.select %eq3A_1635, %broadcast_in_dim3A_1642, %select_n3A_1617 : vector<16xi1>, vector<16xf32>
      %abs3A = math.absf %select_n3A_1643 : vector<16xf32>
      %neg3A = arith.constant 0.000000e+00 : f32
      %neg3A_1644 = vector.broadcast %neg3A : f32 to vector<16xf32>
      %neg3A_1645 = arith.subf %neg3A_1644, %abs3A : vector<16xf32>
      %exp3A = math.exp %neg3A_1645 : vector<16xf32>
      %add3A_1646 = arith.constant 2.000000e+00 : f32
      %add3A_1647 = vector.broadcast %add3A_1646 : f32 to vector<16xf32>
      %add3A_1648 = arith.addf %add3A_1647, %exp3A : vector<16xf32>
      %div3A = arith.divf %exp3A, %add3A_1648 : vector<16xf32>
      %mul3A_1649 = arith.mulf %div3A, %div3A : vector<16xf32>
      %mul3A_1650 = arith.constant 0.111111112 : f32
      %mul3A_1651 = vector.broadcast %mul3A_1650 : f32 to vector<16xf32>
      %mul3A_1652 = arith.mulf %mul3A_1649, %mul3A_1651 : vector<16xf32>
      %add3A_1653 = arith.constant 0.142857149 : f32
      %add3A_1654 = vector.broadcast %add3A_1653 : f32 to vector<16xf32>
      %add3A_1655 = arith.addf %add3A_1654, %mul3A_1652 : vector<16xf32>
      %mul3A_1656 = arith.mulf %mul3A_1649, %add3A_1655 : vector<16xf32>
      %add3A_1657 = arith.constant 2.000000e-01 : f32
      %add3A_1658 = vector.broadcast %add3A_1657 : f32 to vector<16xf32>
      %add3A_1659 = arith.addf %add3A_1658, %mul3A_1656 : vector<16xf32>
      %mul3A_1660 = arith.mulf %mul3A_1649, %add3A_1659 : vector<16xf32>
      %add3A_1661 = arith.constant 0.333333343 : f32
      %add3A_1662 = vector.broadcast %add3A_1661 : f32 to vector<16xf32>
      %add3A_1663 = arith.addf %add3A_1662, %mul3A_1660 : vector<16xf32>
      %mul3A_1664 = arith.mulf %mul3A_1649, %add3A_1663 : vector<16xf32>
      %add3A_1665 = arith.constant 1.000000e+00 : f32
      %add3A_1666 = vector.broadcast %add3A_1665 : f32 to vector<16xf32>
      %add3A_1667 = arith.addf %add3A_1666, %mul3A_1664 : vector<16xf32>
      %neg3A_1668 = arith.constant 0.000000e+00 : f32
      %neg3A_1669 = vector.broadcast %neg3A_1668 : f32 to vector<16xf32>
      %neg3A_1670 = arith.subf %neg3A_1669, %select_n3A_1643 : vector<16xf32>
      %max3A = arith.constant 0.000000e+00 : f32
      %max3A_1671 = vector.broadcast %max3A : f32 to vector<16xf32>
      %max3A_1672 = arith.maximumf %neg3A_1670, %max3A_1671 : vector<16xf32>
      %mul3A_1673 = arith.constant 2.000000e+00 : f32
      %mul3A_1674 = vector.broadcast %mul3A_1673 : f32 to vector<16xf32>
      %mul3A_1675 = arith.mulf %mul3A_1674, %div3A : vector<16xf32>
      %mul3A_1676 = arith.mulf %mul3A_1675, %add3A_1667 : vector<16xf32>
      %add3A_1677 = arith.addf %max3A_1672, %mul3A_1676 : vector<16xf32>
      %add3A_1678 = arith.addf %scan3A_11, %add3A_1677 : vector<16xf32>
      scf.yield %add3A_1678 : vector<16xf32>
    }
    %scan3A_8 = arith.constant 32 : i32
    %swap3A = arith.constant 0 : index
    %swap3A_9 = tpu.vector_load %arg14[%swap3A] {strides = array<i32>} : memref<16xf32, #tpu.memory_space<vmem>>, vector<16xf32>,
    tpu.vector_store %arg14[%swap3A], %scan3A_7 {strides = array<i32>} : memref<16xf32, #tpu.memory_space<vmem>>, vector<16xf32>,
    "tpu.region"() ({
      %run_scoped3A = tpu.sem_alloc : memref<!tpu.dma_semaphore, #tpu.memory_space<semaphore_mem>>
      %dma_start3A = arith.constant 0 : i32
      %dma_start3A_10 = tpu.memref_slice %arg7[%add3A, %dma_start3A] : memref<32x16xf32, #tpu.memory_space<hbm>> -> memref<1x16xf32, #tpu.memory_space<hbm>>
      %dma_start3A_11 = tpu.memref_squeeze %dma_start3A_10 : memref<1x16xf32, #tpu.memory_space<hbm>> -> memref<16xf32, #tpu.memory_space<hbm>>
      %dma_start3A_12 = arith.constant 0 : i32
      %dma_start3A_13 = tpu.memref_slice %arg7[%add3A, %dma_start3A_12] : memref<32x16xf32, #tpu.memory_space<hbm>> -> memref<1x16xf32, #tpu.memory_space<hbm>>
      %dma_start3A_14 = tpu.memref_squeeze %dma_start3A_13 : memref<1x16xf32, #tpu.memory_space<hbm>> -> memref<16xf32, #tpu.memory_space<hbm>>
      tpu.enqueue_dma source(%arg14 : memref<16xf32, #tpu.memory_space<vmem>>) target(%dma_start3A_14 : memref<16xf32, #tpu.memory_space<hbm>>) target_semaphore(%run_scoped3A : memref<!tpu.dma_semaphore, #tpu.memory_space<semaphore_mem>>)
      %dma_wait3A = arith.constant 0 : i32
      %dma_wait3A_15 = tpu.memref_slice %arg7[%add3A, %dma_wait3A] : memref<32x16xf32, #tpu.memory_space<hbm>> -> memref<1x16xf32, #tpu.memory_space<hbm>>
      %dma_wait3A_16 = tpu.memref_squeeze %dma_wait3A_15 : memref<1x16xf32, #tpu.memory_space<hbm>> -> memref<16xf32, #tpu.memory_space<hbm>>
      %dma_wait3A_17 = arith.constant 0 : i32
      %dma_wait3A_18 = tpu.memref_slice %arg7[%add3A, %dma_wait3A_17] : memref<32x16xf32, #tpu.memory_space<hbm>> -> memref<1x16xf32, #tpu.memory_space<hbm>>
      %dma_wait3A_19 = tpu.memref_squeeze %dma_wait3A_18 : memref<1x16xf32, #tpu.memory_space<hbm>> -> memref<16xf32, #tpu.memory_space<hbm>>
      tpu.wait_dma2 semaphore(%run_scoped3A : memref<!tpu.dma_semaphore, #tpu.memory_space<semaphore_mem>>) src(%arg14 : memref<16xf32, #tpu.memory_space<vmem>>) dst(%dma_wait3A_19 : memref<16xf32, #tpu.memory_space<hbm>>)
      tpu.yield
    }) : () -> ()
    return
  }
}

</mosaic_0001>

<sc_bundles>
// kernel: _sc_partials.3.cloned.1.call-start
scs
__scs_entry_jumppad:
0x0: {  	(pc) =	sbr.rel $0x88, $3  }
0x1: {  	(tag) =	ssettag $0x0;
	lr =	simm.s32 $0x1  }
0x2: {  	[smem:$0x3F9C] =	sst lr;
	_ =	strace $0xD0000000  }
0x3: {  	_ = 	snop  }
0x4: {  	_ = 	snop  }
0x5: {  	_ = 	snop  }
0x6: {  	_ = 	snop  }
0x7: {  	_ = 	snop  }
__scs_overlays_trampoline_lowered:
0x8: {  	[smem:$0x3FAB] =	sst s0  }
0x9: {  	[smem:$0x3FAC] =	sst s1  }
0xa: {  	[smem:$0x3FAD] =	sst s2  }
0xb: {  	[smem:$0x3FAE] =	sst s3  }
0xc: {  	[smem:$0x3FAF] =	sst s4  }
0xd: {  	[smem:$0x3FB0] =	sst s5  }
0xe: {  	[smem:$0x3FB1] =	sst s6  }
0xf: {  	[smem:$0x3FB2] =	sst s7  }
0x10: {  	[smem:$0x3FB3] =	sst s8  }
0x11: {  	[smem:$0x3FB4] =	sst s9;
	s0 =	simm.s32 @!p0 $0x0  }
0x12: {  	s1 =	sld [smem:$0x3F9A];
	s0 =	simm.s32 @p0 $0x1  }
0x13: {  	[smem:$0x3FB5] =	sst s0;
	s0 =	simm.s32 @!p1 $0x0  }
0x14: {  	s2 =	sld [smem:$0x3F99];
	s0 =	simm.s32 @p1 $0x1  }
0x15: {  	[smem:$0x3FB6] =	sst s0;
	s0 =	simm.s32 @!p2 $0x0  }
0x16: {  	s3 =	sld [smem:$0x3FDB];
	s0 =	simm.s32 @p2 $0x1  }
0x17: {  	s4 =	simm.s32 $0x1BF5;
	[smem:$0x3FB8] =	sst s0  }
0x18: {  	s0 =	sld [smem:$0x3F9B];
	_ =	swait.ge [sflag:s4], $0x0  }
0x19: {  	s7 =	sld [smem:$0x3F9C]  }
0x1a: {  	s8 =	sadd.s32 $0xFFFFE003, lr  }
0x1b: {  	s9 =	sadd.s32 $0xFFFFFEF7, lr;
	s5 =	simm.s32 $0xFFFFFFFF;
	p2 =	slt.u32 s8, $0xFFFFF086  }
0x1c: {  	p1 =	slt.u32 s9, $0xF7A;
	s5 =	simm.s32 @!p2 $0x0  }
0x1d: {  	s5 =	simm.s32 @p1 $0x1;
	p0 =	seq.s32 s7, s2  }
0x1e: {  	s7 =	smul.u32 @!p0 $0xF7A, s2;
	p2 =	seq.s32 @!p0 s5, $0x0  }
0x1f: {  	s9 =	smul.u32 $0xF7A, s1;
	s8 =	simm.s32 @!p0 $0x1BF5;
	p2 =	por !p2, p0  }
0x20: {  	[sflag:s8] =	ssyncset.s32 @!p0 $0xFFFFF086;
	s6 =	sadd.s32 @!p0 s3, s7;
	s7 =	simm.s32 @!p0 $0x108  }
0x21: {  	s3 =	sadd.s32 s3, s9;
	s6 =	sadd.s32 @!p0 $0x88, s6;
	s7 =	simm.s32 @p2 $0x1082  }
0x22: {  	[simem:s7], [sflag:s8] =	dma.local @!p0 [hbm:s6], $0xF7A  }
0x23: {  	s9 =	sor.u32 $0xD0000000, s2;
	s6 =	simm.s32 $0x108;
	_ =	swait.ge @!p0 [sflag:s8], $0x0  }
0x24: {  	s3 =	sadd.s32 $0x88, s3;
	s6 =	simm.s32 @!p1 $0x1082;
	[sflag:s4] =	ssyncset.s32 $0xFFFFF086  }
0x25: {  	[simem:s6], [sflag:s4] =	dma.local [hbm:s3], $0xF7A  }
0x26: {  	[smem:$0x3F9C] =	sst s1;
	(tag) =	ssettag s2;
	_ =	strace s9  }
0x27: {  	s1 =	sld [smem:$0x3FAC]  }
0x28: {  	s2 =	sld [smem:$0x3FAD]  }
0x29: {  	s4 =	sld [smem:$0x3FAF]  }
0x2a: {  	p0 =	seq.s32 s5, $0x0;
	s5 =	sld [smem:$0x3FB0]  }
0x2b: {  	s6 =	sld [smem:$0x3FB1]  }
0x2c: {  	s7 =	sld [smem:$0x3FB2]  }
0x2d: {  	s3 =	simm.s32 $0x108;
	s8 =	sld [smem:$0x3FB3]  }
0x2e: {  	s3 =	simm.s32 @!p0 $0x1082;
	s9 =	sld [smem:$0x3FB4]  }
0x2f: {  	lr =	sadd.s32 s0, s3;
	s0 =	sld [smem:$0x3FAB]  }
0x30: {  	s3 =	sld [smem:$0x3FAE]  }
0x31: {  	[smem:$0x3FB7] =	sst s10  }
0x32: {  	s10 =	sld [smem:$0x3FB5];
	_ =	sdelay $0x3  }
0x33: {  	p0 =	seq.s32 s10, $0x1;
	s10 =	sld [smem:$0x3FB7];
	_ =	sdelay $0x3  }
0x34: {  	[smem:$0x3FB7] =	sst s10  }
0x35: {  	s10 =	sld [smem:$0x3FB6];
	_ =	sdelay $0x3  }
0x36: {  	p1 =	seq.s32 s10, $0x1;
	s10 =	sld [smem:$0x3FB7];
	_ =	sdelay $0x3  }
0x37: {  	[smem:$0x3FB7] =	sst s10  }
0x38: {  	s10 =	sld [smem:$0x3FB8]  }
0x39: {  	_ = 	snop;
	(pc) =	sbr.ind lr, $3  }
0x3a: {  	_ = 	snop  }
0x3b: {  	_ = 	snop  }
0x3c: {  	p2 =	seq.s32 s10, $0x1;
	s10 =	sld [smem:$0x3FB7]  }
0x3d: {  	_ =	shalt  }
0x3e: {  	_ =	shalt  }
0x3f: {  	_ =	shalt  }
0x40: {  	_ =	shalt  }
0x41: {  	_ =	shalt  }
0x42: {  	_ =	shalt  }
0x43: {  	_ =	shalt  }
0x44: {  	_ =	shalt  }
0x45: {  	_ =	shalt  }
0x46: {  	_ =	shalt  }
0x47: {  	_ =	shalt  }
0x48: {  	_ =	shalt  }
0x49: {  	_ =	shalt  }
0x4a: {  	_ =	shalt  }
0x4b: {  	_ =	shalt  }
0x4c: {  	_ =	shalt  }
0x4d: {  	_ =	shalt  }
0x4e: {  	_ =	shalt  }
0x4f: {  	_ =	shalt  }
0x50: {  	_ =	shalt  }
0x51: {  	_ =	shalt  }
0x52: {  	_ =	shalt  }
0x53: {  	_ =	shalt  }
0x54: {  	_ =	shalt  }
0x55: {  	_ =	shalt  }
0x56: {  	_ =	shalt  }
0x57: {  	_ =	shalt  }
0x58: {  	_ =	shalt  }
0x59: {  	_ =	shalt  }
0x5a: {  	_ =	shalt  }
0x5b: {  	_ =	shalt  }
0x5c: {  	_ =	shalt  }
0x5d: {  	_ =	shalt  }
0x5e: {  	_ =	shalt  }
0x5f: {  	_ =	shalt  }
0x60: {  	_ =	shalt  }
0x61: {  	_ =	shalt  }
0x62: {  	_ =	shalt  }
0x63: {  	_ =	shalt  }
0x64: {  	_ =	shalt  }
0x65: {  	_ =	shalt  }
0x66: {  	_ =	shalt  }
0x67: {  	_ =	shalt  }
0x68: {  	_ =	shalt  }
0x69: {  	_ =	shalt  }
0x6a: {  	_ =	shalt  }
0x6b: {  	_ =	shalt  }
0x6c: {  	_ =	shalt  }
0x6d: {  	_ =	shalt  }
0x6e: {  	_ =	shalt  }
0x6f: {  	_ =	shalt  }
0x70: {  	_ =	shalt  }
0x71: {  	_ =	shalt  }
0x72: {  	_ =	shalt  }
0x73: {  	_ =	shalt  }
0x74: {  	_ =	shalt  }
0x75: {  	_ =	shalt  }
0x76: {  	_ =	shalt  }
0x77: {  	_ =	shalt  }
0x78: {  	_ =	shalt  }
0x79: {  	_ =	shalt  }
0x7a: {  	_ =	shalt  }
0x7b: {  	_ =	shalt  }
0x7c: {  	_ =	shalt  }
0x7d: {  	_ =	shalt  }
0x7e: {  	_ =	shalt  }
0x7f: {  	_ =	shalt  }
0x80: {  	_ =	shalt  }
0x81: {  	_ =	shalt  }
0x82: {  	_ =	shalt  }
0x83: {  	_ =	shalt  }
0x84: {  	_ =	shalt  }
0x85: {  	_ =	shalt  }
0x86: {  	_ =	shalt  }
0x87: {  	_ =	shalt  }
.Lfunc_end0:
.L_simem_size_0:
called_computation_lowered:
.L_overlay_start_0:
0x88: {  	s2 =	sld [smem:$0x3FD9]  }
0x89: {  	s3 =	sld [smem:$0x3FFE];
	_ =	sdelay $0x1  }
0x8a: {  	s1 =	srdreg.scid  }
0x8b: {  	s0 =	sand.u32 $0x1, s1  }
0x8c: {  	s17 =	sshll.u32 s0, $0xA;
	s2 =	sadd.s32 s3, s2  }
0x8d: {  	s2 =	sadd.s32 s2, s17  }
0x8e: {  	[smem:$0x3FC3] =	sst s2  }
0x8f: {  	_ = 	snop  }
0x90: {  	s2 =	sld [smem:$0x3FC9]  }
0x91: {  	s18 =	sld [smem:$0x3FC8]  }
0x92: {  	s4 =	sld [smem:$0x3FC7]  }
0x93: {  	s5 =	sld [smem:$0x3FC6]  }
0x94: {  	s6 =	sld [smem:$0x3FC5];
	(tm) =	ssettm $0x1  }
0x95: {  	s7 =	sld [smem:$0x3FFB];
	_ =	sdelay $0x3  }
0x96: {  	_ =	strace s7  }
0x97: {  	s7 =	sld [smem:$0x3FFC];
	_ =	sdelay $0x3  }
0x98: {  	_ =	strace s7  }
0x99: {  	s7 =	sld [smem:$0x3FFD];
	_ =	sdelay $0x3  }
0x9a: {  	_ =	strace s7  }
0x9b: {  	_ =	strace $0x8FFFFFFF  }
0x9c: {  	s19 =	sld [smem:$0x3FDB];
	_ =	sdelay $0x1  }
0x9d: {  	s8 =	simm.s32 $_scs_section_size  }
0x9e: {  	s9 =	simm.s32 $_size__tile_overlayer_lowered;
	s10 =	simm.s32 $_tile_overlayer_lowered  }
0x9f: {  	s22 =	simm.s32 $0x1BFF;
	s21 =	sshll.u32 s10, $0x1;
	s7 =	sadd.s32 s8, s19  }
0xa0: {  	s11 =	simm.s32 $0x0;
	s20 =	sshll.u32 s9, $0x1;
	s9 =	sadd.s32 s21, s7  }
0xa1: {  	[timem:s11], [sflag:s22] =	dma.local [hbm:s9], s20  }
0xa2: {  	_ =	swait.ge [sflag:s22], s20  }
0xa3: {  	s8 =	ssub.s32 $0x0, s20;
	[sflag:s22] =	ssyncset.done $0x0  }
0xa4: {  	[sflag:s22] =	ssyncadd.s32 s8;
	_ =	sdelay $0x1  }
0xa5: {  	s23 =	simm.s32 $0x1B8B  }
0xa6: {  	_ =	swait.ge [sflag:s23], $0x1  }
0xa7: {  	[sflag:s23] =	ssyncset.done $0x0  }
0xa8: {  	s25 =	simm.s32 $0x1B8E;
	s24 =	sld [smem:$0x3FFE];
	[sflag:s23] =	ssyncadd.s32 $0xFFFFFFFF  }
0xa9: {  	s26 =	simm.s32 $execute0_lowered;
	[smem:$0x3FD2] =	sst s25  }
0xaa: {  	s9 =	sshll.u32 s26, $0x1;
	_ =	strace $0x80000046;
	[dreg:$0x1] =	wrdreg $0xFFFFFFFF  }
0xab: {  	s28 =	simm.s32 $_size_execute0_lowered;
	s7 =	sadd.s32 s7, s9;
	[dreg:$0x0] =	wrdreg $0x0  }
0xac: {  	s9 =	sshll.u32 s28, $0x1;
	[dreg:$0x2] =	wrdreg s7  }
0xad: {  	[dreg:$0x3] =	wrdreg s9  }
0xae: {  	[dreg:$0x4] =	wrdreg $0xC0  }
0xaf: {  	_ =	task [dreg:s11], $0x5FFFF  }
0xb0: {  	[dreg:$0x1] =	wrdreg $0xFFFFFFFF  }
0xb1: {  	[dreg:$0x0] =	wrdreg $0x60  }
0xb2: {  	[dreg:$0x2] =	wrdreg s2  }
0xb3: {  	[dreg:$0x3] =	wrdreg s18  }
0xb4: {  	[dreg:$0x4] =	wrdreg s4  }
0xb5: {  	[dreg:$0x5] =	wrdreg s5  }
0xb6: {  	[dreg:$0x6] =	wrdreg s6  }
0xb7: {  	[dreg:$0x7] =	wrdreg s24  }
0xb8: {  	[dreg:$0x8] =	wrdreg $0x9  }
0xb9: {  	_ =	task.clear_ibuf [dreg:s11], $0x9FFFF;
	_ =	strace $0x90000046  }
0xba: {  	s29 =	simm.s32 $0x9;
	_ =	strace $0x80000048  }
0xbb: {  	_ =	swait.ge [sflag:s29], $0x1  }
0xbc: {  	[sflag:s29] =	ssyncadd.s32 $0xFFFFFFFF  }
0xbd: {  	_ =	strace $0x90000048  }
0xbe: {  	_ =	sfence  }
0xbf: {  	s30 =	sld [smem:$0x0];
	_ =	sdelay $0x2  }
0xc0: {  	s31 =	sshll.u32 s1, $0xD;
	s1 =	sshrl.u32 s1, $0x2  }
0xc1: {  	s3 =	sand.u32 $0x4000, s31;
	s1 =	sadd.s32 s1, s30  }
0xc2: {  	s0 =	sor.u32 s3, s0;
	s1 =	sshll.u32 s1, $0x11  }
0xc3: {  	s0 =	sor.u32 s1, s0  }
0xc4: {  	s0 =	sadd.s32 $0x8F2B, s0  }
0xc5: {  	[sflag:s0] =	ssyncadd.remote.s32 $0x1  }
0xc6: {  	_ =	sfence.sel $0xFFFF  }
0xc7: {  	[dreg:$0x0] =	wrdreg $0xFFFFFFFF;
	(pc) =	sbr.abs _section_cstart, $3  }
0xc8: {  	[dreg:$0x1] =	wrdreg $0xFFFFFFFF  }
0xc9: {  	_ =	task.clear_ibuf [dreg:s11], $0x2FFFF;
	_ =	strace $0x9FFFFFFF  }
0xca: {  	(tm) =	ssettm $0x7FFFFFFF  }
0xcb: {  	_ =	shalt  }
tec
execute0_lowered:
.L_overlay_start_1:
0x0: {  	(tag) =	ssettag $0x1  }
0x1: {  	s0 =	rddreg [dreg:$0x0]  }
0x2: {  	s1 =	rddreg [dreg:$0x1]  }
0x3: {  	s4 =	rddreg [dreg:$0x2]  }
0x4: {  	s5 =	rddreg [dreg:$0x3]  }
0x5: {  	s6 =	rddreg [dreg:$0x4]  }
0x6: {  	s7 =	rddreg [dreg:$0x5]  }
0x7: {  	[dreg:$0x7] =	wrdreg s0  }
0x8: {  	s2 =	simm.s32 $0x0;
	s0 =	rddreg [dreg:$0x6]  }
0x9: {  	s3 =	simm.s32 $0xE00;
	[smem:$0x7FF] =	sst s2  }
0xa: {  	s14 =	simm.s32 $0x8E00;
	_ =	strace $0x80000047;
	[dreg:$0x8] =	wrdreg s3  }
0xb: {  	s15 =	simm.s32 $0x10E00;
	[dreg:$0x9] =	wrdreg s14  }
0xc: {  	s16 =	simm.s32 $0x1600;
	[dreg:$0xa] =	wrdreg s15  }
0xd: {  	s17 =	simm.s32 $0x9600;
	[dreg:$0xb] =	wrdreg s16  }
0xe: {  	s18 =	simm.s32 $0x11600;
	[dreg:$0xc] =	wrdreg s17  }
0xf: {  	s19 =	simm.s32 $0x1E00;
	[dreg:$0xd] =	wrdreg s18  }
0x10: {  	s20 =	simm.s32 $0x9E00;
	[dreg:$0xe] =	wrdreg s19  }
0x11: {  	s21 =	simm.s32 $0x11E00;
	[dreg:$0xf] =	wrdreg s20  }
0x12: {  	s22 =	simm.s32 $0x2600;
	[dreg:$0x10] =	wrdreg s21  }
0x13: {  	s23 =	simm.s32 $0xA600;
	[dreg:$0x11] =	wrdreg s22  }
0x14: {  	s24 =	simm.s32 $0x12600;
	[dreg:$0x12] =	wrdreg s23  }
0x15: {  	s25 =	simm.s32 $0x2E00;
	[dreg:$0x13] =	wrdreg s24  }
0x16: {  	s26 =	simm.s32 $0xAE00;
	[dreg:$0x14] =	wrdreg s25  }
0x17: {  	s28 =	simm.s32 $0x12E00;
	[dreg:$0x15] =	wrdreg s26  }
0x18: {  	s29 =	simm.s32 $0x3600;
	[dreg:$0x16] =	wrdreg s28  }
0x19: {  	s30 =	simm.s32 $0xB600;
	[dreg:$0x17] =	wrdreg s29  }
0x1a: {  	s31 =	simm.s32 $0x13600;
	[dreg:$0x18] =	wrdreg s30  }
0x1b: {  	s8 =	simm.s32 $0x3E00;
	[dreg:$0x19] =	wrdreg s31  }
0x1c: {  	s9 =	simm.s32 $0xBE00;
	[dreg:$0x1a] =	wrdreg s8  }
0x1d: {  	s10 =	simm.s32 $0x13E00;
	[dreg:$0x1b] =	wrdreg s9  }
0x1e: {  	s11 =	simm.s32 $0x4600;
	[dreg:$0x1c] =	wrdreg s10  }
0x1f: {  	s12 =	simm.s32 $0xC600;
	[dreg:$0x1d] =	wrdreg s11  }
0x20: {  	s13 =	simm.s32 $0x14600;
	[dreg:$0x1e] =	wrdreg s12  }
0x21: {  	[dreg:$0x1f] =	wrdreg s13;
	s9 =	simm.s32 $0x4E00  }
0x22: {  	s14 =	simm.s32 $0xCE00;
	[smem:$0x7E9] =	sst s9  }
0x23: {  	s15 =	simm.s32 $0x14E00;
	[smem:$0x7EA] =	sst s14  }
0x24: {  	s16 =	simm.s32 $0x5600;
	[smem:$0x7EB] =	sst s15  }
0x25: {  	s17 =	simm.s32 $0xD600;
	[smem:$0x7EC] =	sst s16  }
0x26: {  	s18 =	simm.s32 $0x15600;
	[smem:$0x7ED] =	sst s17  }
0x27: {  	s19 =	simm.s32 $0x5E00;
	[smem:$0x7EE] =	sst s18  }
0x28: {  	s20 =	simm.s32 $0xDE00;
	[smem:$0x7EF] =	sst s19  }
0x29: {  	s22 =	simm.s32 $0x15E00;
	[smem:$0x7F0] =	sst s20  }
0x2a: {  	s23 =	simm.s32 $0x6600;
	[smem:$0x7F1] =	sst s22  }
0x2b: {  	s24 =	simm.s32 $0xE600;
	[smem:$0x7F2] =	sst s23  }
0x2c: {  	s25 =	simm.s32 $0x16600;
	[smem:$0x7F3] =	sst s24  }
0x2d: {  	s26 =	simm.s32 $0x6E00;
	[smem:$0x7F4] =	sst s25  }
0x2e: {  	s28 =	simm.s32 $0xEE00;
	[smem:$0x7F5] =	sst s26  }
0x2f: {  	s29 =	simm.s32 $0x16E00;
	[smem:$0x7F6] =	sst s28  }
0x30: {  	s8 =	srdreg.scid;
	s30 =	simm.s32 $0x7600;
	[smem:$0x7F7] =	sst s29  }
0x31: {  	s3 =	stileid.u32;
	s31 =	simm.s32 $0xF600;
	[smem:$0x7F8] =	sst s30  }
0x32: {  	v0 =	vlaneseq.u32;
	vm0 =	vmmov $0x1;
	s12 =	simm.s32 $0x17600;
	s13 =	simm.s32 $0x7E00;
	[smem:$0x7F9] =	sst s31  }
0x33: {  	vm1 =	vmmov $0x3;
	vm2 =	vmmov $0x7;
	vm3 =	vmmov $0xf;
	s8 =	sand.u32 $0x1, s8;
	s10 =	sshll.u32 s3, $0x1;
	[smem:$0x7FA] =	sst s12  }
0x34: {  	vm4 =	vmmov $0x1f;
	vm5 =	vmmov $0x3f;
	vm6 =	vmmov $0x7f;
	s9 =	simm.s32 $0x2;
	s12 =	simm.s32 $0x7A1400;
	[smem:$0x7FB] =	sst s13  }
0x35: {  	vm7 =	vmmov $0xff;
	vm8 =	vmmov $0x1ff;
	vm9 =	vmmov $0x3ff;
	s14 =	simm.s32 $0xFE00;
	s13 =	simm.s32 $0x600;
	s16 =	simm.s32 $0x17E00  }
0x36: {  	vm10 =	vmmov $0x7ff;
	vm11 =	vmmov $0xfff;
	v0 =	vmul.u32 $0x80, v0;
	s15 =	simm.s32 $0x10600;
	s17 =	simm.s32 $0x18600;
	s18 =	simm.s32 $0x0  }
0x37: {  	vm12 =	vmmov $0x1fff;
	vm13 =	vmmov $0x3fff;
	vm14 =	vmmov $0x7fff;
	s10 =	sor.u32 s8, s10;
	s8 =	ssub.s32 $0x2, s8;
	[smem:$0x7FC] =	sst s14  }
0x38: {  	v1 =	vor.u32 $0x800, v0;
	v2 =	vor.u32 $0x1000, v0;
	v3 =	vor.u32 $0x1800, v0;
	s14 =	simm.s32 $0x8600;
	[smem:$0x7FD] =	sst s16;
	s16 =	simm.s32 $0x1  }
0x39: {  	v4 =	vor.u32 $0x2000, v0;
	v5 =	vor.u32 $0x2800, v0;
	v6 =	vor.u32 $0x3000, v0;
	s11 =	sshll.u32 s10, $0x4;
	s21 =	sshrl.u32 s8, $0x1;
	s10 =	sshll.u32 s10, $0x6  }
0x3a: {  	v7 =	vor.u32 $0x3800, v0;
	v8 =	vor.u32 $0x4000, v0;
	v9 =	vor.u32 $0x4800, v0;
	s7 =	sadd.s32 s11, s7;
	s8 =	ssub.s32 s8, s21;
	s4 =	sadd.s32 s4, s10  }
0x3b: {  	v10 =	vor.u32 $0x5000, v0;
	v11 =	vor.u32 $0x5800, v0;
	v12 =	vor.u32 $0x6000, v0;
	s5 =	sadd.s32 s5, s10;
	s6 =	sadd.s32 s6, s10;
	s10 =	simm.s32 $0x200  }
0x3c: {  	v13 =	vor.u32 $0x6800, v0;
	v14 =	vor.u32 $0x7000, v0;
	v15 =	vor.u32 $0x7800, v0;
	s11 =	simm.s32 $0x400;
	s7 =	sadd.s32 $0x400, s7;
	s8 =	smax.u32 s8, $0x1  }
.LBB2_1:
0x3d: {  	[tilespmem:s2], [sflag:$0x2] =	stream.linear.gather [hbm4b:s4+s2], $0x200, $0x38;
	[tilespmem:$0x18680] =	vst v63  }
0x3e: {  	_ =	swait.ge [sflag:s9], $0x200  }
0x3f: {  	[sflag:s9] =	ssyncset.done $0x0  }
0x40: {  	[sflag:s9] =	ssyncadd.s32 $0xFFFFFE00  }
0x41: {  	[tilespmem:s10], [sflag:$0x2] =	stream.linear.gather [hbm4b:s5+s2], $0x200, $0x38;
	[tilespmem:$0x18680] =	vst v63  }
0x42: {  	_ =	swait.ge [sflag:s9], $0x200  }
0x43: {  	[sflag:s9] =	ssyncset.done $0x0  }
0x44: {  	[sflag:s9] =	ssyncadd.s32 $0xFFFFFE00  }
0x45: {  	[tilespmem:s11], [sflag:$0x2] =	stream.linear.gather [hbm4b:s6+s2], $0x200, $0x38;
	[tilespmem:$0x18680] =	vst v63  }
0x46: {  	_ =	swait.ge [sflag:s9], $0x200  }
0x47: {  	[sflag:s9] =	ssyncset.done $0x0  }
0x48: {  	v16 =	vimm.f32 $0.0e+00;
	s19 =	simm.s32 $0x0;
	[sflag:s9] =	ssyncadd.s32 $0xFFFFFE00  }
.LBB2_2:
0x49: {  	s20 =	sshra.s32 s19, $0x2  }
0x4a: {  	v19 =	vld [tilespmem:s20+$0x0];
	_ =	sdelay $0x1  }
0x4b: {  	v18 =	vld [tilespmem:s20+$0x200];
	_ =	sdelay $0x1  }
0x4c: {  	v17 =	vld [tilespmem:s20+$0x400]  }
0x4d: {  	s21 =	rddreg [dreg:$0x7];
	v20 =	vand.u32 $0xFFFFFF80, v19  }
0x4e: {  	v22 =	vadd.s32 s21, v20  }
0x4f: {  	v58 =	vand.u32 $0xFFFFFF80, v18;
	(v2sf) =	vpush v22, $0x0  }
0x50: {  	v21 =	vadd.s32 s1, v58  }
0x51: {  	v59 =	vand.u32 $0xFFFFFF80, v17;
	(v2sf) =	vpush v21, $0x0  }
0x52: {  	v20 =	vadd.s32 s1, v59  }
0x53: {  	(v2sf) =	vpush v20, $0x0;
	_ =	sdelay $0x1  }
0x54: {  	(v2sf) =	vpush v22, $0x1;
	_ =	sdelay $0x1  }
0x55: {  	(v2sf) =	vpush v21, $0x1;
	_ =	sdelay $0x1  }
0x56: {  	(v2sf) =	vpush v20, $0x1;
	_ =	sdelay $0x1  }
0x57: {  	(v2sf) =	vpush v22, $0x2;
	_ =	sdelay $0x1  }
0x58: {  	(v2sf) =	vpush v21, $0x2  }
0x59: {  	s31 =	spop (v2sf)  }
0x5a: {  	(v2sf) =	vpush v20, $0x2;
	[tilespmem:s13], [sflag:$0x1] =	stream.strided.gather [hbm4b:s31+s11], $0x800, s12, s11, $0x38;
	[tilespmem:$0x18680] =	vst v63  }
0x5b: {  	s21 =	spop (v2sf)  }
0x5c: {  	(v2sf) =	vpush v22, $0x3;
	[tilespmem:s14], [sflag:$0x1] =	stream.strided.gather [hbm4b:s21+s11], $0x800, s12, s11, $0x38;
	[tilespmem:$0x18680] =	vst v63  }
0x5d: {  	s23 =	rddreg [dreg:$0x8];
	s22 =	spop (v2sf)  }
0x5e: {  	(v2sf) =	vpush v21, $0x3;
	[tilespmem:s15], [sflag:$0x1] =	stream.strided.gather [hbm4b:s22+s11], $0x800, s12, s11, $0x38;
	[tilespmem:$0x18680] =	vst v63  }
0x5f: {  	s26 =	rddreg [dreg:$0xa];
	s24 =	spop (v2sf)  }
0x60: {  	(v2sf) =	vpush v20, $0x3;
	[tilespmem:s23], [sflag:$0x1] =	stream.strided.gather [hbm4b:s24+s11], $0x800, s12, s11, $0x38;
	[tilespmem:$0x18680] =	vst v63  }
0x61: {  	s25 =	spop (v2sf);
	s22 =	rddreg [dreg:$0x9]  }
0x62: {  	(v2sf) =	vpush v22, $0x4;
	[tilespmem:s22], [sflag:$0x1] =	stream.strided.gather [hbm4b:s25+s11], $0x800, s12, s11, $0x38;
	[tilespmem:$0x18680] =	vst v63  }
0x63: {  	s29 =	rddreg [dreg:$0xb];
	s28 =	spop (v2sf)  }
0x64: {  	(v2sf) =	vpush v21, $0x4;
	[tilespmem:s26], [sflag:$0x1] =	stream.strided.gather [hbm4b:s28+s11], $0x800, s12, s11, $0x38;
	[tilespmem:$0x18680] =	vst v63  }
0x65: {  	s31 =	rddreg [dreg:$0xc];
	s30 =	spop (v2sf)  }
0x66: {  	(v2sf) =	vpush v20, $0x4;
	[tilespmem:s29], [sflag:$0x1] =	stream.strided.gather [hbm4b:s30+s11], $0x800, s12, s11, $0x38;
	[tilespmem:$0x18680] =	vst v63  }
0x67: {  	s23 =	spop (v2sf);
	s24 =	rddreg [dreg:$0xd]  }
0x68: {  	(v2sf) =	vpush v22, $0x5;
	[tilespmem:s31], [sflag:$0x1] =	stream.strided.gather [hbm4b:s23+s11], $0x800, s12, s11, $0x38;
	[tilespmem:$0x18680] =	vst v63  }
0x69: {  	s26 =	rddreg [dreg:$0xe];
	s25 =	spop (v2sf)  }
0x6a: {  	(v2sf) =	vpush v21, $0x5;
	[tilespmem:s24], [sflag:$0x1] =	stream.strided.gather [hbm4b:s25+s11], $0x800, s12, s11, $0x38;
	[tilespmem:$0x18680] =	vst v63  }
0x6b: {  	s29 =	rddreg [dreg:$0xf];
	s28 =	spop (v2sf)  }
0x6c: {  	(v2sf) =	vpush v20, $0x5;
	[tilespmem:s26], [sflag:$0x1] =	stream.strided.gather [hbm4b:s28+s11], $0x800, s12, s11, $0x38;
	[tilespmem:$0x18680] =	vst v63  }
0x6d: {  	s31 =	rddreg [dreg:$0x10];
	s30 =	spop (v2sf)  }
0x6e: {  	(v2sf) =	vpush v22, $0x6;
	[tilespmem:s29], [sflag:$0x1] =	stream.strided.gather [hbm4b:s30+s11], $0x800, s12, s11, $0x38;
	[tilespmem:$0x18680] =	vst v63  }
0x6f: {  	s24 =	rddreg [dreg:$0x11];
	s23 =	spop (v2sf)  }
0x70: {  	(v2sf) =	vpush v21, $0x6;
	[tilespmem:s31], [sflag:$0x1] =	stream.strided.gather [hbm4b:s23+s11], $0x800, s12, s11, $0x38;
	[tilespmem:$0x18680] =	vst v63  }
0x71: {  	s25 =	spop (v2sf);
	s26 =	rddreg [dreg:$0x12]  }
0x72: {  	(v2sf) =	vpush v20, $0x6;
	[tilespmem:s24], [sflag:$0x1] =	stream.strided.gather [hbm4b:s25+s11], $0x800, s12, s11, $0x38;
	[tilespmem:$0x18680] =	vst v63  }
0x73: {  	s28 =	spop (v2sf);
	s29 =	rddreg [dreg:$0x13]  }
0x74: {  	(v2sf) =	vpush v22, $0x7;
	[tilespmem:s26], [sflag:$0x1] =	stream.strided.gather [hbm4b:s28+s11], $0x800, s12, s11, $0x38;
	[tilespmem:$0x18680] =	vst v63  }
0x75: {  	s30 =	spop (v2sf);
	s31 =	rddreg [dreg:$0x14]  }
0x76: {  	(v2sf) =	vpush v21, $0x7;
	[tilespmem:s29], [sflag:$0x1] =	stream.strided.gather [hbm4b:s30+s11], $0x800, s12, s11, $0x38;
	[tilespmem:$0x18680] =	vst v63  }
0x77: {  	s23 =	spop (v2sf);
	s24 =	rddreg [dreg:$0x15]  }
0x78: {  	(v2sf) =	vpush v20, $0x7;
	[tilespmem:s31], [sflag:$0x1] =	stream.strided.gather [hbm4b:s23+s11], $0x800, s12, s11, $0x38;
	[tilespmem:$0x18680] =	vst v63  }
0x79: {  	s26 =	rddreg [dreg:$0x16];
	s25 =	spop (v2sf)  }
0x7a: {  	(v2sf) =	vpush v22, $0x8;
	[tilespmem:s24], [sflag:$0x1] =	stream.strided.gather [hbm4b:s25+s11], $0x800, s12, s11, $0x38;
	[tilespmem:$0x18680] =	vst v63  }
0x7b: {  	s29 =	rddreg [dreg:$0x17];
	s28 =	spop (v2sf)  }
0x7c: {  	(v2sf) =	vpush v21, $0x8;
	[tilespmem:s26], [sflag:$0x1] =	stream.strided.gather [hbm4b:s28+s11], $0x800, s12, s11, $0x38;
	[tilespmem:$0x18680] =	vst v63  }
0x7d: {  	s31 =	rddreg [dreg:$0x18];
	s30 =	spop (v2sf)  }
0x7e: {  	(v2sf) =	vpush v20, $0x8;
	[tilespmem:s29], [sflag:$0x1] =	stream.strided.gather [hbm4b:s30+s11], $0x800, s12, s11, $0x38;
	[tilespmem:$0x18680] =	vst v63  }
0x7f: {  	s23 =	spop (v2sf);
	s24 =	rddreg [dreg:$0x19]  }
0x80: {  	(v2sf) =	vpush v22, $0x9;
	[tilespmem:s31], [sflag:$0x1] =	stream.strided.gather [hbm4b:s23+s11], $0x800, s12, s11, $0x38;
	[tilespmem:$0x18680] =	vst v63  }
0x81: {  	s25 =	spop (v2sf);
	s26 =	rddreg [dreg:$0x1a]  }
0x82: {  	(v2sf) =	vpush v21, $0x9;
	[tilespmem:s24], [sflag:$0x1] =	stream.strided.gather [hbm4b:s25+s11], $0x800, s12, s11, $0x38;
	[tilespmem:$0x18680] =	vst v63  }
0x83: {  	s28 =	spop (v2sf);
	s29 =	rddreg [dreg:$0x1b]  }
0x84: {  	(v2sf) =	vpush v20, $0x9;
	[tilespmem:s26], [sflag:$0x1] =	stream.strided.gather [hbm4b:s28+s11], $0x800, s12, s11, $0x38;
	[tilespmem:$0x18680] =	vst v63  }
0x85: {  	s30 =	spop (v2sf);
	s31 =	rddreg [dreg:$0x1c]  }
0x86: {  	(v2sf) =	vpush v22, $0xA;
	[tilespmem:s29], [sflag:$0x1] =	stream.strided.gather [hbm4b:s30+s11], $0x800, s12, s11, $0x38;
	[tilespmem:$0x18680] =	vst v63  }
0x87: {  	s23 =	spop (v2sf);
	s24 =	rddreg [dreg:$0x1d]  }
0x88: {  	(v2sf) =	vpush v21, $0xA;
	[tilespmem:s31], [sflag:$0x1] =	stream.strided.gather [hbm4b:s23+s11], $0x800, s12, s11, $0x38;
	[tilespmem:$0x18680] =	vst v63  }
0x89: {  	s26 =	rddreg [dreg:$0x1e];
	s25 =	spop (v2sf)  }
0x8a: {  	(v2sf) =	vpush v20, $0xA;
	[tilespmem:s24], [sflag:$0x1] =	stream.strided.gather [hbm4b:s25+s11], $0x800, s12, s11, $0x38;
	[tilespmem:$0x18680] =	vst v63  }
0x8b: {  	s29 =	rddreg [dreg:$0x1f];
	s28 =	spop (v2sf)  }
0x8c: {  	(v2sf) =	vpush v22, $0xB;
	[tilespmem:s26], [sflag:$0x1] =	stream.strided.gather [hbm4b:s28+s11], $0x800, s12, s11, $0x38;
	[tilespmem:$0x18680] =	vst v63  }
0x8d: {  	s30 =	spop (v2sf);
	s31 =	sld [smem:$0x7E9]  }
0x8e: {  	(v2sf) =	vpush v21, $0xB;
	[tilespmem:s29], [sflag:$0x1] =	stream.strided.gather [hbm4b:s30+s11], $0x800, s12, s11, $0x38;
	[tilespmem:$0x18680] =	vst v63  }
0x8f: {  	s23 =	spop (v2sf);
	s24 =	sld [smem:$0x7EA]  }
0x90: {  	(v2sf) =	vpush v20, $0xB;
	[tilespmem:s31], [sflag:$0x1] =	stream.strided.gather [hbm4b:s23+s11], $0x800, s12, s11, $0x38;
	[tilespmem:$0x18680] =	vst v63  }
0x91: {  	s25 =	spop (v2sf);
	s26 =	sld [smem:$0x7EB]  }
0x92: {  	(v2sf) =	vpush v22, $0xC;
	[tilespmem:s24], [sflag:$0x1] =	stream.strided.gather [hbm4b:s25+s11], $0x800, s12, s11, $0x38;
	[tilespmem:$0x18680] =	vst v63  }
0x93: {  	s28 =	spop (v2sf);
	s29 =	sld [smem:$0x7EC]  }
0x94: {  	(v2sf) =	vpush v21, $0xC;
	[tilespmem:s26], [sflag:$0x1] =	stream.strided.gather [hbm4b:s28+s11], $0x800, s12, s11, $0x38;
	[tilespmem:$0x18680] =	vst v63  }
0x95: {  	s30 =	spop (v2sf);
	s31 =	sld [smem:$0x7ED]  }
0x96: {  	(v2sf) =	vpush v20, $0xC;
	[tilespmem:s29], [sflag:$0x1] =	stream.strided.gather [hbm4b:s30+s11], $0x800, s12, s11, $0x38;
	[tilespmem:$0x18680] =	vst v63  }
0x97: {  	s23 =	spop (v2sf);
	s24 =	sld [smem:$0x7EE]  }
0x98: {  	(v2sf) =	vpush v22, $0xD;
	[tilespmem:s31], [sflag:$0x1] =	stream.strided.gather [hbm4b:s23+s11], $0x800, s12, s11, $0x38;
	[tilespmem:$0x18680] =	vst v63  }
0x99: {  	s26 =	sld [smem:$0x7EF];
	s25 =	spop (v2sf)  }
0x9a: {  	(v2sf) =	vpush v21, $0xD;
	[tilespmem:s24], [sflag:$0x1] =	stream.strided.gather [hbm4b:s25+s11], $0x800, s12, s11, $0x38;
	[tilespmem:$0x18680] =	vst v63  }
0x9b: {  	s28 =	spop (v2sf);
	s29 =	sld [smem:$0x7F0]  }
0x9c: {  	(v2sf) =	vpush v20, $0xD;
	[tilespmem:s26], [sflag:$0x1] =	stream.strided.gather [hbm4b:s28+s11], $0x800, s12, s11, $0x38;
	[tilespmem:$0x18680] =	vst v63  }
0x9d: {  	s30 =	spop (v2sf);
	s31 =	sld [smem:$0x7F1]  }
0x9e: {  	(v2sf) =	vpush v22, $0xE;
	[tilespmem:s29], [sflag:$0x1] =	stream.strided.gather [hbm4b:s30+s11], $0x800, s12, s11, $0x38;
	[tilespmem:$0x18680] =	vst v63  }
0x9f: {  	s23 =	spop (v2sf);
	s24 =	sld [smem:$0x7F2]  }
0xa0: {  	(v2sf) =	vpush v21, $0xE;
	[tilespmem:s31], [sflag:$0x1] =	stream.strided.gather [hbm4b:s23+s11], $0x800, s12, s11, $0x38;
	[tilespmem:$0x18680] =	vst v63  }
0xa1: {  	s25 =	spop (v2sf);
	s26 =	sld [smem:$0x7F3]  }
0xa2: {  	(v2sf) =	vpush v20, $0xE;
	[tilespmem:s24], [sflag:$0x1] =	stream.strided.gather [hbm4b:s25+s11], $0x800, s12, s11, $0x38;
	[tilespmem:$0x18680] =	vst v63  }
0xa3: {  	s28 =	spop (v2sf);
	s29 =	sld [smem:$0x7F4]  }
0xa4: {  	(v2sf) =	vpush v22, $0xF;
	[tilespmem:s26], [sflag:$0x1] =	stream.strided.gather [hbm4b:s28+s11], $0x800, s12, s11, $0x38;
	[tilespmem:$0x18680] =	vst v63  }
0xa5: {  	s30 =	spop (v2sf);
	s31 =	sld [smem:$0x7F5]  }
0xa6: {  	(v2sf) =	vpush v21, $0xF;
	[tilespmem:s29], [sflag:$0x1] =	stream.strided.gather [hbm4b:s30+s11], $0x800, s12, s11, $0x38;
	[tilespmem:$0x18680] =	vst v63  }
0xa7: {  	s23 =	spop (v2sf);
	s24 =	sld [smem:$0x7F6]  }
0xa8: {  	(v2sf) =	vpush v20, $0xF;
	[tilespmem:s31], [sflag:$0x1] =	stream.strided.gather [hbm4b:s23+s11], $0x800, s12, s11, $0x38;
	[tilespmem:$0x18680] =	vst v63  }
0xa9: {  	s25 =	spop (v2sf);
	s26 =	sld [smem:$0x7F7]  }
0xaa: {  	[tilespmem:s24], [sflag:$0x1] =	stream.strided.gather [hbm4b:s25+s11], $0x800, s12, s11, $0x38;
	[tilespmem:$0x18680] =	vst v63  }
0xab: {  	s28 =	spop (v2sf);
	s29 =	sld [smem:$0x7F8]  }
0xac: {  	[tilespmem:s26], [sflag:$0x1] =	stream.strided.gather [hbm4b:s28+s11], $0x800, s12, s11, $0x38;
	[tilespmem:$0x18680] =	vst v63  }
0xad: {  	s30 =	spop (v2sf);
	s31 =	sld [smem:$0x7F9]  }
0xae: {  	[tilespmem:s29], [sflag:$0x1] =	stream.strided.gather [hbm4b:s30+s11], $0x800, s12, s11, $0x38;
	[tilespmem:$0x18680] =	vst v63  }
0xaf: {  	s22 =	spop (v2sf);
	s23 =	sld [smem:$0x7FA]  }
0xb0: {  	[tilespmem:s31], [sflag:$0x1] =	stream.strided.gather [hbm4b:s22+s11], $0x800, s12, s11, $0x38;
	[tilespmem:$0x18680] =	vst v63  }
0xb1: {  	s24 =	spop (v2sf);
	s25 =	sld [smem:$0x7FB]  }
0xb2: {  	[tilespmem:s23], [sflag:$0x1] =	stream.strided.gather [hbm4b:s24+s11], $0x800, s12, s11, $0x38;
	[tilespmem:$0x18680] =	vst v63  }
0xb3: {  	s26 =	spop (v2sf);
	s28 =	sld [smem:$0x7FC]  }
0xb4: {  	[tilespmem:s25], [sflag:$0x1] =	stream.strided.gather [hbm4b:s26+s11], $0x800, s12, s11, $0x38;
	[tilespmem:$0x18680] =	vst v63  }
0xb5: {  	s29 =	spop (v2sf);
	s30 =	sld [smem:$0x7FD]  }
0xb6: {  	[tilespmem:s28], [sflag:$0x1] =	stream.strided.gather [hbm4b:s29+s11], $0x800, s12, s11, $0x38;
	[tilespmem:$0x18680] =	vst v63  }
0xb7: {  	s31 =	spop (v2sf)  }
0xb8: {  	[tilespmem:s30], [sflag:$0x1] =	stream.strided.gather [hbm4b:s31+s11], $0x800, s12, s11, $0x38;
	[tilespmem:$0x18680] =	vst v63  }
0xb9: {  	_ =	swait.ge [sflag:s16], $0x800  }
0xba: {  	[sflag:s16] =	ssyncset.done $0x0  }
0xbb: {  	[sflag:s16] =	ssyncadd.s32 $0xFFFFF800  }
0xbc: {  	_ =	swait.ge [sflag:s16], $0x800  }
0xbd: {  	[sflag:s16] =	ssyncset.done $0x0  }
0xbe: {  	[sflag:s16] =	ssyncadd.s32 $0xFFFFF800  }
0xbf: {  	_ =	swait.ge [sflag:s16], $0x800  }
0xc0: {  	[sflag:s16] =	ssyncset.done $0x0  }
0xc1: {  	[sflag:s16] =	ssyncadd.s32 $0xFFFFF800  }
0xc2: {  	_ =	swait.ge [sflag:s16], $0x800  }
0xc3: {  	[sflag:s16] =	ssyncset.done $0x0  }
0xc4: {  	[sflag:s16] =	ssyncadd.s32 $0xFFFFF800  }
0xc5: {  	_ =	swait.ge [sflag:s16], $0x800  }
0xc6: {  	[sflag:s16] =	ssyncset.done $0x0  }
0xc7: {  	[sflag:s16] =	ssyncadd.s32 $0xFFFFF800  }
0xc8: {  	_ =	swait.ge [sflag:s16], $0x800  }
0xc9: {  	[sflag:s16] =	ssyncset.done $0x0  }
0xca: {  	[sflag:s16] =	ssyncadd.s32 $0xFFFFF800  }
0xcb: {  	_ =	swait.ge [sflag:s16], $0x800  }
0xcc: {  	[sflag:s16] =	ssyncset.done $0x0  }
0xcd: {  	[sflag:s16] =	ssyncadd.s32 $0xFFFFF800  }
0xce: {  	_ =	swait.ge [sflag:s16], $0x800  }
0xcf: {  	[sflag:s16] =	ssyncset.done $0x0  }
0xd0: {  	[sflag:s16] =	ssyncadd.s32 $0xFFFFF800  }
0xd1: {  	_ =	swait.ge [sflag:s16], $0x800  }
0xd2: {  	[sflag:s16] =	ssyncset.done $0x0  }
0xd3: {  	[sflag:s16] =	ssyncadd.s32 $0xFFFFF800  }
0xd4: {  	_ =	swait.ge [sflag:s16], $0x800  }
0xd5: {  	[sflag:s16] =	ssyncset.done $0x0  }
0xd6: {  	[sflag:s16] =	ssyncadd.s32 $0xFFFFF800  }
0xd7: {  	_ =	swait.ge [sflag:s16], $0x800  }
0xd8: {  	[sflag:s16] =	ssyncset.done $0x0  }
0xd9: {  	[sflag:s16] =	ssyncadd.s32 $0xFFFFF800  }
0xda: {  	_ =	swait.ge [sflag:s16], $0x800  }
0xdb: {  	[sflag:s16] =	ssyncset.done $0x0  }
0xdc: {  	[sflag:s16] =	ssyncadd.s32 $0xFFFFF800  }
0xdd: {  	_ =	swait.ge [sflag:s16], $0x800  }
0xde: {  	[sflag:s16] =	ssyncset.done $0x0  }
0xdf: {  	[sflag:s16] =	ssyncadd.s32 $0xFFFFF800  }
0xe0: {  	_ =	swait.ge [sflag:s16], $0x800  }
0xe1: {  	[sflag:s16] =	ssyncset.done $0x0  }
0xe2: {  	[sflag:s16] =	ssyncadd.s32 $0xFFFFF800  }
0xe3: {  	_ =	swait.ge [sflag:s16], $0x800  }
0xe4: {  	[sflag:s16] =	ssyncset.done $0x0  }
0xe5: {  	[sflag:s16] =	ssyncadd.s32 $0xFFFFF800  }
0xe6: {  	_ =	swait.ge [sflag:s16], $0x800  }
0xe7: {  	[sflag:s16] =	ssyncset.done $0x0  }
0xe8: {  	[sflag:s16] =	ssyncadd.s32 $0xFFFFF800  }
0xe9: {  	_ =	swait.ge [sflag:s16], $0x800  }
0xea: {  	[sflag:s16] =	ssyncset.done $0x0  }
0xeb: {  	[sflag:s16] =	ssyncadd.s32 $0xFFFFF800  }
0xec: {  	_ =	swait.ge [sflag:s16], $0x800  }
0xed: {  	[sflag:s16] =	ssyncset.done $0x0  }
0xee: {  	[sflag:s16] =	ssyncadd.s32 $0xFFFFF800  }
0xef: {  	_ =	swait.ge [sflag:s16], $0x800  }
0xf0: {  	[sflag:s16] =	ssyncset.done $0x0  }
0xf1: {  	[sflag:s16] =	ssyncadd.s32 $0xFFFFF800  }
0xf2: {  	_ =	swait.ge [sflag:s16], $0x800  }
0xf3: {  	[sflag:s16] =	ssyncset.done $0x0  }
0xf4: {  	[sflag:s16] =	ssyncadd.s32 $0xFFFFF800  }
0xf5: {  	_ =	swait.ge [sflag:s16], $0x800  }
0xf6: {  	[sflag:s16] =	ssyncset.done $0x0  }
0xf7: {  	[sflag:s16] =	ssyncadd.s32 $0xFFFFF800  }
0xf8: {  	_ =	swait.ge [sflag:s16], $0x800  }
0xf9: {  	[sflag:s16] =	ssyncset.done $0x0  }
0xfa: {  	[sflag:s16] =	ssyncadd.s32 $0xFFFFF800  }
0xfb: {  	_ =	swait.ge [sflag:s16], $0x800  }
0xfc: {  	[sflag:s16] =	ssyncset.done $0x0  }
0xfd: {  	[sflag:s16] =	ssyncadd.s32 $0xFFFFF800  }
0xfe: {  	_ =	swait.ge [sflag:s16], $0x800  }
0xff: {  	[sflag:s16] =	ssyncset.done $0x0  }
0x100: {  	[sflag:s16] =	ssyncadd.s32 $0xFFFFF800  }
0x101: {  	_ =	swait.ge [sflag:s16], $0x800  }
0x102: {  	[sflag:s16] =	ssyncset.done $0x0  }
0x103: {  	[sflag:s16] =	ssyncadd.s32 $0xFFFFF800  }
0x104: {  	_ =	swait.ge [sflag:s16], $0x800  }
0x105: {  	[sflag:s16] =	ssyncset.done $0x0  }
0x106: {  	[sflag:s16] =	ssyncadd.s32 $0xFFFFF800  }
0x107: {  	_ =	swait.ge [sflag:s16], $0x800  }
0x108: {  	[sflag:s16] =	ssyncset.done $0x0  }
0x109: {  	[sflag:s16] =	ssyncadd.s32 $0xFFFFF800  }
0x10a: {  	_ =	swait.ge [sflag:s16], $0x800  }
0x10b: {  	[sflag:s16] =	ssyncset.done $0x0  }
0x10c: {  	[sflag:s16] =	ssyncadd.s32 $0xFFFFF800  }
0x10d: {  	_ =	swait.ge [sflag:s16], $0x800  }
0x10e: {  	[sflag:s16] =	ssyncset.done $0x0  }
0x10f: {  	[sflag:s16] =	ssyncadd.s32 $0xFFFFF800  }
0x110: {  	_ =	swait.ge [sflag:s16], $0x800  }
0x111: {  	[sflag:s16] =	ssyncset.done $0x0  }
0x112: {  	[sflag:s16] =	ssyncadd.s32 $0xFFFFF800  }
0x113: {  	_ =	swait.ge [sflag:s16], $0x800  }
0x114: {  	[sflag:s16] =	ssyncset.done $0x0  }
0x115: {  	[sflag:s16] =	ssyncadd.s32 $0xFFFFF800  }
0x116: {  	_ =	swait.ge [sflag:s16], $0x800  }
0x117: {  	[sflag:s16] =	ssyncset.done $0x0  }
0x118: {  	[sflag:s16] =	ssyncadd.s32 $0xFFFFF800  }
0x119: {  	_ =	swait.ge [sflag:s16], $0x800  }
0x11a: {  	[sflag:s16] =	ssyncset.done $0x0  }
0x11b: {  	[sflag:s16] =	ssyncadd.s32 $0xFFFFF800  }
0x11c: {  	_ =	swait.ge [sflag:s16], $0x800  }
0x11d: {  	[sflag:s16] =	ssyncset.done $0x0  }
0x11e: {  	[sflag:s16] =	ssyncadd.s32 $0xFFFFF800  }
0x11f: {  	_ =	swait.ge [sflag:s16], $0x800  }
0x120: {  	[sflag:s16] =	ssyncset.done $0x0  }
0x121: {  	[sflag:s16] =	ssyncadd.s32 $0xFFFFF800  }
0x122: {  	_ =	swait.ge [sflag:s16], $0x800  }
0x123: {  	[sflag:s16] =	ssyncset.done $0x0  }
0x124: {  	[sflag:s16] =	ssyncadd.s32 $0xFFFFF800  }
0x125: {  	_ =	swait.ge [sflag:s16], $0x800  }
0x126: {  	[sflag:s16] =	ssyncset.done $0x0  }
0x127: {  	[sflag:s16] =	ssyncadd.s32 $0xFFFFF800  }
0x128: {  	_ =	swait.ge [sflag:s16], $0x800  }
0x129: {  	[sflag:s16] =	ssyncset.done $0x0  }
0x12a: {  	[sflag:s16] =	ssyncadd.s32 $0xFFFFF800  }
0x12b: {  	_ =	swait.ge [sflag:s16], $0x800  }
0x12c: {  	[sflag:s16] =	ssyncset.done $0x0  }
0x12d: {  	[sflag:s16] =	ssyncadd.s32 $0xFFFFF800  }
0x12e: {  	_ =	swait.ge [sflag:s16], $0x800  }
0x12f: {  	[sflag:s16] =	ssyncset.done $0x0  }
0x130: {  	[sflag:s16] =	ssyncadd.s32 $0xFFFFF800  }
0x131: {  	_ =	swait.ge [sflag:s16], $0x800  }
0x132: {  	[sflag:s16] =	ssyncset.done $0x0  }
0x133: {  	[sflag:s16] =	ssyncadd.s32 $0xFFFFF800  }
0x134: {  	_ =	swait.ge [sflag:s16], $0x800  }
0x135: {  	[sflag:s16] =	ssyncset.done $0x0  }
0x136: {  	[sflag:s16] =	ssyncadd.s32 $0xFFFFF800  }
0x137: {  	_ =	swait.ge [sflag:s16], $0x800  }
0x138: {  	[sflag:s16] =	ssyncset.done $0x0  }
0x139: {  	[sflag:s16] =	ssyncadd.s32 $0xFFFFF800  }
0x13a: {  	_ =	swait.ge [sflag:s16], $0x800  }
0x13b: {  	[sflag:s16] =	ssyncset.done $0x0  }
0x13c: {  	[sflag:s16] =	ssyncadd.s32 $0xFFFFF800  }
0x13d: {  	_ =	swait.ge [sflag:s16], $0x800  }
0x13e: {  	[sflag:s16] =	ssyncset.done $0x0  }
0x13f: {  	[sflag:s16] =	ssyncadd.s32 $0xFFFFF800  }
0x140: {  	_ =	swait.ge [sflag:s16], $0x800  }
0x141: {  	v19 =	vand.u32 $0x7F, v19;
	[sflag:s16] =	ssyncset.done $0x0  }
0x142: {  	v18 =	vand.u32 $0x7F, v18;
	v60 =	vbroadcast v19, $0x0;
	[sflag:s16] =	ssyncadd.s32 $0xFFFFF800  }
0x143: {  	v17 =	vand.u32 $0x7F, v17;
	v61 =	vbroadcast v18, $0x0;
	_ =	swait.ge [sflag:s16], $0x800  }
0x144: {  	v62 =	vbroadcast v17, $0x0;
	v20 =	vor.u32 v0, v60;
	[sflag:s16] =	ssyncset.done $0x0  }
0x145: {  	v23 =	vbroadcast v19, $0x1;
	v21 =	vor.u32 v0, v61;
	[sflag:s16] =	ssyncadd.s32 $0xFFFFF800  }
0x146: {  	v24 =	vbroadcast v18, $0x1;
	v22 =	vor.u32 v0, v62;
	_ =	swait.ge [sflag:s16], $0x800  }
0x147: {  	v25 =	vbroadcast v17, $0x1;
	v23 =	vor.u32 v1, v23;
	[sflag:s16] =	ssyncset.done $0x0  }
0x148: {  	v26 =	vbroadcast v19, $0x2;
	v24 =	vor.u32 v1, v24;
	[sflag:s16] =	ssyncadd.s32 $0xFFFFF800  }
0x149: {  	v27 =	vbroadcast v18, $0x2;
	v25 =	vor.u32 v1, v25;
	v20 =	vld.idx.msk [tilespmem:v20+s13+$0x0], $0xffff  }
0x14a: {  	v28 =	vbroadcast v17, $0x2;
	v26 =	vor.u32 v2, v26;
	v21 =	vld.idx.msk [tilespmem:v21+s14+$0x0], $0xffff  }
0x14b: {  	v29 =	vbroadcast v19, $0x3;
	v27 =	vor.u32 v2, v27;
	v22 =	vld.idx.msk [tilespmem:v22+s15+$0x0], $0xffff  }
0x14c: {  	v30 =	vbroadcast v18, $0x3;
	v28 =	vor.u32 v2, v28;
	v23 =	vld.idx.msk [tilespmem:v23+s13+$0x0], $0xffff  }
0x14d: {  	v31 =	vbroadcast v17, $0x3;
	v29 =	vor.u32 v3, v29;
	v24 =	vld.idx.msk [tilespmem:v24+s14+$0x0], $0xffff  }
0x14e: {  	v32 =	vbroadcast v19, $0x4;
	v30 =	vor.u32 v3, v30;
	v25 =	vld.idx.msk [tilespmem:v25+s15+$0x0], $0xffff  }
0x14f: {  	v33 =	vbroadcast v18, $0x4;
	v31 =	vor.u32 v3, v31;
	v26 =	vld.idx.msk [tilespmem:v26+s13+$0x0], $0xffff  }
0x150: {  	v34 =	vbroadcast v17, $0x4;
	v32 =	vor.u32 v4, v32;
	v27 =	vld.idx.msk [tilespmem:v27+s14+$0x0], $0xffff  }
0x151: {  	v35 =	vbroadcast v19, $0x5;
	v33 =	vor.u32 v4, v33;
	v28 =	vld.idx.msk [tilespmem:v28+s15+$0x0], $0xffff  }
0x152: {  	v36 =	vbroadcast v18, $0x5;
	v34 =	vor.u32 v4, v34;
	v29 =	vld.idx.msk [tilespmem:v29+s13+$0x0], $0xffff  }
0x153: {  	v37 =	vbroadcast v17, $0x5;
	v35 =	vor.u32 v5, v35;
	v30 =	vld.idx.msk [tilespmem:v30+s14+$0x0], $0xffff  }
0x154: {  	v38 =	vbroadcast v19, $0x6;
	v36 =	vor.u32 v5, v36;
	v31 =	vld.idx.msk [tilespmem:v31+s15+$0x0], $0xffff  }
0x155: {  	v39 =	vbroadcast v18, $0x6;
	v37 =	vor.u32 v5, v37;
	v32 =	vld.idx.msk [tilespmem:v32+s13+$0x0], $0xffff  }
0x156: {  	v40 =	vbroadcast v17, $0x6;
	v38 =	vor.u32 v6, v38;
	v33 =	vld.idx.msk [tilespmem:v33+s14+$0x0], $0xffff  }
0x157: {  	v41 =	vbroadcast v19, $0x7;
	v39 =	vor.u32 v6, v39;
	v34 =	vld.idx.msk [tilespmem:v34+s15+$0x0], $0xffff  }
0x158: {  	v42 =	vbroadcast v18, $0x7;
	v40 =	vor.u32 v6, v40;
	v35 =	vld.idx.msk [tilespmem:v35+s13+$0x0], $0xffff  }
0x159: {  	v43 =	vbroadcast v17, $0x7;
	v41 =	vor.u32 v7, v41;
	v36 =	vld.idx.msk [tilespmem:v36+s14+$0x0], $0xffff  }
0x15a: {  	v44 =	vbroadcast v19, $0x8;
	v42 =	vor.u32 v7, v42;
	v37 =	vld.idx.msk [tilespmem:v37+s15+$0x0], $0xffff  }
0x15b: {  	v45 =	vbroadcast v18, $0x8;
	v43 =	vor.u32 v7, v43;
	v38 =	vld.idx.msk [tilespmem:v38+s13+$0x0], $0xffff  }
0x15c: {  	v46 =	vbroadcast v17, $0x8;
	v44 =	vor.u32 v8, v44;
	v39 =	vld.idx.msk [tilespmem:v39+s14+$0x0], $0xffff  }
0x15d: {  	v47 =	vbroadcast v19, $0x9;
	v45 =	vor.u32 v8, v45;
	v40 =	vld.idx.msk [tilespmem:v40+s15+$0x0], $0xffff  }
0x15e: {  	v48 =	vbroadcast v18, $0x9;
	v46 =	vor.u32 v8, v46;
	v41 =	vld.idx.msk [tilespmem:v41+s13+$0x0], $0xffff  }
0x15f: {  	v49 =	vbroadcast v17, $0x9;
	v47 =	vor.u32 v9, v47;
	v42 =	vld.idx.msk [tilespmem:v42+s14+$0x0], $0xffff  }
0x160: {  	v50 =	vbroadcast v19, $0xA;
	v48 =	vor.u32 v9, v48;
	v43 =	vld.idx.msk [tilespmem:v43+s15+$0x0], $0xffff  }
0x161: {  	v53 =	vbroadcast v19, $0xB;
	v49 =	vor.u32 v9, v49;
	v44 =	vld.idx.msk [tilespmem:v44+s13+$0x0], $0xffff  }
0x162: {  	v51 =	vbroadcast v18, $0xA;
	v50 =	vor.u32 v10, v50;
	v45 =	vld.idx.msk [tilespmem:v45+s14+$0x0], $0xffff  }
0x163: {  	v52 =	vbroadcast v17, $0xA;
	v53 =	vor.u32 v11, v53;
	v46 =	vld.idx.msk [tilespmem:v46+s15+$0x0], $0xffff  }
0x164: {  	v55 =	vbroadcast v17, $0xB;
	v51 =	vor.u32 v10, v51;
	v47 =	vld.idx.msk [tilespmem:v47+s13+$0x0], $0xffff  }
0x165: {  	v54 =	vbroadcast v18, $0xB;
	v63 =	vbroadcast v19, $0xC;
	v52 =	vor.u32 v10, v52;
	v48 =	vld.idx.msk [tilespmem:v48+s14+$0x0], $0xffff  }
0x166: {  	v58 =	vbroadcast v18, $0xC;
	v57 =	vor.u32 v11, v55;
	v21 =	vsub.f32 v21, v22;
	v22 =	vld.idx.msk [tilespmem:v49+s15+$0x0], $0xffff  }
0x167: {  	v59 =	vor.u32 v12, v63;
	v60 =	vbroadcast v17, $0xC;
	v24 =	vsub.f32 v24, v25;
	v25 =	vld.idx.msk [tilespmem:v50+s13+$0x0], $0xffff  }
0x168: {  	v63 =	vbroadcast v17, $0xD;
	v49 =	vor.u32 v11, v54;
	v27 =	vsub.f32 v27, v28;
	v28 =	vld.idx.msk [tilespmem:v53+s13+$0x0], $0xffff  }
0x169: {  	v62 =	vbroadcast v18, $0xD;
	v53 =	vor.u32 v12, v60;
	v20 =	vmul.f32 v21, v20;
	v21 =	vld.idx.msk [tilespmem:v51+s14+$0x0], $0xffff  }
0x16a: {  	v30 =	vsub.f32 v30, v31;
	v23 =	vmul.f32 v24, v23;
	v24 =	vld.idx.msk [tilespmem:v52+s15+$0x0], $0xffff;
	v52 =	vor.u32 v12, v58  }
0x16b: {  	v50 =	vor.u32 v13, v62;
	v26 =	vmul.f32 v27, v26;
	v27 =	vld.idx.msk [tilespmem:v57+s15+$0x0], $0xffff;
	v57 =	vbroadcast v18, $0xE  }
0x16c: {  	v58 =	vmul.f32 v30, v29;
	v29 =	vld.idx.msk [tilespmem:v59+s13+$0x0], $0xffff;
	v30 =	vor.u32 v13, v63;
	v18 =	vbroadcast v18, $0xF  }
0x16d: {  	v59 =	vbroadcast v17, $0xE;
	v17 =	vbroadcast v17, $0xF;
	(xrf2) =	vadd.scan.msk.f32 $0xffff, v20;
	v62 =	vor.u32 v14, v57;
	v31 =	vld.idx.msk [tilespmem:v49+s14+$0x0], $0xffff  }
0x16e: {  	v61 =	vbroadcast v19, $0xD;
	v63 =	vsub.f32 v36, v37;
	v18 =	vor.u32 v15, v18;
	(xrf2) =	vadd.scan.msk.f32 $0xffff, v23;
	v36 =	vld.idx.msk [tilespmem:v53+s15+$0x0], $0xffff  }
0x16f: {  	v60 =	vsub.f32 v33, v34;
	v17 =	vor.u32 v15, v17;
	(xrf2) =	vadd.scan.msk.f32 $0xffff, v26;
	v33 =	vld.idx.msk [tilespmem:v52+s14+$0x0], $0xffff  }
0x170: {  	v49 =	vor.u32 v13, v61;
	v61 =	vbroadcast v19, $0xE;
	v53 =	vor.u32 v14, v59;
	(xrf2) =	vadd.scan.msk.f32 $0xffff, v58;
	v58 =	vld.idx.msk [tilespmem:v50+s14+$0x0], $0xffff  }
0x171: {  	v54 =	vmul.f32 v60, v32;
	v57 =	vsub.f32 v39, v40;
	v30 =	vld.idx.msk [tilespmem:v30+s15+$0x0], $0xffff  }
0x172: {  	v19 =	vbroadcast v19, $0xF;
	v26 =	vmul.f32 v63, v35;
	v56 =	vor.u32 v14, v61;
	v62 =	vld.idx.msk [tilespmem:v62+s14+$0x0], $0xffff  }
0x173: {  	v59 =	vsub.f32 v42, v43;
	v60 =	vmul.f32 v57, v38;
	(xrf2) =	vadd.scan.msk.f32 $0xffff, v54;
	v18 =	vld.idx.msk [tilespmem:v18+s14+$0x0], $0xffff  }
0x174: {  	v61 =	vsub.f32 v45, v46;
	v19 =	vor.u32 v15, v19;
	(xrf2) =	vadd.scan.msk.f32 $0xffff, v26;
	v17 =	vld.idx.msk [tilespmem:v17+s15+$0x0], $0xffff  }
0x175: {  	v22 =	vsub.f32 v48, v22;
	v20 =	vmul.f32 v59, v41;
	v37 =	vld.idx.msk [tilespmem:v53+s15+$0x0], $0xffff;
	(xrf2) =	vadd.scan.msk.f32 $0xffff, v60  }
0x176: {  	v21 =	vsub.f32 v21, v24;
	v63 =	vmul.f32 v61, v44;
	v55 =	vld.idx.msk [tilespmem:v49+s13+$0x0], $0xffff  }
0x177: {  	v34 =	vmul.f32 v22, v47;
	v39 =	vsub.f32 v31, v27;
	(xrf2) =	vadd.scan.msk.f32 $0xffff, v20;
	v32 =	vld.idx.msk [tilespmem:v56+s13+$0x0], $0xffff  }
0x178: {  	v21 =	vmul.f32 v21, v25;
	(xrf2) =	vadd.scan.msk.f32 $0xffff, v63;
	v40 =	vsub.f32 v33, v36  }
0x179: {  	v41 =	vmul.f32 v39, v28;
	v42 =	vsub.f32 v58, v30;
	v19 =	vld.idx.msk [tilespmem:v19+s13+$0x0], $0xffff;
	(xrf2) =	vadd.scan.msk.f32 $0xffff, v34;
	v43, _, _ =	vpop (xrf2)  }
0x17a: {  	(xrf2) =	vadd.scan.msk.f32 $0xffff, v21;
	v44 =	vmul.f32 v40, v29;
	v45 =	vsub.f32 v62, v37;
	v46, _, _ =	vpop (xrf2)  }
0x17b: {  	(xrf2) =	vadd.scan.msk.f32 $0xffff, v41;
	v47 =	vbroadcast v43, $0xF;
	v22 =	vmul.f32 v42, v55;
	v48, _, _ =	vpop (xrf2)  }
0x17c: {  	v17 =	vsub.f32 v18, v17;
	(xrf2) =	vadd.scan.msk.f32 $0xffff, v44;
	v49 =	vbroadcast v46, $0xF;
	v24 =	vmul.f32 v45, v32;
	v50, _, _ =	vpop (xrf2)  }
0x17d: {  	(xrf2) =	vadd.scan.msk.f32 $0xffff, v22;
	v18 =	vbroadcast v48, $0xF;
	v52, _, _ =	vpop (xrf2)  }
0x17e: {  	v17 =	vmul.f32 v17, v19;
	v20 =	vsel vm0, v47, v49;
	v51 =	vbroadcast v50, $0xF;
	(xrf2) =	vadd.scan.msk.f32 $0xffff, v24;
	v53, _, _ =	vpop (xrf2)  }
0x17f: {  	v18 =	vsel vm1, v20, v18;
	v54 =	vbroadcast v52, $0xF;
	v19, _, _ =	vpop (xrf2)  }
0x180: {  	v18 =	vsel vm2, v18, v51;
	v55 =	vbroadcast v53, $0xF;
	v19 =	vbroadcast v19, $0xF  }
0x181: {  	v18 =	vsel vm3, v18, v54;
	v56, _, _ =	vpop (xrf2)  }
0x182: {  	(xrf2) =	vadd.scan.msk.f32 $0xffff, v17;
	v17, _, _ =	vpop (xrf2);
	v18 =	vsel vm4, v18, v55;
	v20 =	vbroadcast v56, $0xF  }
0x183: {  	v57, _, _ =	vpop (xrf2);
	v18 =	vsel vm5, v18, v19;
	v17 =	vbroadcast v17, $0xF  }
0x184: {  	v18 =	vsel vm6, v18, v20;
	v58 =	vbroadcast v57, $0xF;
	v19, _, _ =	vpop (xrf2)  }
0x185: {  	v17 =	vsel vm7, v18, v17;
	v59, _, _ =	vpop (xrf2);
	v18 =	vbroadcast v19, $0xF  }
0x186: {  	v17 =	vsel vm8, v17, v58;
	v19, _, _ =	vpop (xrf2);
	v60 =	vbroadcast v59, $0xF  }
0x187: {  	v61, _, _ =	vpop (xrf2);
	v17 =	vsel vm9, v17, v18;
	v18 =	vbroadcast v19, $0xF  }
0x188: {  	v19, _, _ =	vpop (xrf2);
	v17 =	vsel vm10, v17, v60  }
0x189: {  	v17 =	vsel vm11, v17, v18;
	v18 =	vbroadcast v19, $0xF  }
0x18a: {  	v62 =	vbroadcast v61, $0xF;
	_ =	sdelay $0x1  }
0x18b: {  	v17 =	vsel vm12, v17, v62  }
0x18c: {  	v17 =	vsel vm13, v17, v18;
	v18, _, _ =	vpop (xrf2)  }
0x18d: {  	v17 =	vsel vm14, v17, v18  }
0x18e: {  	v18 =	vand.u32 $0x7FFFFFFF, v17  }
0x18f: {  	v18 =	vsub.f32 $0.0e+00, v18;
	_ =	sdelay $0x1  }
0x190: {  	v18 =	vmul.f32 $1.442695020e+00, v18;
	_ =	sdelay $0x1  }
0x191: {  	(erf) = vpow2.f32 v18;
	_ =	sdelay $0x8  }
0x192: {  	v18 =	vpop (erf)  }
0x193: {  	v19 =	vadd.f32 $2.000000000e+00, v18;
	_ =	sdelay $0x1  }
0x194: {  	(erf) = vrcp.f32 v19;
	_ =	sdelay $0x8  }
0x195: {  	v19 =	vpop (erf)  }
0x196: {  	v18 =	vmul.f32 v19, v18;
	_ =	sdelay $0x1  }
0x197: {  	v19 =	vmul.f32 v18, v18;
	_ =	sdelay $0x1  }
0x198: {  	v63 =	vmul.f32 $1.111111120e-01, v19;
	_ =	sdelay $0x1  }
0x199: {  	v20 =	vadd.f32 $1.428571490e-01, v63;
	_ =	sdelay $0x1  }
0x19a: {  	v20 =	vmul.f32 v20, v19;
	_ =	sdelay $0x1  }
0x19b: {  	v20 =	vadd.f32 $2.000000030e-01, v20;
	_ =	sdelay $0x1  }
0x19c: {  	v20 =	vmul.f32 v20, v19;
	_ =	sdelay $0x1  }
0x19d: {  	v20 =	vadd.f32 $3.333333430e-01, v20;
	_ =	sdelay $0x1  }
0x19e: {  	v19 =	vmul.f32 v20, v19;
	_ =	sdelay $0x1  }
0x19f: {  	v18 =	vadd.f32 v18, v18;
	v19 =	vadd.f32 $1.000000000e+00, v19  }
0x1a0: {  	p0 =	sne.s32 s19, $0x7C0;
	v17 =	vsub.f32 $0.0e+00, v17  }
.Ltmp0:
0x1a1: {  	v18 =	vmul.f32 v19, v18;
	(pc) =	sbr.rel @p0 .LBB2_2-.Ltmp0, $3  }
0x1a2: {  	v17 =	vmax.f32 v17, $0.0e+00  }
0x1a3: {  	v17 =	vadd.f32 v18, v17;
	_ =	sdelay $0x1  }
0x1a4: {  	s19 =	sadd.s32 $0x40, s19;
	v16 =	vadd.f32 v17, v16  }
0x1a5: {  	s18 =	sadd.s32 $0x1, s18  }
0x1a6: {  	p0 =	sne.s32 s18, s8  }
.Ltmp1:
0x1a7: {  	[tilespmem:$0x18600] =	vst v16;
	(pc) =	sbr.rel @p0 .LBB2_1-.Ltmp1, $4  }
0x1a8: {  	[hbm4b:s7+s2] =	stream.linear.scatter [tilespmem:s17], [sflag:$0x2], $0x80, $0x38;
	[tilespmem:$0x18680] =	vst v63  }
0x1a9: {  	_ =	swait.ge [sflag:s9], $0x80  }
0x1aa: {  	[sflag:s9] =	ssyncset.done $0x0  }
0x1ab: {  	[sflag:s9] =	ssyncadd.s32 $0xFFFFFF80  }
0x1ac: {  	_ =	sfence.sel $0x180000  }
0x1ad: {  	[bflag:$0x0] =	sbarrier.arrive $0xFFFF  }
0x1ae: {  	p0 =	sne.s32 s3, $0x0;
	_ =	strace $0x90000047  }
0x1af: {  	s0 =	sadd.s32 @!p0 $0x100000, s0;
	[bflag:$0x2] =	sbarrier.arrive $0xFFFF  }
0x1b0: {  	[sflag:s0] =	ssyncadd.tile.s32 @!p0 $0x1;
	_ =	shalt  }
.Lfunc_end2:
_tile_overlayer_lowered:
.L_overlay_start_2:
0x1b1: {  	(tag) =	ssettag $0x2  }
0x1b2: {  	s0 =	rddreg [dreg:$0x0];
	s2 =	stileid.u32  }
0x1b3: {  	s1 =	rddreg [dreg:$0x1];
	p0 =	sne.s32 s2, $0x0  }
0x1b4: {  	s3 =	rddreg [dreg:$0x2];
	[bflag:$0x3] =	sbarrier.arrive $0xFFFF;
	s2 =	simm.s32 @!p0 $0x1C02  }
0x1b5: {  	[timem:s3], [sflag:s2] =	dma.local @!p0 [hbm:s0], s1  }
0x1b6: {  	s0 =	simm.s32 @!p0 $0x2  }
0x1b7: {  	_ =	swait.ge @!p0 [sflag:s0], s1  }
0x1b8: {  	s1 =	ssub.s32 @!p0 $0x0, s1;
	[sflag:s0] =	ssyncset.done @!p0 $0x0  }
0x1b9: {  	[sflag:s0] =	ssyncadd.s32 @!p0 s1  }
0x1ba: {  	[bflag:$0x3] =	sbarrier.arrive $0xFFFF  }
0x1bb: {  	_ =	shalt  }

</sc_bundles>
